<compile_context>
chip_gen: v7x
topology: tpu7x:2x2x1
jax: 0.10.2.dev20260603
libtpu: 0.0.44.dev20260713+nightly
codegen_flags: <defaults>
</compile_context>

<pallas_src>
import functools

import jax
import jax.numpy as jnp
from jax import lax
from jax.experimental import pallas as pl
from jax.experimental.pallas import tpu as pltpu
from jax.experimental.pallas import tpu_sc as plsc

N = 10000
E = 320000
D_IN = 128
H = 64

NC = 2
NS = 16
NW = NC * NS
L = 16

CH = 128
EC = E // CH
CPT = 80
CPT_LAST = EC - 31 * CPT
NR = 10240
RPT = NR // NS
IPT = N // NS - 16

BR = N

_mesh = plsc.VectorSubcoreMesh(core_axis_name="c", subcore_axis_name="s")
_sc_params = pltpu.CompilerParams(use_tc_tiling_on_sc=False)


@functools.partial(
    pl.kernel,
    out_type=jax.ShapeDtypeStruct((NC, NR, L), jnp.float32),
    mesh=_mesh,
    compiler_params=_sc_params,
    scratch_types=[
        pltpu.VMEM((CPT, CH), jnp.int32),
        pltpu.VMEM((RPT, L), jnp.float32),
        [pltpu.SemaphoreType.DMA for _ in range(4)],
        pltpu.VMEM_SHARED((NR, L), jnp.float32),
    ],
)
def _hist_kernel(dst_hbm, out_hbm, dstv, buf, hsems, sdeg):
    c = lax.axis_index("c")
    s = lax.axis_index("s")
    w = s * NC + c
    nch = jnp.where(w == NW - 1, CPT_LAST, CPT)

    @pl.when(w < NW - 1)
    def _():
        pltpu.sync_copy(dst_hbm.at[pl.ds(w * CPT, CPT)], dstv)

    @pl.when(w == NW - 1)
    def _():
        pltpu.sync_copy(dst_hbm.at[pl.ds(w * CPT, CPT_LAST)], dstv.at[pl.ds(0, CPT_LAST)])

    zero = jnp.zeros((L,), jnp.float32)

    @pl.loop(0, RPT)
    def _zero(i):
        buf[i, pl.ds(0, L)] = zero

    base = s * RPT
    pltpu.sync_copy(buf, sdeg.at[pl.ds(base, RPT)])

    ones = jnp.full((L,), 1.0, jnp.float32)

    @pl.loop(0, CH)
    def _one(i):
        buf[i, pl.ds(0, L)] = ones

    plsc.subcore_barrier()

    @pl.loop(0, nch // 4)
    def _chunkgrp(q):
        j = q * 4
        for r in range(4):
            @pl.when(q > 0)
            def _():
                pltpu.make_async_copy(buf.at[pl.ds(0, CH)], sdeg.at[dstv.at[0]], hsems[r]).wait()

            pltpu.async_copy(buf.at[pl.ds(0, CH)], sdeg.at[dstv.at[j + r]], hsems[r], add=True)

    for r in range(4):
        pltpu.make_async_copy(buf.at[pl.ds(0, CH)], sdeg.at[dstv.at[0]], hsems[r]).wait()

    plsc.subcore_barrier()
    pltpu.sync_copy(sdeg.at[pl.ds(base, RPT)], out_hbm.at[c].at[pl.ds(base, RPT)])


@functools.partial(
    pl.kernel,
    out_type=jax.ShapeDtypeStruct((NC, NR, H), jnp.float32),
    mesh=_mesh,
    compiler_params=_sc_params,
    scratch_types=[
        pltpu.VMEM((CPT, CH), jnp.int32),
        pltpu.VMEM((CPT, CH), jnp.int32),
        [pltpu.VMEM((CH, H), jnp.float32) for _ in range(4)],
        [pltpu.SemaphoreType.DMA for _ in range(4)],
        [pltpu.SemaphoreType.DMA for _ in range(4)],
        pltpu.VMEM_SHARED((NR, H), jnp.float32),
    ],
)
def _scatter_kernel(g_hbm, src_hbm, dst_hbm, out_hbm, srcv, dstv, bufs, gsems, ssems, acc):
    c = lax.axis_index("c")
    s = lax.axis_index("s")
    w = s * NC + c

    @pl.when(w < NW - 1)
    def _():
        pltpu.sync_copy(src_hbm.at[pl.ds(w * CPT, CPT)], srcv)
        pltpu.sync_copy(dst_hbm.at[pl.ds(w * CPT, CPT)], dstv)

    @pl.when(w == NW - 1)
    def _():
        pltpu.sync_copy(src_hbm.at[pl.ds(w * CPT, CPT_LAST)], srcv.at[pl.ds(0, CPT_LAST)])
        pltpu.sync_copy(dst_hbm.at[pl.ds(w * CPT, CPT_LAST)], dstv.at[pl.ds(0, CPT_LAST)])

    ibase = s * IPT
    pltpu.sync_copy(g_hbm.at[pl.ds(ibase, IPT)], acc.at[pl.ds(ibase, IPT)])

    @pl.when(s == NS - 1)
    def _():
        pltpu.sync_copy(g_hbm.at[pl.ds(NS * IPT, N - NS * IPT)],
                        acc.at[pl.ds(NS * IPT, N - NS * IPT)])

    plsc.subcore_barrier()

    def _ring(nck, R):
        for r in range(R - 1):
            pltpu.async_copy(g_hbm.at[srcv.at[r]], bufs[r], gsems[r])

        @pl.loop(0, nck // R)
        def _edge_chunk(q):
            j = q * R
            for r in range(R):
                jj = j + r
                bp = (r + R - 1) % R

                @pl.when(jj + R - 1 < nck)
                def _():
                    @pl.when(jj >= 1)
                    def _():
                        pltpu.make_async_copy(bufs[bp], acc.at[dstv.at[0]], ssems[bp]).wait()

                    pltpu.async_copy(g_hbm.at[srcv.at[jj + R - 1]], bufs[bp], gsems[bp])

                pltpu.make_async_copy(g_hbm.at[srcv.at[0]], bufs[r], gsems[r]).wait()
                pltpu.async_copy(bufs[r], acc.at[dstv.at[jj]], ssems[r], add=True)

        for r in range(R):
            pltpu.make_async_copy(bufs[r], acc.at[dstv.at[0]], ssems[r]).wait()

    @pl.when(w < NW - 1)
    def _():
        _ring(CPT, 4)

    @pl.when(w == NW - 1)
    def _():
        _ring(CPT_LAST, 4)

    plsc.subcore_barrier()
    base = s * RPT
    pltpu.sync_copy(acc.at[pl.ds(base, RPT)], out_hbm.at[c].at[pl.ds(base, RPT)])


def _mm1_body(deg_ref, x_ref, w_ref, g_ref, dinv_ref):
    deg = deg_ref[0, :, 0:1] + deg_ref[1, :, 0:1] + 1.0
    dinv = lax.rsqrt(jnp.maximum(deg, 1.0))
    dinv_ref[...] = dinv
    g_ref[...] = jnp.dot(x_ref[...] * dinv, w_ref[...], preferred_element_type=jnp.float32)


def _mm2_body(p_ref, g_ref, dinv_ref, b_ref, w_ref, o_ref):
    dinv = dinv_ref[...]
    t = (p_ref[0] + p_ref[1] - g_ref[...]) * dinv + b_ref[...]
    h = jnp.maximum(t, 0.0)
    o_ref[...] = jnp.dot(h * dinv, w_ref[...], preferred_element_type=jnp.float32)


def _head_body(p_ref, g_ref, dinv_ref, b_ref, wq_ref, bq_ref, o_ref):
    dinv = dinv_ref[...]
    t = (p_ref[0] + p_ref[1] - g_ref[...]) * dinv + b_ref[...]
    h = jnp.maximum(t, 0.0)
    o_ref[...] = jnp.dot(h, wq_ref[...], preferred_element_type=jnp.float32) + bq_ref[...]


def _row_spec(cols):
    return pl.BlockSpec((BR, cols), lambda i: (i, 0))


def _pair_spec(cols):
    return pl.BlockSpec((2, BR, cols), lambda i: (0, i, 0))


def _full_spec(rows, cols):
    return pl.BlockSpec((rows, cols), lambda i: (0, 0))


_mm1_call = pl.pallas_call(
    _mm1_body,
    grid=(N // BR,),
    in_specs=[_pair_spec(L), _row_spec(D_IN), _full_spec(D_IN, H)],
    out_specs=[_row_spec(H), _row_spec(1)],
    out_shape=[
        jax.ShapeDtypeStruct((N, H), jnp.float32),
        jax.ShapeDtypeStruct((N, 1), jnp.float32),
    ],
)

_mm2_call = pl.pallas_call(
    _mm2_body,
    grid=(N // BR,),
    in_specs=[
        _pair_spec(H), _row_spec(H), _row_spec(1),
        _full_spec(1, H), _full_spec(H, H),
    ],
    out_specs=_row_spec(H),
    out_shape=jax.ShapeDtypeStruct((N, H), jnp.float32),
)

_head_call = pl.pallas_call(
    _head_body,
    grid=(N // BR,),
    in_specs=[
        _pair_spec(H), _row_spec(H), _row_spec(1),
        _full_spec(1, H), _full_spec(H, 1), _full_spec(1, 1),
    ],
    out_specs=_row_spec(1),
    out_shape=jax.ShapeDtypeStruct((N, 1), jnp.float32),
)


def kernel(x, edge_index, W1, b1, W2, b2, Wq, bq):
    src2d = edge_index[0].astype(jnp.int32).reshape(EC, CH)
    dst2d = edge_index[1].astype(jnp.int32).reshape(EC, CH)

    deg = _hist_kernel(dst2d)
    g1, dinv = _mm1_call(deg, x, W1)
    p = _scatter_kernel(g1, src2d, dst2d)
    g2 = _mm2_call(p, g1, dinv, b1.reshape(1, H), W2)
    p2 = _scatter_kernel(g2, src2d, dst2d)
    q = _head_call(p2, g2, dinv, b2.reshape(1, H), Wq, bq.reshape(1, 1))
    return q[:, 0]

# --- scband reference (transcript-rebuilt; emitter-appended) ---
"""Pipeline reference for scband-gcn-qnetwork-25220047962194 (READ-ONLY COPY).

The authoritative reference and input builder live on the scoring server;
editing this copy changes nothing except your own understanding.
"""

import jax, jax.numpy as jnp
import numpy as np

N = 10000
E = 320000
D_IN = 128
H = 64


def gcn_conv(x, edge_index, W, b):
    # PyG GCNConv: add self-loops, symmetric normalization, linear transform, sum-aggregate, bias
    src = edge_index[0]
    dst = edge_index[1]
    loop = jnp.arange(N, dtype=src.dtype)
    src = jnp.concatenate([src, loop])
    dst = jnp.concatenate([dst, loop])
    deg = jax.ops.segment_sum(jnp.ones(src.shape[0], dtype=x.dtype), dst, num_segments=N)
    dinv = jax.lax.rsqrt(jnp.maximum(deg, 1.0))
    norm = dinv[src] * dinv[dst]
    h = x @ W
    msg = h[src] * norm[:, None]
    out = jax.ops.segment_sum(msg, dst, num_segments=N)
    return out + b


def setup_inputs(seed: int = 0) -> dict:
    key = jax.random.key(seed)
    ks = jax.random.split(key, 8)
    x = jax.random.normal(ks[0], (N, D_IN), dtype=jnp.float32)
    edge_index = jax.random.randint(ks[1], (2, E), 0, N)
    W1 = jax.random.normal(ks[2], (D_IN, H), dtype=jnp.float32) * (1.0 / np.sqrt(D_IN))
    b1 = jnp.zeros((H,), dtype=jnp.float32)
    W2 = jax.random.normal(ks[3], (H, H), dtype=jnp.float32) * (1.0 / np.sqrt(H))
    b2 = jnp.zeros((H,), dtype=jnp.float32)
    Wq = jax.random.normal(ks[4], (H, 1), dtype=jnp.float32) * (1.0 / np.sqrt(H))
    bq = jnp.zeros((1,), dtype=jnp.float32)
    return {"x": x, "edge_index": edge_index, "W1": W1, "b1": b1, "W2": W2, "b2": b2, "Wq": Wq, "bq": bq}


def reference(x, edge_index, W1, b1, W2, b2, Wq, bq):
    h = jax.nn.relu(gcn_conv(x, edge_index, W1, b1))
    h = jax.nn.relu(gcn_conv(h, edge_index, W2, b2))
    q = h @ Wq + bq
    return q.squeeze(-1)

if __name__ == "__main__":
    import jax
    _d = setup_inputs()
    print(jax.jit(kernel)(*tuple(_d.values())))

</pallas_src>

<mosaic_0001>
#map = affine_map<(d0, d1) -> (0, 0)>
#map1 = affine_map<(d0, d1) -> (0, 0, 0)>
module attributes {stable_mosaic.version = 14 : i64} {
  func.func @_scatter_kernel(%arg0: i32, %arg1: i32, %arg2: memref<10000x64xf32, #tpu.memory_space<hbm>>, %arg3: memref<2500x128xi32, #tpu.memory_space<hbm>>, %arg4: memref<2500x128xi32, #tpu.memory_space<hbm>>, %arg5: memref<2x10240x64xf32, #tpu.memory_space<hbm>>, %arg6: memref<80x128xi32, #tpu.memory_space<vmem>>, %arg7: memref<80x128xi32, #tpu.memory_space<vmem>>, %arg8: memref<128x64xf32, #tpu.memory_space<vmem>>, %arg9: memref<128x64xf32, #tpu.memory_space<vmem>>, %arg10: memref<128x64xf32, #tpu.memory_space<vmem>>, %arg11: memref<128x64xf32, #tpu.memory_space<vmem>>, %arg12: memref<!tpu.dma_semaphore, #tpu.memory_space<semaphore_mem>>, %arg13: memref<!tpu.dma_semaphore, #tpu.memory_space<semaphore_mem>>, %arg14: memref<!tpu.dma_semaphore, #tpu.memory_space<semaphore_mem>>, %arg15: memref<!tpu.dma_semaphore, #tpu.memory_space<semaphore_mem>>, %arg16: memref<!tpu.dma_semaphore, #tpu.memory_space<semaphore_mem>>, %arg17: memref<!tpu.dma_semaphore, #tpu.memory_space<semaphore_mem>>, %arg18: memref<!tpu.dma_semaphore, #tpu.memory_space<semaphore_mem>>, %arg19: memref<!tpu.dma_semaphore, #tpu.memory_space<semaphore_mem>>, %arg20: memref<10240x64xf32, #tpu.memory_space<vmem_shared>>) attributes {dimension_semantics = [#tpu.dimension_semantics<core_parallel>, #tpu.dimension_semantics<subcore_parallel>], iteration_bounds = array<i64: 2, 16>, scalar_prefetch = 0 : i64, scratch_operands = 15 : i64, tpu.core_type = #tpu.core_type<sc_vector_subcore>, window_params = [{transform_indices = #map}, {transform_indices = #map}, {transform_indices = #map}, {transform_indices = #map1}]} {
    %mul3A = arith.constant 2 : i32
    %mul3A_0 = arith.muli %arg1, %mul3A : i32
    %add3A = arith.addi %mul3A_0, %arg0 : i32
    %lt3A = arith.constant 31 : i32
    %lt3A_1 = arith.cmpi slt, %add3A, %lt3A : i32
    %convert_element_type3A = arith.extui %lt3A_1 : i1 to i32
    %cond3A = arith.constant 0 : i32
    %cond3A_2 = arith.cmpi ne, %convert_element_type3A, %cond3A : i32
    scf.if %cond3A_2 {
      %mul3A_27 = arith.constant 80 : i32
      %mul3A_28 = arith.muli %add3A, %mul3A_27 : i32
      "tpu.region"() ({
        %run_scoped3A = tpu.sem_alloc : memref<!tpu.dma_semaphore, #tpu.memory_space<semaphore_mem>>
        %dma_start3A = arith.constant 0 : i32
        %dma_start3A_31 = tpu.memref_slice %arg3[%mul3A_28, %dma_start3A] : memref<2500x128xi32, #tpu.memory_space<hbm>> -> memref<80x128xi32, #tpu.memory_space<hbm>>
        %dma_start3A_32 = arith.constant 0 : i32
        %dma_start3A_33 = tpu.memref_slice %arg3[%mul3A_28, %dma_start3A_32] : memref<2500x128xi32, #tpu.memory_space<hbm>> -> memref<80x128xi32, #tpu.memory_space<hbm>>
        tpu.enqueue_dma source(%dma_start3A_33 : memref<80x128xi32, #tpu.memory_space<hbm>>) target(%arg6 : memref<80x128xi32, #tpu.memory_space<vmem>>) target_semaphore(%run_scoped3A : memref<!tpu.dma_semaphore, #tpu.memory_space<semaphore_mem>>)
        %dma_wait3A = arith.constant 0 : i32
        %dma_wait3A_34 = tpu.memref_slice %arg3[%mul3A_28, %dma_wait3A] : memref<2500x128xi32, #tpu.memory_space<hbm>> -> memref<80x128xi32, #tpu.memory_space<hbm>>
        %dma_wait3A_35 = arith.constant 0 : i32
        %dma_wait3A_36 = tpu.memref_slice %arg3[%mul3A_28, %dma_wait3A_35] : memref<2500x128xi32, #tpu.memory_space<hbm>> -> memref<80x128xi32, #tpu.memory_space<hbm>>
        tpu.wait_dma2 semaphore(%run_scoped3A : memref<!tpu.dma_semaphore, #tpu.memory_space<semaphore_mem>>) src(%dma_wait3A_36 : memref<80x128xi32, #tpu.memory_space<hbm>>) dst(%arg6 : memref<80x128xi32, #tpu.memory_space<vmem>>)
        tpu.yield
      }) : () -> ()
      %mul3A_29 = arith.constant 80 : i32
      %mul3A_30 = arith.muli %add3A, %mul3A_29 : i32
      "tpu.region"() ({
        %run_scoped3A = tpu.sem_alloc : memref<!tpu.dma_semaphore, #tpu.memory_space<semaphore_mem>>
        %dma_start3A = arith.constant 0 : i32
        %dma_start3A_31 = tpu.memref_slice %arg4[%mul3A_30, %dma_start3A] : memref<2500x128xi32, #tpu.memory_space<hbm>> -> memref<80x128xi32, #tpu.memory_space<hbm>>
        %dma_start3A_32 = arith.constant 0 : i32
        %dma_start3A_33 = tpu.memref_slice %arg4[%mul3A_30, %dma_start3A_32] : memref<2500x128xi32, #tpu.memory_space<hbm>> -> memref<80x128xi32, #tpu.memory_space<hbm>>
        tpu.enqueue_dma source(%dma_start3A_33 : memref<80x128xi32, #tpu.memory_space<hbm>>) target(%arg7 : memref<80x128xi32, #tpu.memory_space<vmem>>) target_semaphore(%run_scoped3A : memref<!tpu.dma_semaphore, #tpu.memory_space<semaphore_mem>>)
        %dma_wait3A = arith.constant 0 : i32
        %dma_wait3A_34 = tpu.memref_slice %arg4[%mul3A_30, %dma_wait3A] : memref<2500x128xi32, #tpu.memory_space<hbm>> -> memref<80x128xi32, #tpu.memory_space<hbm>>
        %dma_wait3A_35 = arith.constant 0 : i32
        %dma_wait3A_36 = tpu.memref_slice %arg4[%mul3A_30, %dma_wait3A_35] : memref<2500x128xi32, #tpu.memory_space<hbm>> -> memref<80x128xi32, #tpu.memory_space<hbm>>
        tpu.wait_dma2 semaphore(%run_scoped3A : memref<!tpu.dma_semaphore, #tpu.memory_space<semaphore_mem>>) src(%dma_wait3A_36 : memref<80x128xi32, #tpu.memory_space<hbm>>) dst(%arg7 : memref<80x128xi32, #tpu.memory_space<vmem>>)
        tpu.yield
      }) : () -> ()
    } else {
    }
    %eq3A = arith.constant 31 : i32
    %eq3A_3 = arith.cmpi eq, %add3A, %eq3A : i32
    %convert_element_type3A_4 = arith.extui %eq3A_3 : i1 to i32
    %cond3A_5 = arith.constant 0 : i32
    %cond3A_6 = arith.cmpi ne, %convert_element_type3A_4, %cond3A_5 : i32
    scf.if %cond3A_6 {
      %mul3A_27 = arith.constant 80 : i32
      %mul3A_28 = arith.muli %add3A, %mul3A_27 : i32
      "tpu.region"() ({
        %run_scoped3A = tpu.sem_alloc : memref<!tpu.dma_semaphore, #tpu.memory_space<semaphore_mem>>
        %dma_start3A = arith.constant 0 : i32
        %dma_start3A_31 = arith.constant 0 : i32
        %dma_start3A_32 = tpu.memref_slice %arg6[%dma_start3A, %dma_start3A_31] : memref<80x128xi32, #tpu.memory_space<vmem>> -> memref<20x128xi32, #tpu.memory_space<vmem>>
        %dma_start3A_33 = arith.constant 0 : i32
        %dma_start3A_34 = tpu.memref_slice %arg3[%mul3A_28, %dma_start3A_33] : memref<2500x128xi32, #tpu.memory_space<hbm>> -> memref<20x128xi32, #tpu.memory_space<hbm>>
        %dma_start3A_35 = arith.constant 0 : i32
        %dma_start3A_36 = arith.constant 0 : i32
        %dma_start3A_37 = tpu.memref_slice %arg6[%dma_start3A_35, %dma_start3A_36] : memref<80x128xi32, #tpu.memory_space<vmem>> -> memref<20x128xi32, #tpu.memory_space<vmem>>
        %dma_start3A_38 = arith.constant 0 : i32
        %dma_start3A_39 = tpu.memref_slice %arg3[%mul3A_28, %dma_start3A_38] : memref<2500x128xi32, #tpu.memory_space<hbm>> -> memref<20x128xi32, #tpu.memory_space<hbm>>
        tpu.enqueue_dma source(%dma_start3A_39 : memref<20x128xi32, #tpu.memory_space<hbm>>) target(%dma_start3A_37 : memref<20x128xi32, #tpu.memory_space<vmem>>) target_semaphore(%run_scoped3A : memref<!tpu.dma_semaphore, #tpu.memory_space<semaphore_mem>>)
        %dma_wait3A = arith.constant 0 : i32
        %dma_wait3A_40 = arith.constant 0 : i32
        %dma_wait3A_41 = tpu.memref_slice %arg6[%dma_wait3A, %dma_wait3A_40] : memref<80x128xi32, #tpu.memory_space<vmem>> -> memref<20x128xi32, #tpu.memory_space<vmem>>
        %dma_wait3A_42 = arith.constant 0 : i32
        %dma_wait3A_43 = tpu.memref_slice %arg3[%mul3A_28, %dma_wait3A_42] : memref<2500x128xi32, #tpu.memory_space<hbm>> -> memref<20x128xi32, #tpu.memory_space<hbm>>
        %dma_wait3A_44 = arith.constant 0 : i32
        %dma_wait3A_45 = arith.constant 0 : i32
        %dma_wait3A_46 = tpu.memref_slice %arg6[%dma_wait3A_44, %dma_wait3A_45] : memref<80x128xi32, #tpu.memory_space<vmem>> -> memref<20x128xi32, #tpu.memory_space<vmem>>
        %dma_wait3A_47 = arith.constant 0 : i32
        %dma_wait3A_48 = tpu.memref_slice %arg3[%mul3A_28, %dma_wait3A_47] : memref<2500x128xi32, #tpu.memory_space<hbm>> -> memref<20x128xi32, #tpu.memory_space<hbm>>
        tpu.wait_dma2 semaphore(%run_scoped3A : memref<!tpu.dma_semaphore, #tpu.memory_space<semaphore_mem>>) src(%dma_wait3A_48 : memref<20x128xi32, #tpu.memory_space<hbm>>) dst(%dma_wait3A_46 : memref<20x128xi32, #tpu.memory_space<vmem>>)
        tpu.yield
      }) : () -> ()
      %mul3A_29 = arith.constant 80 : i32
      %mul3A_30 = arith.muli %add3A, %mul3A_29 : i32
      "tpu.region"() ({
        %run_scoped3A = tpu.sem_alloc : memref<!tpu.dma_semaphore, #tpu.memory_space<semaphore_mem>>
        %dma_start3A = arith.constant 0 : i32
        %dma_start3A_31 = arith.constant 0 : i32
        %dma_start3A_32 = tpu.memref_slice %arg7[%dma_start3A, %dma_start3A_31] : memref<80x128xi32, #tpu.memory_space<vmem>> -> memref<20x128xi32, #tpu.memory_space<vmem>>
        %dma_start3A_33 = arith.constant 0 : i32
        %dma_start3A_34 = tpu.memref_slice %arg4[%mul3A_30, %dma_start3A_33] : memref<2500x128xi32, #tpu.memory_space<hbm>> -> memref<20x128xi32, #tpu.memory_space<hbm>>
        %dma_start3A_35 = arith.constant 0 : i32
        %dma_start3A_36 = arith.constant 0 : i32
        %dma_start3A_37 = tpu.memref_slice %arg7[%dma_start3A_35, %dma_start3A_36] : memref<80x128xi32, #tpu.memory_space<vmem>> -> memref<20x128xi32, #tpu.memory_space<vmem>>
        %dma_start3A_38 = arith.constant 0 : i32
        %dma_start3A_39 = tpu.memref_slice %arg4[%mul3A_30, %dma_start3A_38] : memref<2500x128xi32, #tpu.memory_space<hbm>> -> memref<20x128xi32, #tpu.memory_space<hbm>>
        tpu.enqueue_dma source(%dma_start3A_39 : memref<20x128xi32, #tpu.memory_space<hbm>>) target(%dma_start3A_37 : memref<20x128xi32, #tpu.memory_space<vmem>>) target_semaphore(%run_scoped3A : memref<!tpu.dma_semaphore, #tpu.memory_space<semaphore_mem>>)
        %dma_wait3A = arith.constant 0 : i32
        %dma_wait3A_40 = arith.constant 0 : i32
        %dma_wait3A_41 = tpu.memref_slice %arg7[%dma_wait3A, %dma_wait3A_40] : memref<80x128xi32, #tpu.memory_space<vmem>> -> memref<20x128xi32, #tpu.memory_space<vmem>>
        %dma_wait3A_42 = arith.constant 0 : i32
        %dma_wait3A_43 = tpu.memref_slice %arg4[%mul3A_30, %dma_wait3A_42] : memref<2500x128xi32, #tpu.memory_space<hbm>> -> memref<20x128xi32, #tpu.memory_space<hbm>>
        %dma_wait3A_44 = arith.constant 0 : i32
        %dma_wait3A_45 = arith.constant 0 : i32
        %dma_wait3A_46 = tpu.memref_slice %arg7[%dma_wait3A_44, %dma_wait3A_45] : memref<80x128xi32, #tpu.memory_space<vmem>> -> memref<20x128xi32, #tpu.memory_space<vmem>>
        %dma_wait3A_47 = arith.constant 0 : i32
        %dma_wait3A_48 = tpu.memref_slice %arg4[%mul3A_30, %dma_wait3A_47] : memref<2500x128xi32, #tpu.memory_space<hbm>> -> memref<20x128xi32, #tpu.memory_space<hbm>>
        tpu.wait_dma2 semaphore(%run_scoped3A : memref<!tpu.dma_semaphore, #tpu.memory_space<semaphore_mem>>) src(%dma_wait3A_48 : memref<20x128xi32, #tpu.memory_space<hbm>>) dst(%dma_wait3A_46 : memref<20x128xi32, #tpu.memory_space<vmem>>)
        tpu.yield
      }) : () -> ()
    } else {
    }
    %mul3A_7 = arith.constant 609 : i32
    %mul3A_8 = arith.muli %arg1, %mul3A_7 : i32
    "tpu.region"() ({
      %run_scoped3A = tpu.sem_alloc : memref<!tpu.dma_semaphore, #tpu.memory_space<semaphore_mem>>
      %dma_start3A = arith.constant 0 : i32
      %dma_start3A_27 = tpu.memref_slice %arg20[%mul3A_8, %dma_start3A] : memref<10240x64xf32, #tpu.memory_space<vmem_shared>> -> memref<609x64xf32, #tpu.memory_space<vmem_shared>>
      %dma_start3A_28 = arith.constant 0 : i32
      %dma_start3A_29 = tpu.memref_slice %arg2[%mul3A_8, %dma_start3A_28] : memref<10000x64xf32, #tpu.memory_space<hbm>> -> memref<609x64xf32, #tpu.memory_space<hbm>>
      tpu.enqueue_dma source(%dma_start3A_29 : memref<609x64xf32, #tpu.memory_space<hbm>>) target(%dma_start3A_27 : memref<609x64xf32, #tpu.memory_space<vmem_shared>>) target_semaphore(%run_scoped3A : memref<!tpu.dma_semaphore, #tpu.memory_space<semaphore_mem>>)
      %dma_wait3A = arith.constant 0 : i32
      %dma_wait3A_30 = tpu.memref_slice %arg20[%mul3A_8, %dma_wait3A] : memref<10240x64xf32, #tpu.memory_space<vmem_shared>> -> memref<609x64xf32, #tpu.memory_space<vmem_shared>>
      %dma_wait3A_31 = arith.constant 0 : i32
      %dma_wait3A_32 = tpu.memref_slice %arg2[%mul3A_8, %dma_wait3A_31] : memref<10000x64xf32, #tpu.memory_space<hbm>> -> memref<609x64xf32, #tpu.memory_space<hbm>>
      tpu.wait_dma2 semaphore(%run_scoped3A : memref<!tpu.dma_semaphore, #tpu.memory_space<semaphore_mem>>) src(%dma_wait3A_32 : memref<609x64xf32, #tpu.memory_space<hbm>>) dst(%dma_wait3A_30 : memref<609x64xf32, #tpu.memory_space<vmem_shared>>)
      tpu.yield
    }) : () -> ()
    %eq3A_9 = arith.constant 15 : i32
    %eq3A_10 = arith.cmpi eq, %arg1, %eq3A_9 : i32
    %convert_element_type3A_11 = arith.extui %eq3A_10 : i1 to i32
    %cond3A_12 = arith.constant 0 : i32
    %cond3A_13 = arith.cmpi ne, %convert_element_type3A_11, %cond3A_12 : i32
    scf.if %cond3A_13 {
      "tpu.region"() ({
        %run_scoped3A = tpu.sem_alloc : memref<!tpu.dma_semaphore, #tpu.memory_space<semaphore_mem>>
        %dma_start3A = arith.constant 9744 : i32
        %dma_start3A_27 = arith.constant 0 : i32
        %dma_start3A_28 = tpu.memref_slice %arg20[%dma_start3A, %dma_start3A_27] : memref<10240x64xf32, #tpu.memory_space<vmem_shared>> -> memref<256x64xf32, #tpu.memory_space<vmem_shared>>
        %dma_start3A_29 = arith.constant 9744 : i32
        %dma_start3A_30 = arith.constant 0 : i32
        %dma_start3A_31 = tpu.memref_slice %arg2[%dma_start3A_29, %dma_start3A_30] : memref<10000x64xf32, #tpu.memory_space<hbm>> -> memref<256x64xf32, #tpu.memory_space<hbm>>
        tpu.enqueue_dma source(%dma_start3A_31 : memref<256x64xf32, #tpu.memory_space<hbm>>) target(%dma_start3A_28 : memref<256x64xf32, #tpu.memory_space<vmem_shared>>) target_semaphore(%run_scoped3A : memref<!tpu.dma_semaphore, #tpu.memory_space<semaphore_mem>>)
        %dma_wait3A = arith.constant 9744 : i32
        %dma_wait3A_32 = arith.constant 0 : i32
        %dma_wait3A_33 = tpu.memref_slice %arg20[%dma_wait3A, %dma_wait3A_32] : memref<10240x64xf32, #tpu.memory_space<vmem_shared>> -> memref<256x64xf32, #tpu.memory_space<vmem_shared>>
        %dma_wait3A_34 = arith.constant 9744 : i32
        %dma_wait3A_35 = arith.constant 0 : i32
        %dma_wait3A_36 = tpu.memref_slice %arg2[%dma_wait3A_34, %dma_wait3A_35] : memref<10000x64xf32, #tpu.memory_space<hbm>> -> memref<256x64xf32, #tpu.memory_space<hbm>>
        tpu.wait_dma2 semaphore(%run_scoped3A : memref<!tpu.dma_semaphore, #tpu.memory_space<semaphore_mem>>) src(%dma_wait3A_36 : memref<256x64xf32, #tpu.memory_space<hbm>>) dst(%dma_wait3A_33 : memref<256x64xf32, #tpu.memory_space<vmem_shared>>)
        tpu.yield
      }) : () -> ()
    } else {
    }
    %barrier3A = arith.constant 0 : index
    tpu.barrier barrier_id(%barrier3A)
    %lt3A_14 = arith.constant 31 : i32
    %lt3A_15 = arith.cmpi slt, %add3A, %lt3A_14 : i32
    %convert_element_type3A_16 = arith.extui %lt3A_15 : i1 to i32
    %cond3A_17 = arith.constant 0 : i32
    %cond3A_18 = arith.cmpi ne, %convert_element_type3A_16, %cond3A_17 : i32
    scf.if %cond3A_18 {
      %dma_start3A = arith.constant 0 : i32
      %dma_start3A_27 = arith.constant 0 : i32
      %dma_start3A_28 = tpu.memref_slice %arg6[%dma_start3A, %dma_start3A_27] : memref<80x128xi32, #tpu.memory_space<vmem>> -> memref<1x128xi32, #tpu.memory_space<vmem>>
      %dma_start3A_29 = tpu.memref_squeeze %dma_start3A_28 : memref<1x128xi32, #tpu.memory_space<vmem>> -> memref<128xi32, #tpu.memory_space<vmem>>
      %dma_start3A_30 = arith.constant 0 : i32
      %dma_start3A_31 = arith.constant 0 : i32
      %dma_start3A_32 = tpu.memref_slice %arg2[%dma_start3A_30, %dma_start3A_31] : memref<10000x64xf32, #tpu.memory_space<hbm>> -> memref<10000x64xf32, #tpu.memory_space<hbm>>
      tpu.enqueue_indirect_dma source(%dma_start3A_32 : memref<10000x64xf32, #tpu.memory_space<hbm>>) target(%arg8 : memref<128x64xf32, #tpu.memory_space<vmem>>) offsets(%dma_start3A_29 : memref<128xi32, #tpu.memory_space<vmem>>) semaphore(%arg12 : memref<!tpu.dma_semaphore, #tpu.memory_space<semaphore_mem>>)
      %dma_start3A_33 = arith.constant 1 : i32
      %dma_start3A_34 = arith.constant 0 : i32
      %dma_start3A_35 = tpu.memref_slice %arg6[%dma_start3A_33, %dma_start3A_34] : memref<80x128xi32, #tpu.memory_space<vmem>> -> memref<1x128xi32, #tpu.memory_space<vmem>>
      %dma_start3A_36 = tpu.memref_squeeze %dma_start3A_35 : memref<1x128xi32, #tpu.memory_space<vmem>> -> memref<128xi32, #tpu.memory_space<vmem>>
      %dma_start3A_37 = arith.constant 0 : i32
      %dma_start3A_38 = arith.constant 0 : i32
      %dma_start3A_39 = tpu.memref_slice %arg2[%dma_start3A_37, %dma_start3A_38] : memref<10000x64xf32, #tpu.memory_space<hbm>> -> memref<10000x64xf32, #tpu.memory_space<hbm>>
      tpu.enqueue_indirect_dma source(%dma_start3A_39 : memref<10000x64xf32, #tpu.memory_space<hbm>>) target(%arg9 : memref<128x64xf32, #tpu.memory_space<vmem>>) offsets(%dma_start3A_36 : memref<128xi32, #tpu.memory_space<vmem>>) semaphore(%arg13 : memref<!tpu.dma_semaphore, #tpu.memory_space<semaphore_mem>>)
      %dma_start3A_40 = arith.constant 2 : i32
      %dma_start3A_41 = arith.constant 0 : i32
      %dma_start3A_42 = tpu.memref_slice %arg6[%dma_start3A_40, %dma_start3A_41] : memref<80x128xi32, #tpu.memory_space<vmem>> -> memref<1x128xi32, #tpu.memory_space<vmem>>
      %dma_start3A_43 = tpu.memref_squeeze %dma_start3A_42 : memref<1x128xi32, #tpu.memory_space<vmem>> -> memref<128xi32, #tpu.memory_space<vmem>>
      %dma_start3A_44 = arith.constant 0 : i32
      %dma_start3A_45 = arith.constant 0 : i32
      %dma_start3A_46 = tpu.memref_slice %arg2[%dma_start3A_44, %dma_start3A_45] : memref<10000x64xf32, #tpu.memory_space<hbm>> -> memref<10000x64xf32, #tpu.memory_space<hbm>>
      tpu.enqueue_indirect_dma source(%dma_start3A_46 : memref<10000x64xf32, #tpu.memory_space<hbm>>) target(%arg10 : memref<128x64xf32, #tpu.memory_space<vmem>>) offsets(%dma_start3A_43 : memref<128xi32, #tpu.memory_space<vmem>>) semaphore(%arg14 : memref<!tpu.dma_semaphore, #tpu.memory_space<semaphore_mem>>)
      %scan3A = arith.constant 0 : i32
      %scan3A_47 = arith.constant 20 : i32
      %scan3A_48 = arith.addi %scan3A, %scan3A_47 : i32
      %scan3A_49 = arith.constant 1 : i32
      scf.for %scan3A_78 = %scan3A to %scan3A_48 step %scan3A_49  : i32 {
        %mul3A_79 = arith.constant 1 : i32
        %mul3A_80 = arith.muli %scan3A_78, %mul3A_79 : i32
        %add3A_81 = arith.constant 0 : i32
        %add3A_82 = arith.addi %add3A_81, %mul3A_80 : i32
        %mul3A_83 = arith.constant 4 : i32
        %mul3A_84 = arith.muli %add3A_82, %mul3A_83 : i32
        %add3A_85 = arith.constant 0 : i32
        %add3A_86 = arith.addi %mul3A_84, %add3A_85 : i32
        %add3A_87 = arith.constant 4 : i32
        %add3A_88 = arith.addi %add3A_86, %add3A_87 : i32
        %sub3A = arith.constant 1 : i32
        %sub3A_89 = arith.subi %add3A_88, %sub3A : i32
        %lt3A_90 = arith.constant 80 : i32
        %lt3A_91 = arith.cmpi slt, %sub3A_89, %lt3A_90 : i32
        %convert_element_type3A_92 = arith.extui %lt3A_91 : i1 to i32
        %cond3A_93 = arith.constant 0 : i32
        %cond3A_94 = arith.cmpi ne, %convert_element_type3A_92, %cond3A_93 : i32
        scf.if %cond3A_94 {
          %ge3A = arith.constant 1 : i32
          %ge3A_180 = arith.cmpi sge, %add3A_86, %ge3A : i32
          %convert_element_type3A_181 = arith.extui %ge3A_180 : i1 to i32
          %cond3A_182 = arith.constant 0 : i32
          %cond3A_183 = arith.cmpi ne, %convert_element_type3A_181, %cond3A_182 : i32
          scf.if %cond3A_183 {
            %dma_wait3A_194 = arith.constant 0 : i32
            %dma_wait3A_195 = arith.constant 0 : i32
            %dma_wait3A_196 = tpu.memref_slice %arg7[%dma_wait3A_194, %dma_wait3A_195] : memref<80x128xi32, #tpu.memory_space<vmem>> -> memref<1x128xi32, #tpu.memory_space<vmem>>
            %dma_wait3A_197 = tpu.memref_squeeze %dma_wait3A_196 : memref<1x128xi32, #tpu.memory_space<vmem>> -> memref<128xi32, #tpu.memory_space<vmem>>
            %dma_wait3A_198 = arith.constant 0 : i32
            %dma_wait3A_199 = arith.constant 0 : i32
            %dma_wait3A_200 = tpu.memref_slice %arg20[%dma_wait3A_198, %dma_wait3A_199] : memref<10240x64xf32, #tpu.memory_space<vmem_shared>> -> memref<10240x64xf32, #tpu.memory_space<vmem_shared>>
            tpu.wait_indirect_dma semaphore(%arg19 : memref<!tpu.dma_semaphore, #tpu.memory_space<semaphore_mem>>) src(%arg11 : memref<128x64xf32, #tpu.memory_space<vmem>>) dst(%dma_wait3A_200 : memref<10240x64xf32, #tpu.memory_space<vmem_shared>>)
          } else {
          }
          %add3A_184 = arith.constant 4 : i32
          %add3A_185 = arith.addi %add3A_86, %add3A_184 : i32
          %sub3A_186 = arith.constant 1 : i32
          %sub3A_187 = arith.subi %add3A_185, %sub3A_186 : i32
          %dma_start3A_188 = arith.constant 0 : i32
          %dma_start3A_189 = tpu.memref_slice %arg6[%sub3A_187, %dma_start3A_188] : memref<80x128xi32, #tpu.memory_space<vmem>> -> memref<1x128xi32, #tpu.memory_space<vmem>>
          %dma_start3A_190 = tpu.memref_squeeze %dma_start3A_189 : memref<1x128xi32, #tpu.memory_space<vmem>> -> memref<128xi32, #tpu.memory_space<vmem>>
          %dma_start3A_191 = arith.constant 0 : i32
          %dma_start3A_192 = arith.constant 0 : i32
          %dma_start3A_193 = tpu.memref_slice %arg2[%dma_start3A_191, %dma_start3A_192] : memref<10000x64xf32, #tpu.memory_space<hbm>> -> memref<10000x64xf32, #tpu.memory_space<hbm>>
          tpu.enqueue_indirect_dma source(%dma_start3A_193 : memref<10000x64xf32, #tpu.memory_space<hbm>>) target(%arg11 : memref<128x64xf32, #tpu.memory_space<vmem>>) offsets(%dma_start3A_190 : memref<128xi32, #tpu.memory_space<vmem>>) semaphore(%arg15 : memref<!tpu.dma_semaphore, #tpu.memory_space<semaphore_mem>>)
        } else {
        }
        %dma_wait3A_95 = arith.constant 0 : i32
        %dma_wait3A_96 = arith.constant 0 : i32
        %dma_wait3A_97 = tpu.memref_slice %arg6[%dma_wait3A_95, %dma_wait3A_96] : memref<80x128xi32, #tpu.memory_space<vmem>> -> memref<1x128xi32, #tpu.memory_space<vmem>>
        %dma_wait3A_98 = tpu.memref_squeeze %dma_wait3A_97 : memref<1x128xi32, #tpu.memory_space<vmem>> -> memref<128xi32, #tpu.memory_space<vmem>>
        %dma_wait3A_99 = arith.constant 0 : i32
        %dma_wait3A_100 = arith.constant 0 : i32
        %dma_wait3A_101 = tpu.memref_slice %arg2[%dma_wait3A_99, %dma_wait3A_100] : memref<10000x64xf32, #tpu.memory_space<hbm>> -> memref<10000x64xf32, #tpu.memory_space<hbm>>
        tpu.wait_indirect_dma semaphore(%arg12 : memref<!tpu.dma_semaphore, #tpu.memory_space<semaphore_mem>>) src(%dma_wait3A_101 : memref<10000x64xf32, #tpu.memory_space<hbm>>) dst(%arg8 : memref<128x64xf32, #tpu.memory_space<vmem>>)
        %dma_start3A_102 = arith.constant 0 : i32
        %dma_start3A_103 = tpu.memref_slice %arg7[%add3A_86, %dma_start3A_102] : memref<80x128xi32, #tpu.memory_space<vmem>> -> memref<1x128xi32, #tpu.memory_space<vmem>>
        %dma_start3A_104 = tpu.memref_squeeze %dma_start3A_103 : memref<1x128xi32, #tpu.memory_space<vmem>> -> memref<128xi32, #tpu.memory_space<vmem>>
        %dma_start3A_105 = arith.constant 0 : i32
        %dma_start3A_106 = arith.constant 0 : i32
        %dma_start3A_107 = tpu.memref_slice %arg20[%dma_start3A_105, %dma_start3A_106] : memref<10240x64xf32, #tpu.memory_space<vmem_shared>> -> memref<10240x64xf32, #tpu.memory_space<vmem_shared>>
        tpu.enqueue_indirect_dma source(%arg8 : memref<128x64xf32, #tpu.memory_space<vmem>>) target(%dma_start3A_107 : memref<10240x64xf32, #tpu.memory_space<vmem_shared>>) offsets(%dma_start3A_104 : memref<128xi32, #tpu.memory_space<vmem>>) semaphore(%arg16 : memref<!tpu.dma_semaphore, #tpu.memory_space<semaphore_mem>>) {add = true}
        %add3A_108 = arith.constant 1 : i32
        %add3A_109 = arith.addi %mul3A_84, %add3A_108 : i32
        %add3A_110 = arith.constant 4 : i32
        %add3A_111 = arith.addi %add3A_109, %add3A_110 : i32
        %sub3A_112 = arith.constant 1 : i32
        %sub3A_113 = arith.subi %add3A_111, %sub3A_112 : i32
        %lt3A_114 = arith.constant 80 : i32
        %lt3A_115 = arith.cmpi slt, %sub3A_113, %lt3A_114 : i32
        %convert_element_type3A_116 = arith.extui %lt3A_115 : i1 to i32
        %cond3A_117 = arith.constant 0 : i32
        %cond3A_118 = arith.cmpi ne, %convert_element_type3A_116, %cond3A_117 : i32
        scf.if %cond3A_118 {
          %ge3A = arith.constant 1 : i32
          %ge3A_180 = arith.cmpi sge, %add3A_109, %ge3A : i32
          %convert_element_type3A_181 = arith.extui %ge3A_180 : i1 to i32
          %cond3A_182 = arith.constant 0 : i32
          %cond3A_183 = arith.cmpi ne, %convert_element_type3A_181, %cond3A_182 : i32
          scf.if %cond3A_183 {
            %dma_wait3A_194 = arith.constant 0 : i32
            %dma_wait3A_195 = arith.constant 0 : i32
            %dma_wait3A_196 = tpu.memref_slice %arg7[%dma_wait3A_194, %dma_wait3A_195] : memref<80x128xi32, #tpu.memory_space<vmem>> -> memref<1x128xi32, #tpu.memory_space<vmem>>
            %dma_wait3A_197 = tpu.memref_squeeze %dma_wait3A_196 : memref<1x128xi32, #tpu.memory_space<vmem>> -> memref<128xi32, #tpu.memory_space<vmem>>
            %dma_wait3A_198 = arith.constant 0 : i32
            %dma_wait3A_199 = arith.constant 0 : i32
            %dma_wait3A_200 = tpu.memref_slice %arg20[%dma_wait3A_198, %dma_wait3A_199] : memref<10240x64xf32, #tpu.memory_space<vmem_shared>> -> memref<10240x64xf32, #tpu.memory_space<vmem_shared>>
            tpu.wait_indirect_dma semaphore(%arg16 : memref<!tpu.dma_semaphore, #tpu.memory_space<semaphore_mem>>) src(%arg8 : memref<128x64xf32, #tpu.memory_space<vmem>>) dst(%dma_wait3A_200 : memref<10240x64xf32, #tpu.memory_space<vmem_shared>>)
          } else {
          }
          %add3A_184 = arith.constant 4 : i32
          %add3A_185 = arith.addi %add3A_109, %add3A_184 : i32
          %sub3A_186 = arith.constant 1 : i32
          %sub3A_187 = arith.subi %add3A_185, %sub3A_186 : i32
          %dma_start3A_188 = arith.constant 0 : i32
          %dma_start3A_189 = tpu.memref_slice %arg6[%sub3A_187, %dma_start3A_188] : memref<80x128xi32, #tpu.memory_space<vmem>> -> memref<1x128xi32, #tpu.memory_space<vmem>>
          %dma_start3A_190 = tpu.memref_squeeze %dma_start3A_189 : memref<1x128xi32, #tpu.memory_space<vmem>> -> memref<128xi32, #tpu.memory_space<vmem>>
          %dma_start3A_191 = arith.constant 0 : i32
          %dma_start3A_192 = arith.constant 0 : i32
          %dma_start3A_193 = tpu.memref_slice %arg2[%dma_start3A_191, %dma_start3A_192] : memref<10000x64xf32, #tpu.memory_space<hbm>> -> memref<10000x64xf32, #tpu.memory_space<hbm>>
          tpu.enqueue_indirect_dma source(%dma_start3A_193 : memref<10000x64xf32, #tpu.memory_space<hbm>>) target(%arg8 : memref<128x64xf32, #tpu.memory_space<vmem>>) offsets(%dma_start3A_190 : memref<128xi32, #tpu.memory_space<vmem>>) semaphore(%arg12 : memref<!tpu.dma_semaphore, #tpu.memory_space<semaphore_mem>>)
        } else {
        }
        %dma_wait3A_119 = arith.constant 0 : i32
        %dma_wait3A_120 = arith.constant 0 : i32
        %dma_wait3A_121 = tpu.memref_slice %arg6[%dma_wait3A_119, %dma_wait3A_120] : memref<80x128xi32, #tpu.memory_space<vmem>> -> memref<1x128xi32, #tpu.memory_space<vmem>>
        %dma_wait3A_122 = tpu.memref_squeeze %dma_wait3A_121 : memref<1x128xi32, #tpu.memory_space<vmem>> -> memref<128xi32, #tpu.memory_space<vmem>>
        %dma_wait3A_123 = arith.constant 0 : i32
        %dma_wait3A_124 = arith.constant 0 : i32
        %dma_wait3A_125 = tpu.memref_slice %arg2[%dma_wait3A_123, %dma_wait3A_124] : memref<10000x64xf32, #tpu.memory_space<hbm>> -> memref<10000x64xf32, #tpu.memory_space<hbm>>
        tpu.wait_indirect_dma semaphore(%arg13 : memref<!tpu.dma_semaphore, #tpu.memory_space<semaphore_mem>>) src(%dma_wait3A_125 : memref<10000x64xf32, #tpu.memory_space<hbm>>) dst(%arg9 : memref<128x64xf32, #tpu.memory_space<vmem>>)
        %dma_start3A_126 = arith.constant 0 : i32
        %dma_start3A_127 = tpu.memref_slice %arg7[%add3A_109, %dma_start3A_126] : memref<80x128xi32, #tpu.memory_space<vmem>> -> memref<1x128xi32, #tpu.memory_space<vmem>>
        %dma_start3A_128 = tpu.memref_squeeze %dma_start3A_127 : memref<1x128xi32, #tpu.memory_space<vmem>> -> memref<128xi32, #tpu.memory_space<vmem>>
        %dma_start3A_129 = arith.constant 0 : i32
        %dma_start3A_130 = arith.constant 0 : i32
        %dma_start3A_131 = tpu.memref_slice %arg20[%dma_start3A_129, %dma_start3A_130] : memref<10240x64xf32, #tpu.memory_space<vmem_shared>> -> memref<10240x64xf32, #tpu.memory_space<vmem_shared>>
        tpu.enqueue_indirect_dma source(%arg9 : memref<128x64xf32, #tpu.memory_space<vmem>>) target(%dma_start3A_131 : memref<10240x64xf32, #tpu.memory_space<vmem_shared>>) offsets(%dma_start3A_128 : memref<128xi32, #tpu.memory_space<vmem>>) semaphore(%arg17 : memref<!tpu.dma_semaphore, #tpu.memory_space<semaphore_mem>>) {add = true}
        %add3A_132 = arith.constant 2 : i32
        %add3A_133 = arith.addi %mul3A_84, %add3A_132 : i32
        %add3A_134 = arith.constant 4 : i32
        %add3A_135 = arith.addi %add3A_133, %add3A_134 : i32
        %sub3A_136 = arith.constant 1 : i32
        %sub3A_137 = arith.subi %add3A_135, %sub3A_136 : i32
        %lt3A_138 = arith.constant 80 : i32
        %lt3A_139 = arith.cmpi slt, %sub3A_137, %lt3A_138 : i32
        %convert_element_type3A_140 = arith.extui %lt3A_139 : i1 to i32
        %cond3A_141 = arith.constant 0 : i32
        %cond3A_142 = arith.cmpi ne, %convert_element_type3A_140, %cond3A_141 : i32
        scf.if %cond3A_142 {
          %ge3A = arith.constant 1 : i32
          %ge3A_180 = arith.cmpi sge, %add3A_133, %ge3A : i32
          %convert_element_type3A_181 = arith.extui %ge3A_180 : i1 to i32
          %cond3A_182 = arith.constant 0 : i32
          %cond3A_183 = arith.cmpi ne, %convert_element_type3A_181, %cond3A_182 : i32
          scf.if %cond3A_183 {
            %dma_wait3A_194 = arith.constant 0 : i32
            %dma_wait3A_195 = arith.constant 0 : i32
            %dma_wait3A_196 = tpu.memref_slice %arg7[%dma_wait3A_194, %dma_wait3A_195] : memref<80x128xi32, #tpu.memory_space<vmem>> -> memref<1x128xi32, #tpu.memory_space<vmem>>
            %dma_wait3A_197 = tpu.memref_squeeze %dma_wait3A_196 : memref<1x128xi32, #tpu.memory_space<vmem>> -> memref<128xi32, #tpu.memory_space<vmem>>
            %dma_wait3A_198 = arith.constant 0 : i32
            %dma_wait3A_199 = arith.constant 0 : i32
            %dma_wait3A_200 = tpu.memref_slice %arg20[%dma_wait3A_198, %dma_wait3A_199] : memref<10240x64xf32, #tpu.memory_space<vmem_shared>> -> memref<10240x64xf32, #tpu.memory_space<vmem_shared>>
            tpu.wait_indirect_dma semaphore(%arg17 : memref<!tpu.dma_semaphore, #tpu.memory_space<semaphore_mem>>) src(%arg9 : memref<128x64xf32, #tpu.memory_space<vmem>>) dst(%dma_wait3A_200 : memref<10240x64xf32, #tpu.memory_space<vmem_shared>>)
          } else {
          }
          %add3A_184 = arith.constant 4 : i32
          %add3A_185 = arith.addi %add3A_133, %add3A_184 : i32
          %sub3A_186 = arith.constant 1 : i32
          %sub3A_187 = arith.subi %add3A_185, %sub3A_186 : i32
          %dma_start3A_188 = arith.constant 0 : i32
          %dma_start3A_189 = tpu.memref_slice %arg6[%sub3A_187, %dma_start3A_188] : memref<80x128xi32, #tpu.memory_space<vmem>> -> memref<1x128xi32, #tpu.memory_space<vmem>>
          %dma_start3A_190 = tpu.memref_squeeze %dma_start3A_189 : memref<1x128xi32, #tpu.memory_space<vmem>> -> memref<128xi32, #tpu.memory_space<vmem>>
          %dma_start3A_191 = arith.constant 0 : i32
          %dma_start3A_192 = arith.constant 0 : i32
          %dma_start3A_193 = tpu.memref_slice %arg2[%dma_start3A_191, %dma_start3A_192] : memref<10000x64xf32, #tpu.memory_space<hbm>> -> memref<10000x64xf32, #tpu.memory_space<hbm>>
          tpu.enqueue_indirect_dma source(%dma_start3A_193 : memref<10000x64xf32, #tpu.memory_space<hbm>>) target(%arg9 : memref<128x64xf32, #tpu.memory_space<vmem>>) offsets(%dma_start3A_190 : memref<128xi32, #tpu.memory_space<vmem>>) semaphore(%arg13 : memref<!tpu.dma_semaphore, #tpu.memory_space<semaphore_mem>>)
        } else {
        }
        %dma_wait3A_143 = arith.constant 0 : i32
        %dma_wait3A_144 = arith.constant 0 : i32
        %dma_wait3A_145 = tpu.memref_slice %arg6[%dma_wait3A_143, %dma_wait3A_144] : memref<80x128xi32, #tpu.memory_space<vmem>> -> memref<1x128xi32, #tpu.memory_space<vmem>>
        %dma_wait3A_146 = tpu.memref_squeeze %dma_wait3A_145 : memref<1x128xi32, #tpu.memory_space<vmem>> -> memref<128xi32, #tpu.memory_space<vmem>>
        %dma_wait3A_147 = arith.constant 0 : i32
        %dma_wait3A_148 = arith.constant 0 : i32
        %dma_wait3A_149 = tpu.memref_slice %arg2[%dma_wait3A_147, %dma_wait3A_148] : memref<10000x64xf32, #tpu.memory_space<hbm>> -> memref<10000x64xf32, #tpu.memory_space<hbm>>
        tpu.wait_indirect_dma semaphore(%arg14 : memref<!tpu.dma_semaphore, #tpu.memory_space<semaphore_mem>>) src(%dma_wait3A_149 : memref<10000x64xf32, #tpu.memory_space<hbm>>) dst(%arg10 : memref<128x64xf32, #tpu.memory_space<vmem>>)
        %dma_start3A_150 = arith.constant 0 : i32
        %dma_start3A_151 = tpu.memref_slice %arg7[%add3A_133, %dma_start3A_150] : memref<80x128xi32, #tpu.memory_space<vmem>> -> memref<1x128xi32, #tpu.memory_space<vmem>>
        %dma_start3A_152 = tpu.memref_squeeze %dma_start3A_151 : memref<1x128xi32, #tpu.memory_space<vmem>> -> memref<128xi32, #tpu.memory_space<vmem>>
        %dma_start3A_153 = arith.constant 0 : i32
        %dma_start3A_154 = arith.constant 0 : i32
        %dma_start3A_155 = tpu.memref_slice %arg20[%dma_start3A_153, %dma_start3A_154] : memref<10240x64xf32, #tpu.memory_space<vmem_shared>> -> memref<10240x64xf32, #tpu.memory_space<vmem_shared>>
        tpu.enqueue_indirect_dma source(%arg10 : memref<128x64xf32, #tpu.memory_space<vmem>>) target(%dma_start3A_155 : memref<10240x64xf32, #tpu.memory_space<vmem_shared>>) offsets(%dma_start3A_152 : memref<128xi32, #tpu.memory_space<vmem>>) semaphore(%arg18 : memref<!tpu.dma_semaphore, #tpu.memory_space<semaphore_mem>>) {add = true}
        %add3A_156 = arith.constant 3 : i32
        %add3A_157 = arith.addi %mul3A_84, %add3A_156 : i32
        %add3A_158 = arith.constant 4 : i32
        %add3A_159 = arith.addi %add3A_157, %add3A_158 : i32
        %sub3A_160 = arith.constant 1 : i32
        %sub3A_161 = arith.subi %add3A_159, %sub3A_160 : i32
        %lt3A_162 = arith.constant 80 : i32
        %lt3A_163 = arith.cmpi slt, %sub3A_161, %lt3A_162 : i32
        %convert_element_type3A_164 = arith.extui %lt3A_163 : i1 to i32
        %cond3A_165 = arith.constant 0 : i32
        %cond3A_166 = arith.cmpi ne, %convert_element_type3A_164, %cond3A_165 : i32
        scf.if %cond3A_166 {
          %ge3A = arith.constant 1 : i32
          %ge3A_180 = arith.cmpi sge, %add3A_157, %ge3A : i32
          %convert_element_type3A_181 = arith.extui %ge3A_180 : i1 to i32
          %cond3A_182 = arith.constant 0 : i32
          %cond3A_183 = arith.cmpi ne, %convert_element_type3A_181, %cond3A_182 : i32
          scf.if %cond3A_183 {
            %dma_wait3A_194 = arith.constant 0 : i32
            %dma_wait3A_195 = arith.constant 0 : i32
            %dma_wait3A_196 = tpu.memref_slice %arg7[%dma_wait3A_194, %dma_wait3A_195] : memref<80x128xi32, #tpu.memory_space<vmem>> -> memref<1x128xi32, #tpu.memory_space<vmem>>
            %dma_wait3A_197 = tpu.memref_squeeze %dma_wait3A_196 : memref<1x128xi32, #tpu.memory_space<vmem>> -> memref<128xi32, #tpu.memory_space<vmem>>
            %dma_wait3A_198 = arith.constant 0 : i32
            %dma_wait3A_199 = arith.constant 0 : i32
            %dma_wait3A_200 = tpu.memref_slice %arg20[%dma_wait3A_198, %dma_wait3A_199] : memref<10240x64xf32, #tpu.memory_space<vmem_shared>> -> memref<10240x64xf32, #tpu.memory_space<vmem_shared>>
            tpu.wait_indirect_dma semaphore(%arg18 : memref<!tpu.dma_semaphore, #tpu.memory_space<semaphore_mem>>) src(%arg10 : memref<128x64xf32, #tpu.memory_space<vmem>>) dst(%dma_wait3A_200 : memref<10240x64xf32, #tpu.memory_space<vmem_shared>>)
          } else {
          }
          %add3A_184 = arith.constant 4 : i32
          %add3A_185 = arith.addi %add3A_157, %add3A_184 : i32
          %sub3A_186 = arith.constant 1 : i32
          %sub3A_187 = arith.subi %add3A_185, %sub3A_186 : i32
          %dma_start3A_188 = arith.constant 0 : i32
          %dma_start3A_189 = tpu.memref_slice %arg6[%sub3A_187, %dma_start3A_188] : memref<80x128xi32, #tpu.memory_space<vmem>> -> memref<1x128xi32, #tpu.memory_space<vmem>>
          %dma_start3A_190 = tpu.memref_squeeze %dma_start3A_189 : memref<1x128xi32, #tpu.memory_space<vmem>> -> memref<128xi32, #tpu.memory_space<vmem>>
          %dma_start3A_191 = arith.constant 0 : i32
          %dma_start3A_192 = arith.constant 0 : i32
          %dma_start3A_193 = tpu.memref_slice %arg2[%dma_start3A_191, %dma_start3A_192] : memref<10000x64xf32, #tpu.memory_space<hbm>> -> memref<10000x64xf32, #tpu.memory_space<hbm>>
          tpu.enqueue_indirect_dma source(%dma_start3A_193 : memref<10000x64xf32, #tpu.memory_space<hbm>>) target(%arg10 : memref<128x64xf32, #tpu.memory_space<vmem>>) offsets(%dma_start3A_190 : memref<128xi32, #tpu.memory_space<vmem>>) semaphore(%arg14 : memref<!tpu.dma_semaphore, #tpu.memory_space<semaphore_mem>>)
        } else {
        }
        %dma_wait3A_167 = arith.constant 0 : i32
        %dma_wait3A_168 = arith.constant 0 : i32
        %dma_wait3A_169 = tpu.memref_slice %arg6[%dma_wait3A_167, %dma_wait3A_168] : memref<80x128xi32, #tpu.memory_space<vmem>> -> memref<1x128xi32, #tpu.memory_space<vmem>>
        %dma_wait3A_170 = tpu.memref_squeeze %dma_wait3A_169 : memref<1x128xi32, #tpu.memory_space<vmem>> -> memref<128xi32, #tpu.memory_space<vmem>>
        %dma_wait3A_171 = arith.constant 0 : i32
        %dma_wait3A_172 = arith.constant 0 : i32
        %dma_wait3A_173 = tpu.memref_slice %arg2[%dma_wait3A_171, %dma_wait3A_172] : memref<10000x64xf32, #tpu.memory_space<hbm>> -> memref<10000x64xf32, #tpu.memory_space<hbm>>
        tpu.wait_indirect_dma semaphore(%arg15 : memref<!tpu.dma_semaphore, #tpu.memory_space<semaphore_mem>>) src(%dma_wait3A_173 : memref<10000x64xf32, #tpu.memory_space<hbm>>) dst(%arg11 : memref<128x64xf32, #tpu.memory_space<vmem>>)
        %dma_start3A_174 = arith.constant 0 : i32
        %dma_start3A_175 = tpu.memref_slice %arg7[%add3A_157, %dma_start3A_174] : memref<80x128xi32, #tpu.memory_space<vmem>> -> memref<1x128xi32, #tpu.memory_space<vmem>>
        %dma_start3A_176 = tpu.memref_squeeze %dma_start3A_175 : memref<1x128xi32, #tpu.memory_space<vmem>> -> memref<128xi32, #tpu.memory_space<vmem>>
        %dma_start3A_177 = arith.constant 0 : i32
        %dma_start3A_178 = arith.constant 0 : i32
        %dma_start3A_179 = tpu.memref_slice %arg20[%dma_start3A_177, %dma_start3A_178] : memref<10240x64xf32, #tpu.memory_space<vmem_shared>> -> memref<10240x64xf32, #tpu.memory_space<vmem_shared>>
        tpu.enqueue_indirect_dma source(%arg11 : memref<128x64xf32, #tpu.memory_space<vmem>>) target(%dma_start3A_179 : memref<10240x64xf32, #tpu.memory_space<vmem_shared>>) offsets(%dma_start3A_176 : memref<128xi32, #tpu.memory_space<vmem>>) semaphore(%arg19 : memref<!tpu.dma_semaphore, #tpu.memory_space<semaphore_mem>>) {add = true}
      }
      %scan3A_50 = arith.constant 20 : i32
      %dma_wait3A = arith.constant 0 : i32
      %dma_wait3A_51 = arith.constant 0 : i32
      %dma_wait3A_52 = tpu.memref_slice %arg7[%dma_wait3A, %dma_wait3A_51] : memref<80x128xi32, #tpu.memory_space<vmem>> -> memref<1x128xi32, #tpu.memory_space<vmem>>
      %dma_wait3A_53 = tpu.memref_squeeze %dma_wait3A_52 : memref<1x128xi32, #tpu.memory_space<vmem>> -> memref<128xi32, #tpu.memory_space<vmem>>
      %dma_wait3A_54 = arith.constant 0 : i32
      %dma_wait3A_55 = arith.constant 0 : i32
      %dma_wait3A_56 = tpu.memref_slice %arg20[%dma_wait3A_54, %dma_wait3A_55] : memref<10240x64xf32, #tpu.memory_space<vmem_shared>> -> memref<10240x64xf32, #tpu.memory_space<vmem_shared>>
      tpu.wait_indirect_dma semaphore(%arg16 : memref<!tpu.dma_semaphore, #tpu.memory_space<semaphore_mem>>) src(%arg8 : memref<128x64xf32, #tpu.memory_space<vmem>>) dst(%dma_wait3A_56 : memref<10240x64xf32, #tpu.memory_space<vmem_shared>>)
      %dma_wait3A_57 = arith.constant 0 : i32
      %dma_wait3A_58 = arith.constant 0 : i32
      %dma_wait3A_59 = tpu.memref_slice %arg7[%dma_wait3A_57, %dma_wait3A_58] : memref<80x128xi32, #tpu.memory_space<vmem>> -> memref<1x128xi32, #tpu.memory_space<vmem>>
      %dma_wait3A_60 = tpu.memref_squeeze %dma_wait3A_59 : memref<1x128xi32, #tpu.memory_space<vmem>> -> memref<128xi32, #tpu.memory_space<vmem>>
      %dma_wait3A_61 = arith.constant 0 : i32
      %dma_wait3A_62 = arith.constant 0 : i32
      %dma_wait3A_63 = tpu.memref_slice %arg20[%dma_wait3A_61, %dma_wait3A_62] : memref<10240x64xf32, #tpu.memory_space<vmem_shared>> -> memref<10240x64xf32, #tpu.memory_space<vmem_shared>>
      tpu.wait_indirect_dma semaphore(%arg17 : memref<!tpu.dma_semaphore, #tpu.memory_space<semaphore_mem>>) src(%arg9 : memref<128x64xf32, #tpu.memory_space<vmem>>) dst(%dma_wait3A_63 : memref<10240x64xf32, #tpu.memory_space<vmem_shared>>)
      %dma_wait3A_64 = arith.constant 0 : i32
      %dma_wait3A_65 = arith.constant 0 : i32
      %dma_wait3A_66 = tpu.memref_slice %arg7[%dma_wait3A_64, %dma_wait3A_65] : memref<80x128xi32, #tpu.memory_space<vmem>> -> memref<1x128xi32, #tpu.memory_space<vmem>>
      %dma_wait3A_67 = tpu.memref_squeeze %dma_wait3A_66 : memref<1x128xi32, #tpu.memory_space<vmem>> -> memref<128xi32, #tpu.memory_space<vmem>>
      %dma_wait3A_68 = arith.constant 0 : i32
      %dma_wait3A_69 = arith.constant 0 : i32
      %dma_wait3A_70 = tpu.memref_slice %arg20[%dma_wait3A_68, %dma_wait3A_69] : memref<10240x64xf32, #tpu.memory_space<vmem_shared>> -> memref<10240x64xf32, #tpu.memory_space<vmem_shared>>
      tpu.wait_indirect_dma semaphore(%arg18 : memref<!tpu.dma_semaphore, #tpu.memory_space<semaphore_mem>>) src(%arg10 : memref<128x64xf32, #tpu.memory_space<vmem>>) dst(%dma_wait3A_70 : memref<10240x64xf32, #tpu.memory_space<vmem_shared>>)
      %dma_wait3A_71 = arith.constant 0 : i32
      %dma_wait3A_72 = arith.constant 0 : i32
      %dma_wait3A_73 = tpu.memref_slice %arg7[%dma_wait3A_71, %dma_wait3A_72] : memref<80x128xi32, #tpu.memory_space<vmem>> -> memref<1x128xi32, #tpu.memory_space<vmem>>
      %dma_wait3A_74 = tpu.memref_squeeze %dma_wait3A_73 : memref<1x128xi32, #tpu.memory_space<vmem>> -> memref<128xi32, #tpu.memory_space<vmem>>
      %dma_wait3A_75 = arith.constant 0 : i32
      %dma_wait3A_76 = arith.constant 0 : i32
      %dma_wait3A_77 = tpu.memref_slice %arg20[%dma_wait3A_75, %dma_wait3A_76] : memref<10240x64xf32, #tpu.memory_space<vmem_shared>> -> memref<10240x64xf32, #tpu.memory_space<vmem_shared>>
      tpu.wait_indirect_dma semaphore(%arg19 : memref<!tpu.dma_semaphore, #tpu.memory_space<semaphore_mem>>) src(%arg11 : memref<128x64xf32, #tpu.memory_space<vmem>>) dst(%dma_wait3A_77 : memref<10240x64xf32, #tpu.memory_space<vmem_shared>>)
    } else {
    }
    %eq3A_19 = arith.constant 31 : i32
    %eq3A_20 = arith.cmpi eq, %add3A, %eq3A_19 : i32
    %convert_element_type3A_21 = arith.extui %eq3A_20 : i1 to i32
    %cond3A_22 = arith.constant 0 : i32
    %cond3A_23 = arith.cmpi ne, %convert_element_type3A_21, %cond3A_22 : i32
    scf.if %cond3A_23 {
      %dma_start3A = arith.constant 0 : i32
      %dma_start3A_27 = arith.constant 0 : i32
      %dma_start3A_28 = tpu.memref_slice %arg6[%dma_start3A, %dma_start3A_27] : memref<80x128xi32, #tpu.memory_space<vmem>> -> memref<1x128xi32, #tpu.memory_space<vmem>>
      %dma_start3A_29 = tpu.memref_squeeze %dma_start3A_28 : memref<1x128xi32, #tpu.memory_space<vmem>> -> memref<128xi32, #tpu.memory_space<vmem>>
      %dma_start3A_30 = arith.constant 0 : i32
      %dma_start3A_31 = arith.constant 0 : i32
      %dma_start3A_32 = tpu.memref_slice %arg2[%dma_start3A_30, %dma_start3A_31] : memref<10000x64xf32, #tpu.memory_space<hbm>> -> memref<10000x64xf32, #tpu.memory_space<hbm>>
      tpu.enqueue_indirect_dma source(%dma_start3A_32 : memref<10000x64xf32, #tpu.memory_space<hbm>>) target(%arg8 : memref<128x64xf32, #tpu.memory_space<vmem>>) offsets(%dma_start3A_29 : memref<128xi32, #tpu.memory_space<vmem>>) semaphore(%arg12 : memref<!tpu.dma_semaphore, #tpu.memory_space<semaphore_mem>>)
      %dma_start3A_33 = arith.constant 1 : i32
      %dma_start3A_34 = arith.constant 0 : i32
      %dma_start3A_35 = tpu.memref_slice %arg6[%dma_start3A_33, %dma_start3A_34] : memref<80x128xi32, #tpu.memory_space<vmem>> -> memref<1x128xi32, #tpu.memory_space<vmem>>
      %dma_start3A_36 = tpu.memref_squeeze %dma_start3A_35 : memref<1x128xi32, #tpu.memory_space<vmem>> -> memref<128xi32, #tpu.memory_space<vmem>>
      %dma_start3A_37 = arith.constant 0 : i32
      %dma_start3A_38 = arith.constant 0 : i32
      %dma_start3A_39 = tpu.memref_slice %arg2[%dma_start3A_37, %dma_start3A_38] : memref<10000x64xf32, #tpu.memory_space<hbm>> -> memref<10000x64xf32, #tpu.memory_space<hbm>>
      tpu.enqueue_indirect_dma source(%dma_start3A_39 : memref<10000x64xf32, #tpu.memory_space<hbm>>) target(%arg9 : memref<128x64xf32, #tpu.memory_space<vmem>>) offsets(%dma_start3A_36 : memref<128xi32, #tpu.memory_space<vmem>>) semaphore(%arg13 : memref<!tpu.dma_semaphore, #tpu.memory_space<semaphore_mem>>)
      %dma_start3A_40 = arith.constant 2 : i32
      %dma_start3A_41 = arith.constant 0 : i32
      %dma_start3A_42 = tpu.memref_slice %arg6[%dma_start3A_40, %dma_start3A_41] : memref<80x128xi32, #tpu.memory_space<vmem>> -> memref<1x128xi32, #tpu.memory_space<vmem>>
      %dma_start3A_43 = tpu.memref_squeeze %dma_start3A_42 : memref<1x128xi32, #tpu.memory_space<vmem>> -> memref<128xi32, #tpu.memory_space<vmem>>
      %dma_start3A_44 = arith.constant 0 : i32
      %dma_start3A_45 = arith.constant 0 : i32
      %dma_start3A_46 = tpu.memref_slice %arg2[%dma_start3A_44, %dma_start3A_45] : memref<10000x64xf32, #tpu.memory_space<hbm>> -> memref<10000x64xf32, #tpu.memory_space<hbm>>
      tpu.enqueue_indirect_dma source(%dma_start3A_46 : memref<10000x64xf32, #tpu.memory_space<hbm>>) target(%arg10 : memref<128x64xf32, #tpu.memory_space<vmem>>) offsets(%dma_start3A_43 : memref<128xi32, #tpu.memory_space<vmem>>) semaphore(%arg14 : memref<!tpu.dma_semaphore, #tpu.memory_space<semaphore_mem>>)
      %scan3A = arith.constant 0 : i32
      %scan3A_47 = arith.constant 5 : i32
      %scan3A_48 = arith.addi %scan3A, %scan3A_47 : i32
      %scan3A_49 = arith.constant 1 : i32
      scf.for %scan3A_78 = %scan3A to %scan3A_48 step %scan3A_49  : i32 {
        %mul3A_79 = arith.constant 1 : i32
        %mul3A_80 = arith.muli %scan3A_78, %mul3A_79 : i32
        %add3A_81 = arith.constant 0 : i32
        %add3A_82 = arith.addi %add3A_81, %mul3A_80 : i32
        %mul3A_83 = arith.constant 4 : i32
        %mul3A_84 = arith.muli %add3A_82, %mul3A_83 : i32
        %add3A_85 = arith.constant 0 : i32
        %add3A_86 = arith.addi %mul3A_84, %add3A_85 : i32
        %add3A_87 = arith.constant 4 : i32
        %add3A_88 = arith.addi %add3A_86, %add3A_87 : i32
        %sub3A = arith.constant 1 : i32
        %sub3A_89 = arith.subi %add3A_88, %sub3A : i32
        %lt3A_90 = arith.constant 20 : i32
        %lt3A_91 = arith.cmpi slt, %sub3A_89, %lt3A_90 : i32
        %convert_element_type3A_92 = arith.extui %lt3A_91 : i1 to i32
        %cond3A_93 = arith.constant 0 : i32
        %cond3A_94 = arith.cmpi ne, %convert_element_type3A_92, %cond3A_93 : i32
        scf.if %cond3A_94 {
          %ge3A = arith.constant 1 : i32
          %ge3A_180 = arith.cmpi sge, %add3A_86, %ge3A : i32
          %convert_element_type3A_181 = arith.extui %ge3A_180 : i1 to i32
          %cond3A_182 = arith.constant 0 : i32
          %cond3A_183 = arith.cmpi ne, %convert_element_type3A_181, %cond3A_182 : i32
          scf.if %cond3A_183 {
            %dma_wait3A_194 = arith.constant 0 : i32
            %dma_wait3A_195 = arith.constant 0 : i32
            %dma_wait3A_196 = tpu.memref_slice %arg7[%dma_wait3A_194, %dma_wait3A_195] : memref<80x128xi32, #tpu.memory_space<vmem>> -> memref<1x128xi32, #tpu.memory_space<vmem>>
            %dma_wait3A_197 = tpu.memref_squeeze %dma_wait3A_196 : memref<1x128xi32, #tpu.memory_space<vmem>> -> memref<128xi32, #tpu.memory_space<vmem>>
            %dma_wait3A_198 = arith.constant 0 : i32
            %dma_wait3A_199 = arith.constant 0 : i32
            %dma_wait3A_200 = tpu.memref_slice %arg20[%dma_wait3A_198, %dma_wait3A_199] : memref<10240x64xf32, #tpu.memory_space<vmem_shared>> -> memref<10240x64xf32, #tpu.memory_space<vmem_shared>>
            tpu.wait_indirect_dma semaphore(%arg19 : memref<!tpu.dma_semaphore, #tpu.memory_space<semaphore_mem>>) src(%arg11 : memref<128x64xf32, #tpu.memory_space<vmem>>) dst(%dma_wait3A_200 : memref<10240x64xf32, #tpu.memory_space<vmem_shared>>)
          } else {
          }
          %add3A_184 = arith.constant 4 : i32
          %add3A_185 = arith.addi %add3A_86, %add3A_184 : i32
          %sub3A_186 = arith.constant 1 : i32
          %sub3A_187 = arith.subi %add3A_185, %sub3A_186 : i32
          %dma_start3A_188 = arith.constant 0 : i32
          %dma_start3A_189 = tpu.memref_slice %arg6[%sub3A_187, %dma_start3A_188] : memref<80x128xi32, #tpu.memory_space<vmem>> -> memref<1x128xi32, #tpu.memory_space<vmem>>
          %dma_start3A_190 = tpu.memref_squeeze %dma_start3A_189 : memref<1x128xi32, #tpu.memory_space<vmem>> -> memref<128xi32, #tpu.memory_space<vmem>>
          %dma_start3A_191 = arith.constant 0 : i32
          %dma_start3A_192 = arith.constant 0 : i32
          %dma_start3A_193 = tpu.memref_slice %arg2[%dma_start3A_191, %dma_start3A_192] : memref<10000x64xf32, #tpu.memory_space<hbm>> -> memref<10000x64xf32, #tpu.memory_space<hbm>>
          tpu.enqueue_indirect_dma source(%dma_start3A_193 : memref<10000x64xf32, #tpu.memory_space<hbm>>) target(%arg11 : memref<128x64xf32, #tpu.memory_space<vmem>>) offsets(%dma_start3A_190 : memref<128xi32, #tpu.memory_space<vmem>>) semaphore(%arg15 : memref<!tpu.dma_semaphore, #tpu.memory_space<semaphore_mem>>)
        } else {
        }
        %dma_wait3A_95 = arith.constant 0 : i32
        %dma_wait3A_96 = arith.constant 0 : i32
        %dma_wait3A_97 = tpu.memref_slice %arg6[%dma_wait3A_95, %dma_wait3A_96] : memref<80x128xi32, #tpu.memory_space<vmem>> -> memref<1x128xi32, #tpu.memory_space<vmem>>
        %dma_wait3A_98 = tpu.memref_squeeze %dma_wait3A_97 : memref<1x128xi32, #tpu.memory_space<vmem>> -> memref<128xi32, #tpu.memory_space<vmem>>
        %dma_wait3A_99 = arith.constant 0 : i32
        %dma_wait3A_100 = arith.constant 0 : i32
        %dma_wait3A_101 = tpu.memref_slice %arg2[%dma_wait3A_99, %dma_wait3A_100] : memref<10000x64xf32, #tpu.memory_space<hbm>> -> memref<10000x64xf32, #tpu.memory_space<hbm>>
        tpu.wait_indirect_dma semaphore(%arg12 : memref<!tpu.dma_semaphore, #tpu.memory_space<semaphore_mem>>) src(%dma_wait3A_101 : memref<10000x64xf32, #tpu.memory_space<hbm>>) dst(%arg8 : memref<128x64xf32, #tpu.memory_space<vmem>>)
        %dma_start3A_102 = arith.constant 0 : i32
        %dma_start3A_103 = tpu.memref_slice %arg7[%add3A_86, %dma_start3A_102] : memref<80x128xi32, #tpu.memory_space<vmem>> -> memref<1x128xi32, #tpu.memory_space<vmem>>
        %dma_start3A_104 = tpu.memref_squeeze %dma_start3A_103 : memref<1x128xi32, #tpu.memory_space<vmem>> -> memref<128xi32, #tpu.memory_space<vmem>>
        %dma_start3A_105 = arith.constant 0 : i32
        %dma_start3A_106 = arith.constant 0 : i32
        %dma_start3A_107 = tpu.memref_slice %arg20[%dma_start3A_105, %dma_start3A_106] : memref<10240x64xf32, #tpu.memory_space<vmem_shared>> -> memref<10240x64xf32, #tpu.memory_space<vmem_shared>>
        tpu.enqueue_indirect_dma source(%arg8 : memref<128x64xf32, #tpu.memory_space<vmem>>) target(%dma_start3A_107 : memref<10240x64xf32, #tpu.memory_space<vmem_shared>>) offsets(%dma_start3A_104 : memref<128xi32, #tpu.memory_space<vmem>>) semaphore(%arg16 : memref<!tpu.dma_semaphore, #tpu.memory_space<semaphore_mem>>) {add = true}
        %add3A_108 = arith.constant 1 : i32
        %add3A_109 = arith.addi %mul3A_84, %add3A_108 : i32
        %add3A_110 = arith.constant 4 : i32
        %add3A_111 = arith.addi %add3A_109, %add3A_110 : i32
        %sub3A_112 = arith.constant 1 : i32
        %sub3A_113 = arith.subi %add3A_111, %sub3A_112 : i32
        %lt3A_114 = arith.constant 20 : i32
        %lt3A_115 = arith.cmpi slt, %sub3A_113, %lt3A_114 : i32
        %convert_element_type3A_116 = arith.extui %lt3A_115 : i1 to i32
        %cond3A_117 = arith.constant 0 : i32
        %cond3A_118 = arith.cmpi ne, %convert_element_type3A_116, %cond3A_117 : i32
        scf.if %cond3A_118 {
          %ge3A = arith.constant 1 : i32
          %ge3A_180 = arith.cmpi sge, %add3A_109, %ge3A : i32
          %convert_element_type3A_181 = arith.extui %ge3A_180 : i1 to i32
          %cond3A_182 = arith.constant 0 : i32
          %cond3A_183 = arith.cmpi ne, %convert_element_type3A_181, %cond3A_182 : i32
          scf.if %cond3A_183 {
            %dma_wait3A_194 = arith.constant 0 : i32
            %dma_wait3A_195 = arith.constant 0 : i32
            %dma_wait3A_196 = tpu.memref_slice %arg7[%dma_wait3A_194, %dma_wait3A_195] : memref<80x128xi32, #tpu.memory_space<vmem>> -> memref<1x128xi32, #tpu.memory_space<vmem>>
            %dma_wait3A_197 = tpu.memref_squeeze %dma_wait3A_196 : memref<1x128xi32, #tpu.memory_space<vmem>> -> memref<128xi32, #tpu.memory_space<vmem>>
            %dma_wait3A_198 = arith.constant 0 : i32
            %dma_wait3A_199 = arith.constant 0 : i32
            %dma_wait3A_200 = tpu.memref_slice %arg20[%dma_wait3A_198, %dma_wait3A_199] : memref<10240x64xf32, #tpu.memory_space<vmem_shared>> -> memref<10240x64xf32, #tpu.memory_space<vmem_shared>>
            tpu.wait_indirect_dma semaphore(%arg16 : memref<!tpu.dma_semaphore, #tpu.memory_space<semaphore_mem>>) src(%arg8 : memref<128x64xf32, #tpu.memory_space<vmem>>) dst(%dma_wait3A_200 : memref<10240x64xf32, #tpu.memory_space<vmem_shared>>)
          } else {
          }
          %add3A_184 = arith.constant 4 : i32
          %add3A_185 = arith.addi %add3A_109, %add3A_184 : i32
          %sub3A_186 = arith.constant 1 : i32
          %sub3A_187 = arith.subi %add3A_185, %sub3A_186 : i32
          %dma_start3A_188 = arith.constant 0 : i32
          %dma_start3A_189 = tpu.memref_slice %arg6[%sub3A_187, %dma_start3A_188] : memref<80x128xi32, #tpu.memory_space<vmem>> -> memref<1x128xi32, #tpu.memory_space<vmem>>
          %dma_start3A_190 = tpu.memref_squeeze %dma_start3A_189 : memref<1x128xi32, #tpu.memory_space<vmem>> -> memref<128xi32, #tpu.memory_space<vmem>>
          %dma_start3A_191 = arith.constant 0 : i32
          %dma_start3A_192 = arith.constant 0 : i32
          %dma_start3A_193 = tpu.memref_slice %arg2[%dma_start3A_191, %dma_start3A_192] : memref<10000x64xf32, #tpu.memory_space<hbm>> -> memref<10000x64xf32, #tpu.memory_space<hbm>>
          tpu.enqueue_indirect_dma source(%dma_start3A_193 : memref<10000x64xf32, #tpu.memory_space<hbm>>) target(%arg8 : memref<128x64xf32, #tpu.memory_space<vmem>>) offsets(%dma_start3A_190 : memref<128xi32, #tpu.memory_space<vmem>>) semaphore(%arg12 : memref<!tpu.dma_semaphore, #tpu.memory_space<semaphore_mem>>)
        } else {
        }
        %dma_wait3A_119 = arith.constant 0 : i32
        %dma_wait3A_120 = arith.constant 0 : i32
        %dma_wait3A_121 = tpu.memref_slice %arg6[%dma_wait3A_119, %dma_wait3A_120] : memref<80x128xi32, #tpu.memory_space<vmem>> -> memref<1x128xi32, #tpu.memory_space<vmem>>
        %dma_wait3A_122 = tpu.memref_squeeze %dma_wait3A_121 : memref<1x128xi32, #tpu.memory_space<vmem>> -> memref<128xi32, #tpu.memory_space<vmem>>
        %dma_wait3A_123 = arith.constant 0 : i32
        %dma_wait3A_124 = arith.constant 0 : i32
        %dma_wait3A_125 = tpu.memref_slice %arg2[%dma_wait3A_123, %dma_wait3A_124] : memref<10000x64xf32, #tpu.memory_space<hbm>> -> memref<10000x64xf32, #tpu.memory_space<hbm>>
        tpu.wait_indirect_dma semaphore(%arg13 : memref<!tpu.dma_semaphore, #tpu.memory_space<semaphore_mem>>) src(%dma_wait3A_125 : memref<10000x64xf32, #tpu.memory_space<hbm>>) dst(%arg9 : memref<128x64xf32, #tpu.memory_space<vmem>>)
        %dma_start3A_126 = arith.constant 0 : i32
        %dma_start3A_127 = tpu.memref_slice %arg7[%add3A_109, %dma_start3A_126] : memref<80x128xi32, #tpu.memory_space<vmem>> -> memref<1x128xi32, #tpu.memory_space<vmem>>
        %dma_start3A_128 = tpu.memref_squeeze %dma_start3A_127 : memref<1x128xi32, #tpu.memory_space<vmem>> -> memref<128xi32, #tpu.memory_space<vmem>>
        %dma_start3A_129 = arith.constant 0 : i32
        %dma_start3A_130 = arith.constant 0 : i32
        %dma_start3A_131 = tpu.memref_slice %arg20[%dma_start3A_129, %dma_start3A_130] : memref<10240x64xf32, #tpu.memory_space<vmem_shared>> -> memref<10240x64xf32, #tpu.memory_space<vmem_shared>>
        tpu.enqueue_indirect_dma source(%arg9 : memref<128x64xf32, #tpu.memory_space<vmem>>) target(%dma_start3A_131 : memref<10240x64xf32, #tpu.memory_space<vmem_shared>>) offsets(%dma_start3A_128 : memref<128xi32, #tpu.memory_space<vmem>>) semaphore(%arg17 : memref<!tpu.dma_semaphore, #tpu.memory_space<semaphore_mem>>) {add = true}
        %add3A_132 = arith.constant 2 : i32
        %add3A_133 = arith.addi %mul3A_84, %add3A_132 : i32
        %add3A_134 = arith.constant 4 : i32
        %add3A_135 = arith.addi %add3A_133, %add3A_134 : i32
        %sub3A_136 = arith.constant 1 : i32
        %sub3A_137 = arith.subi %add3A_135, %sub3A_136 : i32
        %lt3A_138 = arith.constant 20 : i32
        %lt3A_139 = arith.cmpi slt, %sub3A_137, %lt3A_138 : i32
        %convert_element_type3A_140 = arith.extui %lt3A_139 : i1 to i32
        %cond3A_141 = arith.constant 0 : i32
        %cond3A_142 = arith.cmpi ne, %convert_element_type3A_140, %cond3A_141 : i32
        scf.if %cond3A_142 {
          %ge3A = arith.constant 1 : i32
          %ge3A_180 = arith.cmpi sge, %add3A_133, %ge3A : i32
          %convert_element_type3A_181 = arith.extui %ge3A_180 : i1 to i32
          %cond3A_182 = arith.constant 0 : i32
          %cond3A_183 = arith.cmpi ne, %convert_element_type3A_181, %cond3A_182 : i32
          scf.if %cond3A_183 {
            %dma_wait3A_194 = arith.constant 0 : i32
            %dma_wait3A_195 = arith.constant 0 : i32
            %dma_wait3A_196 = tpu.memref_slice %arg7[%dma_wait3A_194, %dma_wait3A_195] : memref<80x128xi32, #tpu.memory_space<vmem>> -> memref<1x128xi32, #tpu.memory_space<vmem>>
            %dma_wait3A_197 = tpu.memref_squeeze %dma_wait3A_196 : memref<1x128xi32, #tpu.memory_space<vmem>> -> memref<128xi32, #tpu.memory_space<vmem>>
            %dma_wait3A_198 = arith.constant 0 : i32
            %dma_wait3A_199 = arith.constant 0 : i32
            %dma_wait3A_200 = tpu.memref_slice %arg20[%dma_wait3A_198, %dma_wait3A_199] : memref<10240x64xf32, #tpu.memory_space<vmem_shared>> -> memref<10240x64xf32, #tpu.memory_space<vmem_shared>>
            tpu.wait_indirect_dma semaphore(%arg17 : memref<!tpu.dma_semaphore, #tpu.memory_space<semaphore_mem>>) src(%arg9 : memref<128x64xf32, #tpu.memory_space<vmem>>) dst(%dma_wait3A_200 : memref<10240x64xf32, #tpu.memory_space<vmem_shared>>)
          } else {
          }
          %add3A_184 = arith.constant 4 : i32
          %add3A_185 = arith.addi %add3A_133, %add3A_184 : i32
          %sub3A_186 = arith.constant 1 : i32
          %sub3A_187 = arith.subi %add3A_185, %sub3A_186 : i32
          %dma_start3A_188 = arith.constant 0 : i32
          %dma_start3A_189 = tpu.memref_slice %arg6[%sub3A_187, %dma_start3A_188] : memref<80x128xi32, #tpu.memory_space<vmem>> -> memref<1x128xi32, #tpu.memory_space<vmem>>
          %dma_start3A_190 = tpu.memref_squeeze %dma_start3A_189 : memref<1x128xi32, #tpu.memory_space<vmem>> -> memref<128xi32, #tpu.memory_space<vmem>>
          %dma_start3A_191 = arith.constant 0 : i32
          %dma_start3A_192 = arith.constant 0 : i32
          %dma_start3A_193 = tpu.memref_slice %arg2[%dma_start3A_191, %dma_start3A_192] : memref<10000x64xf32, #tpu.memory_space<hbm>> -> memref<10000x64xf32, #tpu.memory_space<hbm>>
          tpu.enqueue_indirect_dma source(%dma_start3A_193 : memref<10000x64xf32, #tpu.memory_space<hbm>>) target(%arg9 : memref<128x64xf32, #tpu.memory_space<vmem>>) offsets(%dma_start3A_190 : memref<128xi32, #tpu.memory_space<vmem>>) semaphore(%arg13 : memref<!tpu.dma_semaphore, #tpu.memory_space<semaphore_mem>>)
        } else {
        }
        %dma_wait3A_143 = arith.constant 0 : i32
        %dma_wait3A_144 = arith.constant 0 : i32
        %dma_wait3A_145 = tpu.memref_slice %arg6[%dma_wait3A_143, %dma_wait3A_144] : memref<80x128xi32, #tpu.memory_space<vmem>> -> memref<1x128xi32, #tpu.memory_space<vmem>>
        %dma_wait3A_146 = tpu.memref_squeeze %dma_wait3A_145 : memref<1x128xi32, #tpu.memory_space<vmem>> -> memref<128xi32, #tpu.memory_space<vmem>>
        %dma_wait3A_147 = arith.constant 0 : i32
        %dma_wait3A_148 = arith.constant 0 : i32
        %dma_wait3A_149 = tpu.memref_slice %arg2[%dma_wait3A_147, %dma_wait3A_148] : memref<10000x64xf32, #tpu.memory_space<hbm>> -> memref<10000x64xf32, #tpu.memory_space<hbm>>
        tpu.wait_indirect_dma semaphore(%arg14 : memref<!tpu.dma_semaphore, #tpu.memory_space<semaphore_mem>>) src(%dma_wait3A_149 : memref<10000x64xf32, #tpu.memory_space<hbm>>) dst(%arg10 : memref<128x64xf32, #tpu.memory_space<vmem>>)
        %dma_start3A_150 = arith.constant 0 : i32
        %dma_start3A_151 = tpu.memref_slice %arg7[%add3A_133, %dma_start3A_150] : memref<80x128xi32, #tpu.memory_space<vmem>> -> memref<1x128xi32, #tpu.memory_space<vmem>>
        %dma_start3A_152 = tpu.memref_squeeze %dma_start3A_151 : memref<1x128xi32, #tpu.memory_space<vmem>> -> memref<128xi32, #tpu.memory_space<vmem>>
        %dma_start3A_153 = arith.constant 0 : i32
        %dma_start3A_154 = arith.constant 0 : i32
        %dma_start3A_155 = tpu.memref_slice %arg20[%dma_start3A_153, %dma_start3A_154] : memref<10240x64xf32, #tpu.memory_space<vmem_shared>> -> memref<10240x64xf32, #tpu.memory_space<vmem_shared>>
        tpu.enqueue_indirect_dma source(%arg10 : memref<128x64xf32, #tpu.memory_space<vmem>>) target(%dma_start3A_155 : memref<10240x64xf32, #tpu.memory_space<vmem_shared>>) offsets(%dma_start3A_152 : memref<128xi32, #tpu.memory_space<vmem>>) semaphore(%arg18 : memref<!tpu.dma_semaphore, #tpu.memory_space<semaphore_mem>>) {add = true}
        %add3A_156 = arith.constant 3 : i32
        %add3A_157 = arith.addi %mul3A_84, %add3A_156 : i32
        %add3A_158 = arith.constant 4 : i32
        %add3A_159 = arith.addi %add3A_157, %add3A_158 : i32
        %sub3A_160 = arith.constant 1 : i32
        %sub3A_161 = arith.subi %add3A_159, %sub3A_160 : i32
        %lt3A_162 = arith.constant 20 : i32
        %lt3A_163 = arith.cmpi slt, %sub3A_161, %lt3A_162 : i32
        %convert_element_type3A_164 = arith.extui %lt3A_163 : i1 to i32
        %cond3A_165 = arith.constant 0 : i32
        %cond3A_166 = arith.cmpi ne, %convert_element_type3A_164, %cond3A_165 : i32
        scf.if %cond3A_166 {
          %ge3A = arith.constant 1 : i32
          %ge3A_180 = arith.cmpi sge, %add3A_157, %ge3A : i32
          %convert_element_type3A_181 = arith.extui %ge3A_180 : i1 to i32
          %cond3A_182 = arith.constant 0 : i32
          %cond3A_183 = arith.cmpi ne, %convert_element_type3A_181, %cond3A_182 : i32
          scf.if %cond3A_183 {
            %dma_wait3A_194 = arith.constant 0 : i32
            %dma_wait3A_195 = arith.constant 0 : i32
            %dma_wait3A_196 = tpu.memref_slice %arg7[%dma_wait3A_194, %dma_wait3A_195] : memref<80x128xi32, #tpu.memory_space<vmem>> -> memref<1x128xi32, #tpu.memory_space<vmem>>
            %dma_wait3A_197 = tpu.memref_squeeze %dma_wait3A_196 : memref<1x128xi32, #tpu.memory_space<vmem>> -> memref<128xi32, #tpu.memory_space<vmem>>
            %dma_wait3A_198 = arith.constant 0 : i32
            %dma_wait3A_199 = arith.constant 0 : i32
            %dma_wait3A_200 = tpu.memref_slice %arg20[%dma_wait3A_198, %dma_wait3A_199] : memref<10240x64xf32, #tpu.memory_space<vmem_shared>> -> memref<10240x64xf32, #tpu.memory_space<vmem_shared>>
            tpu.wait_indirect_dma semaphore(%arg18 : memref<!tpu.dma_semaphore, #tpu.memory_space<semaphore_mem>>) src(%arg10 : memref<128x64xf32, #tpu.memory_space<vmem>>) dst(%dma_wait3A_200 : memref<10240x64xf32, #tpu.memory_space<vmem_shared>>)
          } else {
          }
          %add3A_184 = arith.constant 4 : i32
          %add3A_185 = arith.addi %add3A_157, %add3A_184 : i32
          %sub3A_186 = arith.constant 1 : i32
          %sub3A_187 = arith.subi %add3A_185, %sub3A_186 : i32
          %dma_start3A_188 = arith.constant 0 : i32
          %dma_start3A_189 = tpu.memref_slice %arg6[%sub3A_187, %dma_start3A_188] : memref<80x128xi32, #tpu.memory_space<vmem>> -> memref<1x128xi32, #tpu.memory_space<vmem>>
          %dma_start3A_190 = tpu.memref_squeeze %dma_start3A_189 : memref<1x128xi32, #tpu.memory_space<vmem>> -> memref<128xi32, #tpu.memory_space<vmem>>
          %dma_start3A_191 = arith.constant 0 : i32
          %dma_start3A_192 = arith.constant 0 : i32
          %dma_start3A_193 = tpu.memref_slice %arg2[%dma_start3A_191, %dma_start3A_192] : memref<10000x64xf32, #tpu.memory_space<hbm>> -> memref<10000x64xf32, #tpu.memory_space<hbm>>
          tpu.enqueue_indirect_dma source(%dma_start3A_193 : memref<10000x64xf32, #tpu.memory_space<hbm>>) target(%arg10 : memref<128x64xf32, #tpu.memory_space<vmem>>) offsets(%dma_start3A_190 : memref<128xi32, #tpu.memory_space<vmem>>) semaphore(%arg14 : memref<!tpu.dma_semaphore, #tpu.memory_space<semaphore_mem>>)
        } else {
        }
        %dma_wait3A_167 = arith.constant 0 : i32
        %dma_wait3A_168 = arith.constant 0 : i32
        %dma_wait3A_169 = tpu.memref_slice %arg6[%dma_wait3A_167, %dma_wait3A_168] : memref<80x128xi32, #tpu.memory_space<vmem>> -> memref<1x128xi32, #tpu.memory_space<vmem>>
        %dma_wait3A_170 = tpu.memref_squeeze %dma_wait3A_169 : memref<1x128xi32, #tpu.memory_space<vmem>> -> memref<128xi32, #tpu.memory_space<vmem>>
        %dma_wait3A_171 = arith.constant 0 : i32
        %dma_wait3A_172 = arith.constant 0 : i32
        %dma_wait3A_173 = tpu.memref_slice %arg2[%dma_wait3A_171, %dma_wait3A_172] : memref<10000x64xf32, #tpu.memory_space<hbm>> -> memref<10000x64xf32, #tpu.memory_space<hbm>>
        tpu.wait_indirect_dma semaphore(%arg15 : memref<!tpu.dma_semaphore, #tpu.memory_space<semaphore_mem>>) src(%dma_wait3A_173 : memref<10000x64xf32, #tpu.memory_space<hbm>>) dst(%arg11 : memref<128x64xf32, #tpu.memory_space<vmem>>)
        %dma_start3A_174 = arith.constant 0 : i32
        %dma_start3A_175 = tpu.memref_slice %arg7[%add3A_157, %dma_start3A_174] : memref<80x128xi32, #tpu.memory_space<vmem>> -> memref<1x128xi32, #tpu.memory_space<vmem>>
        %dma_start3A_176 = tpu.memref_squeeze %dma_start3A_175 : memref<1x128xi32, #tpu.memory_space<vmem>> -> memref<128xi32, #tpu.memory_space<vmem>>
        %dma_start3A_177 = arith.constant 0 : i32
        %dma_start3A_178 = arith.constant 0 : i32
        %dma_start3A_179 = tpu.memref_slice %arg20[%dma_start3A_177, %dma_start3A_178] : memref<10240x64xf32, #tpu.memory_space<vmem_shared>> -> memref<10240x64xf32, #tpu.memory_space<vmem_shared>>
        tpu.enqueue_indirect_dma source(%arg11 : memref<128x64xf32, #tpu.memory_space<vmem>>) target(%dma_start3A_179 : memref<10240x64xf32, #tpu.memory_space<vmem_shared>>) offsets(%dma_start3A_176 : memref<128xi32, #tpu.memory_space<vmem>>) semaphore(%arg19 : memref<!tpu.dma_semaphore, #tpu.memory_space<semaphore_mem>>) {add = true}
      }
      %scan3A_50 = arith.constant 5 : i32
      %dma_wait3A = arith.constant 0 : i32
      %dma_wait3A_51 = arith.constant 0 : i32
      %dma_wait3A_52 = tpu.memref_slice %arg7[%dma_wait3A, %dma_wait3A_51] : memref<80x128xi32, #tpu.memory_space<vmem>> -> memref<1x128xi32, #tpu.memory_space<vmem>>
      %dma_wait3A_53 = tpu.memref_squeeze %dma_wait3A_52 : memref<1x128xi32, #tpu.memory_space<vmem>> -> memref<128xi32, #tpu.memory_space<vmem>>
      %dma_wait3A_54 = arith.constant 0 : i32
      %dma_wait3A_55 = arith.constant 0 : i32
      %dma_wait3A_56 = tpu.memref_slice %arg20[%dma_wait3A_54, %dma_wait3A_55] : memref<10240x64xf32, #tpu.memory_space<vmem_shared>> -> memref<10240x64xf32, #tpu.memory_space<vmem_shared>>
      tpu.wait_indirect_dma semaphore(%arg16 : memref<!tpu.dma_semaphore, #tpu.memory_space<semaphore_mem>>) src(%arg8 : memref<128x64xf32, #tpu.memory_space<vmem>>) dst(%dma_wait3A_56 : memref<10240x64xf32, #tpu.memory_space<vmem_shared>>)
      %dma_wait3A_57 = arith.constant 0 : i32
      %dma_wait3A_58 = arith.constant 0 : i32
      %dma_wait3A_59 = tpu.memref_slice %arg7[%dma_wait3A_57, %dma_wait3A_58] : memref<80x128xi32, #tpu.memory_space<vmem>> -> memref<1x128xi32, #tpu.memory_space<vmem>>
      %dma_wait3A_60 = tpu.memref_squeeze %dma_wait3A_59 : memref<1x128xi32, #tpu.memory_space<vmem>> -> memref<128xi32, #tpu.memory_space<vmem>>
      %dma_wait3A_61 = arith.constant 0 : i32
      %dma_wait3A_62 = arith.constant 0 : i32
      %dma_wait3A_63 = tpu.memref_slice %arg20[%dma_wait3A_61, %dma_wait3A_62] : memref<10240x64xf32, #tpu.memory_space<vmem_shared>> -> memref<10240x64xf32, #tpu.memory_space<vmem_shared>>
      tpu.wait_indirect_dma semaphore(%arg17 : memref<!tpu.dma_semaphore, #tpu.memory_space<semaphore_mem>>) src(%arg9 : memref<128x64xf32, #tpu.memory_space<vmem>>) dst(%dma_wait3A_63 : memref<10240x64xf32, #tpu.memory_space<vmem_shared>>)
      %dma_wait3A_64 = arith.constant 0 : i32
      %dma_wait3A_65 = arith.constant 0 : i32
      %dma_wait3A_66 = tpu.memref_slice %arg7[%dma_wait3A_64, %dma_wait3A_65] : memref<80x128xi32, #tpu.memory_space<vmem>> -> memref<1x128xi32, #tpu.memory_space<vmem>>
      %dma_wait3A_67 = tpu.memref_squeeze %dma_wait3A_66 : memref<1x128xi32, #tpu.memory_space<vmem>> -> memref<128xi32, #tpu.memory_space<vmem>>
      %dma_wait3A_68 = arith.constant 0 : i32
      %dma_wait3A_69 = arith.constant 0 : i32
      %dma_wait3A_70 = tpu.memref_slice %arg20[%dma_wait3A_68, %dma_wait3A_69] : memref<10240x64xf32, #tpu.memory_space<vmem_shared>> -> memref<10240x64xf32, #tpu.memory_space<vmem_shared>>
      tpu.wait_indirect_dma semaphore(%arg18 : memref<!tpu.dma_semaphore, #tpu.memory_space<semaphore_mem>>) src(%arg10 : memref<128x64xf32, #tpu.memory_space<vmem>>) dst(%dma_wait3A_70 : memref<10240x64xf32, #tpu.memory_space<vmem_shared>>)
      %dma_wait3A_71 = arith.constant 0 : i32
      %dma_wait3A_72 = arith.constant 0 : i32
      %dma_wait3A_73 = tpu.memref_slice %arg7[%dma_wait3A_71, %dma_wait3A_72] : memref<80x128xi32, #tpu.memory_space<vmem>> -> memref<1x128xi32, #tpu.memory_space<vmem>>
      %dma_wait3A_74 = tpu.memref_squeeze %dma_wait3A_73 : memref<1x128xi32, #tpu.memory_space<vmem>> -> memref<128xi32, #tpu.memory_space<vmem>>
      %dma_wait3A_75 = arith.constant 0 : i32
      %dma_wait3A_76 = arith.constant 0 : i32
      %dma_wait3A_77 = tpu.memref_slice %arg20[%dma_wait3A_75, %dma_wait3A_76] : memref<10240x64xf32, #tpu.memory_space<vmem_shared>> -> memref<10240x64xf32, #tpu.memory_space<vmem_shared>>
      tpu.wait_indirect_dma semaphore(%arg19 : memref<!tpu.dma_semaphore, #tpu.memory_space<semaphore_mem>>) src(%arg11 : memref<128x64xf32, #tpu.memory_space<vmem>>) dst(%dma_wait3A_77 : memref<10240x64xf32, #tpu.memory_space<vmem_shared>>)
    } else {
    }
    %barrier3A_24 = arith.constant 0 : index
    tpu.barrier barrier_id(%barrier3A_24)
    %mul3A_25 = arith.constant 640 : i32
    %mul3A_26 = arith.muli %arg1, %mul3A_25 : i32
    "tpu.region"() ({
      %run_scoped3A = tpu.sem_alloc : memref<!tpu.dma_semaphore, #tpu.memory_space<semaphore_mem>>
      %dma_start3A = arith.constant 0 : i32
      %dma_start3A_27 = arith.constant 0 : i32
      %dma_start3A_28 = tpu.memref_slice %arg5[%arg0, %dma_start3A, %dma_start3A_27] : memref<2x10240x64xf32, #tpu.memory_space<hbm>> -> memref<1x10240x64xf32, #tpu.memory_space<hbm>>
      %dma_start3A_29 = tpu.memref_squeeze %dma_start3A_28 : memref<1x10240x64xf32, #tpu.memory_space<hbm>> -> memref<10240x64xf32, #tpu.memory_space<hbm>>
      %dma_start3A_30 = arith.constant 0 : i32
      %dma_start3A_31 = tpu.memref_slice %dma_start3A_29[%mul3A_26, %dma_start3A_30] : memref<10240x64xf32, #tpu.memory_space<hbm>> -> memref<640x64xf32, #tpu.memory_space<hbm>>
      %dma_start3A_32 = arith.constant 0 : i32
      %dma_start3A_33 = tpu.memref_slice %arg20[%mul3A_26, %dma_start3A_32] : memref<10240x64xf32, #tpu.memory_space<vmem_shared>> -> memref<640x64xf32, #tpu.memory_space<vmem_shared>>
      tpu.enqueue_dma source(%dma_start3A_33 : memref<640x64xf32, #tpu.memory_space<vmem_shared>>) target(%dma_start3A_31 : memref<640x64xf32, #tpu.memory_space<hbm>>) target_semaphore(%run_scoped3A : memref<!tpu.dma_semaphore, #tpu.memory_space<semaphore_mem>>)
      %dma_wait3A = arith.constant 0 : i32
      %dma_wait3A_34 = arith.constant 0 : i32
      %dma_wait3A_35 = tpu.memref_slice %arg5[%arg0, %dma_wait3A, %dma_wait3A_34] : memref<2x10240x64xf32, #tpu.memory_space<hbm>> -> memref<1x10240x64xf32, #tpu.memory_space<hbm>>
      %dma_wait3A_36 = tpu.memref_squeeze %dma_wait3A_35 : memref<1x10240x64xf32, #tpu.memory_space<hbm>> -> memref<10240x64xf32, #tpu.memory_space<hbm>>
      %dma_wait3A_37 = arith.constant 0 : i32
      %dma_wait3A_38 = tpu.memref_slice %dma_wait3A_36[%mul3A_26, %dma_wait3A_37] : memref<10240x64xf32, #tpu.memory_space<hbm>> -> memref<640x64xf32, #tpu.memory_space<hbm>>
      %dma_wait3A_39 = arith.constant 0 : i32
      %dma_wait3A_40 = tpu.memref_slice %arg20[%mul3A_26, %dma_wait3A_39] : memref<10240x64xf32, #tpu.memory_space<vmem_shared>> -> memref<640x64xf32, #tpu.memory_space<vmem_shared>>
      tpu.wait_dma2 semaphore(%run_scoped3A : memref<!tpu.dma_semaphore, #tpu.memory_space<semaphore_mem>>) src(%dma_wait3A_40 : memref<640x64xf32, #tpu.memory_space<vmem_shared>>) dst(%dma_wait3A_38 : memref<640x64xf32, #tpu.memory_space<hbm>>)
      tpu.yield
    }) : () -> ()
    return
  }
}

#map = affine_map<(d0, d1) -> (0, 0)>
#map1 = affine_map<(d0, d1) -> (0, 0, 0)>
module attributes {stable_mosaic.version = 14 : i64} {
  func.func @_hist_kernel(%arg0: i32, %arg1: i32, %arg2: memref<2500x128xi32, #tpu.memory_space<hbm>>, %arg3: memref<2x10240x16xf32, #tpu.memory_space<hbm>>, %arg4: memref<80x128xi32, #tpu.memory_space<vmem>>, %arg5: memref<640x16xf32, #tpu.memory_space<vmem>>, %arg6: memref<!tpu.dma_semaphore, #tpu.memory_space<semaphore_mem>>, %arg7: memref<!tpu.dma_semaphore, #tpu.memory_space<semaphore_mem>>, %arg8: memref<!tpu.dma_semaphore, #tpu.memory_space<semaphore_mem>>, %arg9: memref<!tpu.dma_semaphore, #tpu.memory_space<semaphore_mem>>, %arg10: memref<10240x16xf32, #tpu.memory_space<vmem_shared>>) attributes {dimension_semantics = [#tpu.dimension_semantics<core_parallel>, #tpu.dimension_semantics<subcore_parallel>], iteration_bounds = array<i64: 2, 16>, scalar_prefetch = 0 : i64, scratch_operands = 7 : i64, tpu.core_type = #tpu.core_type<sc_vector_subcore>, window_params = [{transform_indices = #map}, {transform_indices = #map1}]} {
    %mul3A = arith.constant 2 : i32
    %mul3A_0 = arith.muli %arg1, %mul3A : i32
    %add3A = arith.addi %mul3A_0, %arg0 : i32
    %eq3A = arith.constant 31 : i32
    %eq3A_1 = arith.cmpi eq, %add3A, %eq3A : i32
    %jit3A = arith.constant 20 : i32
    %jit3A_2 = arith.constant 80 : i32
    %select_n3A = arith.select %eq3A_1, %jit3A, %jit3A_2 : i32
    %lt3A = arith.constant 31 : i32
    %lt3A_3 = arith.cmpi slt, %add3A, %lt3A : i32
    %convert_element_type3A = arith.extui %lt3A_3 : i1 to i32
    %cond3A = arith.constant 0 : i32
    %cond3A_4 = arith.cmpi ne, %convert_element_type3A, %cond3A : i32
    scf.if %cond3A_4 {
      %mul3A_100 = arith.constant 80 : i32
      %mul3A_101 = arith.muli %add3A, %mul3A_100 : i32
      "tpu.region"() ({
        %run_scoped3A = tpu.sem_alloc : memref<!tpu.dma_semaphore, #tpu.memory_space<semaphore_mem>>
        %dma_start3A = arith.constant 0 : i32
        %dma_start3A_102 = tpu.memref_slice %arg2[%mul3A_101, %dma_start3A] : memref<2500x128xi32, #tpu.memory_space<hbm>> -> memref<80x128xi32, #tpu.memory_space<hbm>>
        %dma_start3A_103 = arith.constant 0 : i32
        %dma_start3A_104 = tpu.memref_slice %arg2[%mul3A_101, %dma_start3A_103] : memref<2500x128xi32, #tpu.memory_space<hbm>> -> memref<80x128xi32, #tpu.memory_space<hbm>>
        tpu.enqueue_dma source(%dma_start3A_104 : memref<80x128xi32, #tpu.memory_space<hbm>>) target(%arg4 : memref<80x128xi32, #tpu.memory_space<vmem>>) target_semaphore(%run_scoped3A : memref<!tpu.dma_semaphore, #tpu.memory_space<semaphore_mem>>)
        %dma_wait3A_105 = arith.constant 0 : i32
        %dma_wait3A_106 = tpu.memref_slice %arg2[%mul3A_101, %dma_wait3A_105] : memref<2500x128xi32, #tpu.memory_space<hbm>> -> memref<80x128xi32, #tpu.memory_space<hbm>>
        %dma_wait3A_107 = arith.constant 0 : i32
        %dma_wait3A_108 = tpu.memref_slice %arg2[%mul3A_101, %dma_wait3A_107] : memref<2500x128xi32, #tpu.memory_space<hbm>> -> memref<80x128xi32, #tpu.memory_space<hbm>>
        tpu.wait_dma2 semaphore(%run_scoped3A : memref<!tpu.dma_semaphore, #tpu.memory_space<semaphore_mem>>) src(%dma_wait3A_108 : memref<80x128xi32, #tpu.memory_space<hbm>>) dst(%arg4 : memref<80x128xi32, #tpu.memory_space<vmem>>)
        tpu.yield
      }) : () -> ()
    } else {
    }
    %eq3A_5 = arith.constant 31 : i32
    %eq3A_6 = arith.cmpi eq, %add3A, %eq3A_5 : i32
    %convert_element_type3A_7 = arith.extui %eq3A_6 : i1 to i32
    %cond3A_8 = arith.constant 0 : i32
    %cond3A_9 = arith.cmpi ne, %convert_element_type3A_7, %cond3A_8 : i32
    scf.if %cond3A_9 {
      %mul3A_100 = arith.constant 80 : i32
      %mul3A_101 = arith.muli %add3A, %mul3A_100 : i32
      "tpu.region"() ({
        %run_scoped3A = tpu.sem_alloc : memref<!tpu.dma_semaphore, #tpu.memory_space<semaphore_mem>>
        %dma_start3A = arith.constant 0 : i32
        %dma_start3A_102 = arith.constant 0 : i32
        %dma_start3A_103 = tpu.memref_slice %arg4[%dma_start3A, %dma_start3A_102] : memref<80x128xi32, #tpu.memory_space<vmem>> -> memref<20x128xi32, #tpu.memory_space<vmem>>
        %dma_start3A_104 = arith.constant 0 : i32
        %dma_start3A_105 = tpu.memref_slice %arg2[%mul3A_101, %dma_start3A_104] : memref<2500x128xi32, #tpu.memory_space<hbm>> -> memref<20x128xi32, #tpu.memory_space<hbm>>
        %dma_start3A_106 = arith.constant 0 : i32
        %dma_start3A_107 = arith.constant 0 : i32
        %dma_start3A_108 = tpu.memref_slice %arg4[%dma_start3A_106, %dma_start3A_107] : memref<80x128xi32, #tpu.memory_space<vmem>> -> memref<20x128xi32, #tpu.memory_space<vmem>>
        %dma_start3A_109 = arith.constant 0 : i32
        %dma_start3A_110 = tpu.memref_slice %arg2[%mul3A_101, %dma_start3A_109] : memref<2500x128xi32, #tpu.memory_space<hbm>> -> memref<20x128xi32, #tpu.memory_space<hbm>>
        tpu.enqueue_dma source(%dma_start3A_110 : memref<20x128xi32, #tpu.memory_space<hbm>>) target(%dma_start3A_108 : memref<20x128xi32, #tpu.memory_space<vmem>>) target_semaphore(%run_scoped3A : memref<!tpu.dma_semaphore, #tpu.memory_space<semaphore_mem>>)
        %dma_wait3A_111 = arith.constant 0 : i32
        %dma_wait3A_112 = arith.constant 0 : i32
        %dma_wait3A_113 = tpu.memref_slice %arg4[%dma_wait3A_111, %dma_wait3A_112] : memref<80x128xi32, #tpu.memory_space<vmem>> -> memref<20x128xi32, #tpu.memory_space<vmem>>
        %dma_wait3A_114 = arith.constant 0 : i32
        %dma_wait3A_115 = tpu.memref_slice %arg2[%mul3A_101, %dma_wait3A_114] : memref<2500x128xi32, #tpu.memory_space<hbm>> -> memref<20x128xi32, #tpu.memory_space<hbm>>
        %dma_wait3A_116 = arith.constant 0 : i32
        %dma_wait3A_117 = arith.constant 0 : i32
        %dma_wait3A_118 = tpu.memref_slice %arg4[%dma_wait3A_116, %dma_wait3A_117] : memref<80x128xi32, #tpu.memory_space<vmem>> -> memref<20x128xi32, #tpu.memory_space<vmem>>
        %dma_wait3A_119 = arith.constant 0 : i32
        %dma_wait3A_120 = tpu.memref_slice %arg2[%mul3A_101, %dma_wait3A_119] : memref<2500x128xi32, #tpu.memory_space<hbm>> -> memref<20x128xi32, #tpu.memory_space<hbm>>
        tpu.wait_dma2 semaphore(%run_scoped3A : memref<!tpu.dma_semaphore, #tpu.memory_space<semaphore_mem>>) src(%dma_wait3A_120 : memref<20x128xi32, #tpu.memory_space<hbm>>) dst(%dma_wait3A_118 : memref<20x128xi32, #tpu.memory_space<vmem>>)
        tpu.yield
      }) : () -> ()
    } else {
    }
    %broadcast_in_dim3A = arith.constant 0.000000e+00 : f32
    %broadcast_in_dim3A_10 = vector.broadcast %broadcast_in_dim3A : f32 to vector<16xf32>
    %scan3A = arith.constant 0 : i32
    %scan3A_11 = arith.constant 640 : i32
    %scan3A_12 = arith.addi %scan3A, %scan3A_11 : i32
    %scan3A_13 = arith.constant 1 : i32
    scf.for %scan3A_100 = %scan3A to %scan3A_12 step %scan3A_13  : i32 {
      %mul3A_101 = arith.constant 1 : i32
      %mul3A_102 = arith.muli %scan3A_100, %mul3A_101 : i32
      %add3A_103 = arith.constant 0 : i32
      %add3A_104 = arith.addi %add3A_103, %mul3A_102 : i32
      %swap3A = arith.index_cast %add3A_104 : i32 to index
      %swap3A_105 = arith.constant 0 : index
      %swap3A_106 = tpu.vector_load %arg5[%swap3A, %swap3A_105] {strides = array<i32>} : memref<640x16xf32, #tpu.memory_space<vmem>>, vector<1x16xf32>,
      %swap3A_107 = vector.shape_cast %swap3A_106 : vector<1x16xf32> to vector<16xf32>
      %swap3A_108 = vector.shape_cast %broadcast_in_dim3A_10 : vector<16xf32> to vector<1x16xf32>
      tpu.vector_store %arg5[%swap3A, %swap3A_105], %swap3A_108 {strides = array<i32>} : memref<640x16xf32, #tpu.memory_space<vmem>>, vector<1x16xf32>,
    }
    %scan3A_14 = arith.constant 640 : i32
    %mul3A_15 = arith.constant 640 : i32
    %mul3A_16 = arith.muli %arg1, %mul3A_15 : i32
    "tpu.region"() ({
      %run_scoped3A = tpu.sem_alloc : memref<!tpu.dma_semaphore, #tpu.memory_space<semaphore_mem>>
      %dma_start3A = arith.constant 0 : i32
      %dma_start3A_100 = tpu.memref_slice %arg10[%mul3A_16, %dma_start3A] : memref<10240x16xf32, #tpu.memory_space<vmem_shared>> -> memref<640x16xf32, #tpu.memory_space<vmem_shared>>
      %dma_start3A_101 = arith.constant 0 : i32
      %dma_start3A_102 = tpu.memref_slice %arg10[%mul3A_16, %dma_start3A_101] : memref<10240x16xf32, #tpu.memory_space<vmem_shared>> -> memref<640x16xf32, #tpu.memory_space<vmem_shared>>
      tpu.enqueue_dma source(%arg5 : memref<640x16xf32, #tpu.memory_space<vmem>>) target(%dma_start3A_102 : memref<640x16xf32, #tpu.memory_space<vmem_shared>>) target_semaphore(%run_scoped3A : memref<!tpu.dma_semaphore, #tpu.memory_space<semaphore_mem>>)
      %dma_wait3A_103 = arith.constant 0 : i32
      %dma_wait3A_104 = tpu.memref_slice %arg10[%mul3A_16, %dma_wait3A_103] : memref<10240x16xf32, #tpu.memory_space<vmem_shared>> -> memref<640x16xf32, #tpu.memory_space<vmem_shared>>
      %dma_wait3A_105 = arith.constant 0 : i32
      %dma_wait3A_106 = tpu.memref_slice %arg10[%mul3A_16, %dma_wait3A_105] : memref<10240x16xf32, #tpu.memory_space<vmem_shared>> -> memref<640x16xf32, #tpu.memory_space<vmem_shared>>
      tpu.wait_dma2 semaphore(%run_scoped3A : memref<!tpu.dma_semaphore, #tpu.memory_space<semaphore_mem>>) src(%arg5 : memref<640x16xf32, #tpu.memory_space<vmem>>) dst(%dma_wait3A_106 : memref<640x16xf32, #tpu.memory_space<vmem_shared>>)
      tpu.yield
    }) : () -> ()
    %broadcast_in_dim3A_17 = arith.constant 1.000000e+00 : f32
    %broadcast_in_dim3A_18 = vector.broadcast %broadcast_in_dim3A_17 : f32 to vector<16xf32>
    %scan3A_19 = arith.constant 0 : i32
    %scan3A_20 = arith.constant 128 : i32
    %scan3A_21 = arith.addi %scan3A_19, %scan3A_20 : i32
    %scan3A_22 = arith.constant 1 : i32
    scf.for %scan3A_100 = %scan3A_19 to %scan3A_21 step %scan3A_22  : i32 {
      %mul3A_101 = arith.constant 1 : i32
      %mul3A_102 = arith.muli %scan3A_100, %mul3A_101 : i32
      %add3A_103 = arith.constant 0 : i32
      %add3A_104 = arith.addi %add3A_103, %mul3A_102 : i32
      %swap3A = arith.index_cast %add3A_104 : i32 to index
      %swap3A_105 = arith.constant 0 : index
      %swap3A_106 = tpu.vector_load %arg5[%swap3A, %swap3A_105] {strides = array<i32>} : memref<640x16xf32, #tpu.memory_space<vmem>>, vector<1x16xf32>,
      %swap3A_107 = vector.shape_cast %swap3A_106 : vector<1x16xf32> to vector<16xf32>
      %swap3A_108 = vector.shape_cast %broadcast_in_dim3A_18 : vector<16xf32> to vector<1x16xf32>
      tpu.vector_store %arg5[%swap3A, %swap3A_105], %swap3A_108 {strides = array<i32>} : memref<640x16xf32, #tpu.memory_space<vmem>>, vector<1x16xf32>,
    }
    %scan3A_23 = arith.constant 128 : i32
    %barrier3A = arith.constant 0 : index
    tpu.barrier barrier_id(%barrier3A)
    %jit3A_24 = arith.constant 4 : i32
    %div3A = arith.divsi %select_n3A, %jit3A_24 : i32
    %sign3A = arith.constant 0 : i32
    %sign3A_25 = arith.cmpi sgt, %select_n3A, %sign3A : i32
    %sign3A_26 = arith.extui %sign3A_25 : i1 to i32
    %sign3A_27 = arith.constant 0 : i32
    %sign3A_28 = arith.cmpi slt, %select_n3A, %sign3A_27 : i32
    %sign3A_29 = arith.extui %sign3A_28 : i1 to i32
    %sign3A_30 = arith.subi %sign3A_26, %sign3A_29 : i32
    %sign3A_31 = arith.constant 0 : i32
    %sign3A_32 = arith.cmpi sgt, %jit3A_24, %sign3A_31 : i32
    %sign3A_33 = arith.extui %sign3A_32 : i1 to i32
    %sign3A_34 = arith.constant 0 : i32
    %sign3A_35 = arith.cmpi slt, %jit3A_24, %sign3A_34 : i32
    %sign3A_36 = arith.extui %sign3A_35 : i1 to i32
    %sign3A_37 = arith.subi %sign3A_33, %sign3A_36 : i32
    %ne3A = arith.cmpi ne, %sign3A_30, %sign3A_37 : i32
    %rem3A = arith.remsi %select_n3A, %jit3A_24 : i32
    %ne3A_38 = arith.constant 0 : i32
    %ne3A_39 = arith.cmpi ne, %rem3A, %ne3A_38 : i32
    %and3A = arith.andi %ne3A, %ne3A_39 : i1
    %sub3A = arith.constant 1 : i32
    %sub3A_40 = arith.subi %div3A, %sub3A : i32
    %select_n3A_41 = arith.select %and3A, %sub3A_40, %div3A : i32
    %sub3A_42 = arith.constant 0 : i32
    %sub3A_43 = arith.subi %select_n3A_41, %sub3A_42 : i32
    %sub3A_44 = arith.constant 1 : i32
    %sub3A_45 = arith.constant 1 : i32
    %sub3A_46 = arith.subi %sub3A_44, %sub3A_45 : i32
    %add3A_47 = arith.addi %sub3A_43, %sub3A_46 : i32
    %div3A_48 = arith.constant 1 : i32
    %div3A_49 = arith.divsi %add3A_47, %div3A_48 : i32
    %while3A = arith.constant 1 : i32
    %while3A_50 = arith.constant 0 : i32
    %while3A_51 = arith.constant 0 : i32
    %while3A_52 = arith.subi %div3A_49, %while3A_51 : i32
    %while3A_53 = arith.addi %while3A_51, %while3A_52 : i32
    %while3A_54 = arith.constant 1 : i32
    %while3A_55 = arith.divsi %while3A_52, %while3A_54 : i32
    %while3A_56 = arith.muli %while3A_55, %while3A_54 : i32
    %while3A_57 = arith.addi %while3A_51, %while3A_56 : i32
    %while3A_58 = arith.constant 1 : i32
    scf.for %while3A_100 = %while3A_51 to %while3A_57 step %while3A_58  : i32 {
      %mul3A_101 = arith.muli %while3A_100, %while3A : i32
      %add3A_102 = arith.addi %while3A_50, %mul3A_101 : i32
      %mul3A_103 = arith.constant 4 : i32
      %mul3A_104 = arith.muli %add3A_102, %mul3A_103 : i32
      %gt3A = arith.constant 0 : i32
      %gt3A_105 = arith.cmpi sgt, %add3A_102, %gt3A : i32
      %convert_element_type3A_106 = arith.extui %gt3A_105 : i1 to i32
      %cond3A_107 = arith.constant 0 : i32
      %cond3A_108 = arith.cmpi ne, %convert_element_type3A_106, %cond3A_107 : i32
      scf.if %cond3A_108 {
        %dma_wait3A_167 = arith.constant 0 : i32
        %dma_wait3A_168 = arith.constant 0 : i32
        %dma_wait3A_169 = arith.constant 0 : i32
        %dma_wait3A_170 = tpu.memref_slice %arg5[%dma_wait3A_168, %dma_wait3A_169] : memref<640x16xf32, #tpu.memory_space<vmem>> -> memref<128x16xf32, #tpu.memory_space<vmem>>
        %dma_wait3A_171 = arith.constant 0 : i32
        %dma_wait3A_172 = tpu.memref_slice %arg4[%dma_wait3A_167, %dma_wait3A_171] : memref<80x128xi32, #tpu.memory_space<vmem>> -> memref<1x128xi32, #tpu.memory_space<vmem>>
        %dma_wait3A_173 = tpu.memref_squeeze %dma_wait3A_172 : memref<1x128xi32, #tpu.memory_space<vmem>> -> memref<128xi32, #tpu.memory_space<vmem>>
        %dma_wait3A_174 = arith.constant 0 : i32
        %dma_wait3A_175 = arith.constant 0 : i32
        %dma_wait3A_176 = tpu.memref_slice %arg10[%dma_wait3A_174, %dma_wait3A_175] : memref<10240x16xf32, #tpu.memory_space<vmem_shared>> -> memref<10240x16xf32, #tpu.memory_space<vmem_shared>>
        tpu.wait_indirect_dma semaphore(%arg6 : memref<!tpu.dma_semaphore, #tpu.memory_space<semaphore_mem>>) src(%dma_wait3A_170 : memref<128x16xf32, #tpu.memory_space<vmem>>) dst(%dma_wait3A_176 : memref<10240x16xf32, #tpu.memory_space<vmem_shared>>)
      } else {
      }
      %add3A_109 = arith.constant 0 : i32
      %add3A_110 = arith.addi %mul3A_104, %add3A_109 : i32
      %dma_start3A = arith.constant 0 : i32
      %dma_start3A_111 = arith.constant 0 : i32
      %dma_start3A_112 = tpu.memref_slice %arg5[%dma_start3A, %dma_start3A_111] : memref<640x16xf32, #tpu.memory_space<vmem>> -> memref<128x16xf32, #tpu.memory_space<vmem>>
      %dma_start3A_113 = arith.constant 0 : i32
      %dma_start3A_114 = tpu.memref_slice %arg4[%add3A_110, %dma_start3A_113] : memref<80x128xi32, #tpu.memory_space<vmem>> -> memref<1x128xi32, #tpu.memory_space<vmem>>
      %dma_start3A_115 = tpu.memref_squeeze %dma_start3A_114 : memref<1x128xi32, #tpu.memory_space<vmem>> -> memref<128xi32, #tpu.memory_space<vmem>>
      %dma_start3A_116 = arith.constant 0 : i32
      %dma_start3A_117 = arith.constant 0 : i32
      %dma_start3A_118 = tpu.memref_slice %arg10[%dma_start3A_116, %dma_start3A_117] : memref<10240x16xf32, #tpu.memory_space<vmem_shared>> -> memref<10240x16xf32, #tpu.memory_space<vmem_shared>>
      tpu.enqueue_indirect_dma source(%dma_start3A_112 : memref<128x16xf32, #tpu.memory_space<vmem>>) target(%dma_start3A_118 : memref<10240x16xf32, #tpu.memory_space<vmem_shared>>) offsets(%dma_start3A_115 : memref<128xi32, #tpu.memory_space<vmem>>) semaphore(%arg6 : memref<!tpu.dma_semaphore, #tpu.memory_space<semaphore_mem>>) {add = true}
      %gt3A_119 = arith.constant 0 : i32
      %gt3A_120 = arith.cmpi sgt, %add3A_102, %gt3A_119 : i32
      %convert_element_type3A_121 = arith.extui %gt3A_120 : i1 to i32
      %cond3A_122 = arith.constant 0 : i32
      %cond3A_123 = arith.cmpi ne, %convert_element_type3A_121, %cond3A_122 : i32
      scf.if %cond3A_123 {
        %dma_wait3A_167 = arith.constant 0 : i32
        %dma_wait3A_168 = arith.constant 0 : i32
        %dma_wait3A_169 = arith.constant 0 : i32
        %dma_wait3A_170 = tpu.memref_slice %arg5[%dma_wait3A_168, %dma_wait3A_169] : memref<640x16xf32, #tpu.memory_space<vmem>> -> memref<128x16xf32, #tpu.memory_space<vmem>>
        %dma_wait3A_171 = arith.constant 0 : i32
        %dma_wait3A_172 = tpu.memref_slice %arg4[%dma_wait3A_167, %dma_wait3A_171] : memref<80x128xi32, #tpu.memory_space<vmem>> -> memref<1x128xi32, #tpu.memory_space<vmem>>
        %dma_wait3A_173 = tpu.memref_squeeze %dma_wait3A_172 : memref<1x128xi32, #tpu.memory_space<vmem>> -> memref<128xi32, #tpu.memory_space<vmem>>
        %dma_wait3A_174 = arith.constant 0 : i32
        %dma_wait3A_175 = arith.constant 0 : i32
        %dma_wait3A_176 = tpu.memref_slice %arg10[%dma_wait3A_174, %dma_wait3A_175] : memref<10240x16xf32, #tpu.memory_space<vmem_shared>> -> memref<10240x16xf32, #tpu.memory_space<vmem_shared>>
        tpu.wait_indirect_dma semaphore(%arg7 : memref<!tpu.dma_semaphore, #tpu.memory_space<semaphore_mem>>) src(%dma_wait3A_170 : memref<128x16xf32, #tpu.memory_space<vmem>>) dst(%dma_wait3A_176 : memref<10240x16xf32, #tpu.memory_space<vmem_shared>>)
      } else {
      }
      %add3A_124 = arith.constant 1 : i32
      %add3A_125 = arith.addi %mul3A_104, %add3A_124 : i32
      %dma_start3A_126 = arith.constant 0 : i32
      %dma_start3A_127 = arith.constant 0 : i32
      %dma_start3A_128 = tpu.memref_slice %arg5[%dma_start3A_126, %dma_start3A_127] : memref<640x16xf32, #tpu.memory_space<vmem>> -> memref<128x16xf32, #tpu.memory_space<vmem>>
      %dma_start3A_129 = arith.constant 0 : i32
      %dma_start3A_130 = tpu.memref_slice %arg4[%add3A_125, %dma_start3A_129] : memref<80x128xi32, #tpu.memory_space<vmem>> -> memref<1x128xi32, #tpu.memory_space<vmem>>
      %dma_start3A_131 = tpu.memref_squeeze %dma_start3A_130 : memref<1x128xi32, #tpu.memory_space<vmem>> -> memref<128xi32, #tpu.memory_space<vmem>>
      %dma_start3A_132 = arith.constant 0 : i32
      %dma_start3A_133 = arith.constant 0 : i32
      %dma_start3A_134 = tpu.memref_slice %arg10[%dma_start3A_132, %dma_start3A_133] : memref<10240x16xf32, #tpu.memory_space<vmem_shared>> -> memref<10240x16xf32, #tpu.memory_space<vmem_shared>>
      tpu.enqueue_indirect_dma source(%dma_start3A_128 : memref<128x16xf32, #tpu.memory_space<vmem>>) target(%dma_start3A_134 : memref<10240x16xf32, #tpu.memory_space<vmem_shared>>) offsets(%dma_start3A_131 : memref<128xi32, #tpu.memory_space<vmem>>) semaphore(%arg7 : memref<!tpu.dma_semaphore, #tpu.memory_space<semaphore_mem>>) {add = true}
      %gt3A_135 = arith.constant 0 : i32
      %gt3A_136 = arith.cmpi sgt, %add3A_102, %gt3A_135 : i32
      %convert_element_type3A_137 = arith.extui %gt3A_136 : i1 to i32
      %cond3A_138 = arith.constant 0 : i32
      %cond3A_139 = arith.cmpi ne, %convert_element_type3A_137, %cond3A_138 : i32
      scf.if %cond3A_139 {
        %dma_wait3A_167 = arith.constant 0 : i32
        %dma_wait3A_168 = arith.constant 0 : i32
        %dma_wait3A_169 = arith.constant 0 : i32
        %dma_wait3A_170 = tpu.memref_slice %arg5[%dma_wait3A_168, %dma_wait3A_169] : memref<640x16xf32, #tpu.memory_space<vmem>> -> memref<128x16xf32, #tpu.memory_space<vmem>>
        %dma_wait3A_171 = arith.constant 0 : i32
        %dma_wait3A_172 = tpu.memref_slice %arg4[%dma_wait3A_167, %dma_wait3A_171] : memref<80x128xi32, #tpu.memory_space<vmem>> -> memref<1x128xi32, #tpu.memory_space<vmem>>
        %dma_wait3A_173 = tpu.memref_squeeze %dma_wait3A_172 : memref<1x128xi32, #tpu.memory_space<vmem>> -> memref<128xi32, #tpu.memory_space<vmem>>
        %dma_wait3A_174 = arith.constant 0 : i32
        %dma_wait3A_175 = arith.constant 0 : i32
        %dma_wait3A_176 = tpu.memref_slice %arg10[%dma_wait3A_174, %dma_wait3A_175] : memref<10240x16xf32, #tpu.memory_space<vmem_shared>> -> memref<10240x16xf32, #tpu.memory_space<vmem_shared>>
        tpu.wait_indirect_dma semaphore(%arg8 : memref<!tpu.dma_semaphore, #tpu.memory_space<semaphore_mem>>) src(%dma_wait3A_170 : memref<128x16xf32, #tpu.memory_space<vmem>>) dst(%dma_wait3A_176 : memref<10240x16xf32, #tpu.memory_space<vmem_shared>>)
      } else {
      }
      %add3A_140 = arith.constant 2 : i32
      %add3A_141 = arith.addi %mul3A_104, %add3A_140 : i32
      %dma_start3A_142 = arith.constant 0 : i32
      %dma_start3A_143 = arith.constant 0 : i32
      %dma_start3A_144 = tpu.memref_slice %arg5[%dma_start3A_142, %dma_start3A_143] : memref<640x16xf32, #tpu.memory_space<vmem>> -> memref<128x16xf32, #tpu.memory_space<vmem>>
      %dma_start3A_145 = arith.constant 0 : i32
      %dma_start3A_146 = tpu.memref_slice %arg4[%add3A_141, %dma_start3A_145] : memref<80x128xi32, #tpu.memory_space<vmem>> -> memref<1x128xi32, #tpu.memory_space<vmem>>
      %dma_start3A_147 = tpu.memref_squeeze %dma_start3A_146 : memref<1x128xi32, #tpu.memory_space<vmem>> -> memref<128xi32, #tpu.memory_space<vmem>>
      %dma_start3A_148 = arith.constant 0 : i32
      %dma_start3A_149 = arith.constant 0 : i32
      %dma_start3A_150 = tpu.memref_slice %arg10[%dma_start3A_148, %dma_start3A_149] : memref<10240x16xf32, #tpu.memory_space<vmem_shared>> -> memref<10240x16xf32, #tpu.memory_space<vmem_shared>>
      tpu.enqueue_indirect_dma source(%dma_start3A_144 : memref<128x16xf32, #tpu.memory_space<vmem>>) target(%dma_start3A_150 : memref<10240x16xf32, #tpu.memory_space<vmem_shared>>) offsets(%dma_start3A_147 : memref<128xi32, #tpu.memory_space<vmem>>) semaphore(%arg8 : memref<!tpu.dma_semaphore, #tpu.memory_space<semaphore_mem>>) {add = true}
      %gt3A_151 = arith.constant 0 : i32
      %gt3A_152 = arith.cmpi sgt, %add3A_102, %gt3A_151 : i32
      %convert_element_type3A_153 = arith.extui %gt3A_152 : i1 to i32
      %cond3A_154 = arith.constant 0 : i32
      %cond3A_155 = arith.cmpi ne, %convert_element_type3A_153, %cond3A_154 : i32
      scf.if %cond3A_155 {
        %dma_wait3A_167 = arith.constant 0 : i32
        %dma_wait3A_168 = arith.constant 0 : i32
        %dma_wait3A_169 = arith.constant 0 : i32
        %dma_wait3A_170 = tpu.memref_slice %arg5[%dma_wait3A_168, %dma_wait3A_169] : memref<640x16xf32, #tpu.memory_space<vmem>> -> memref<128x16xf32, #tpu.memory_space<vmem>>
        %dma_wait3A_171 = arith.constant 0 : i32
        %dma_wait3A_172 = tpu.memref_slice %arg4[%dma_wait3A_167, %dma_wait3A_171] : memref<80x128xi32, #tpu.memory_space<vmem>> -> memref<1x128xi32, #tpu.memory_space<vmem>>
        %dma_wait3A_173 = tpu.memref_squeeze %dma_wait3A_172 : memref<1x128xi32, #tpu.memory_space<vmem>> -> memref<128xi32, #tpu.memory_space<vmem>>
        %dma_wait3A_174 = arith.constant 0 : i32
        %dma_wait3A_175 = arith.constant 0 : i32
        %dma_wait3A_176 = tpu.memref_slice %arg10[%dma_wait3A_174, %dma_wait3A_175] : memref<10240x16xf32, #tpu.memory_space<vmem_shared>> -> memref<10240x16xf32, #tpu.memory_space<vmem_shared>>
        tpu.wait_indirect_dma semaphore(%arg9 : memref<!tpu.dma_semaphore, #tpu.memory_space<semaphore_mem>>) src(%dma_wait3A_170 : memref<128x16xf32, #tpu.memory_space<vmem>>) dst(%dma_wait3A_176 : memref<10240x16xf32, #tpu.memory_space<vmem_shared>>)
      } else {
      }
      %add3A_156 = arith.constant 3 : i32
      %add3A_157 = arith.addi %mul3A_104, %add3A_156 : i32
      %dma_start3A_158 = arith.constant 0 : i32
      %dma_start3A_159 = arith.constant 0 : i32
      %dma_start3A_160 = tpu.memref_slice %arg5[%dma_start3A_158, %dma_start3A_159] : memref<640x16xf32, #tpu.memory_space<vmem>> -> memref<128x16xf32, #tpu.memory_space<vmem>>
      %dma_start3A_161 = arith.constant 0 : i32
      %dma_start3A_162 = tpu.memref_slice %arg4[%add3A_157, %dma_start3A_161] : memref<80x128xi32, #tpu.memory_space<vmem>> -> memref<1x128xi32, #tpu.memory_space<vmem>>
      %dma_start3A_163 = tpu.memref_squeeze %dma_start3A_162 : memref<1x128xi32, #tpu.memory_space<vmem>> -> memref<128xi32, #tpu.memory_space<vmem>>
      %dma_start3A_164 = arith.constant 0 : i32
      %dma_start3A_165 = arith.constant 0 : i32
      %dma_start3A_166 = tpu.memref_slice %arg10[%dma_start3A_164, %dma_start3A_165] : memref<10240x16xf32, #tpu.memory_space<vmem_shared>> -> memref<10240x16xf32, #tpu.memory_space<vmem_shared>>
      tpu.enqueue_indirect_dma source(%dma_start3A_160 : memref<128x16xf32, #tpu.memory_space<vmem>>) target(%dma_start3A_166 : memref<10240x16xf32, #tpu.memory_space<vmem_shared>>) offsets(%dma_start3A_163 : memref<128xi32, #tpu.memory_space<vmem>>) semaphore(%arg9 : memref<!tpu.dma_semaphore, #tpu.memory_space<semaphore_mem>>) {add = true}
    }
    %while3A_59 = arith.constant 1 : i32
    scf.for %while3A_100 = %while3A_57 to %while3A_53 step %while3A_59  : i32 {
      %mul3A_101 = arith.muli %while3A_100, %while3A : i32
      %add3A_102 = arith.addi %while3A_50, %mul3A_101 : i32
      %mul3A_103 = arith.constant 4 : i32
      %mul3A_104 = arith.muli %add3A_102, %mul3A_103 : i32
      %gt3A = arith.constant 0 : i32
      %gt3A_105 = arith.cmpi sgt, %add3A_102, %gt3A : i32
      %convert_element_type3A_106 = arith.extui %gt3A_105 : i1 to i32
      %cond3A_107 = arith.constant 0 : i32
      %cond3A_108 = arith.cmpi ne, %convert_element_type3A_106, %cond3A_107 : i32
      scf.if %cond3A_108 {
        %dma_wait3A_167 = arith.constant 0 : i32
        %dma_wait3A_168 = arith.constant 0 : i32
        %dma_wait3A_169 = arith.constant 0 : i32
        %dma_wait3A_170 = tpu.memref_slice %arg5[%dma_wait3A_168, %dma_wait3A_169] : memref<640x16xf32, #tpu.memory_space<vmem>> -> memref<128x16xf32, #tpu.memory_space<vmem>>
        %dma_wait3A_171 = arith.constant 0 : i32
        %dma_wait3A_172 = tpu.memref_slice %arg4[%dma_wait3A_167, %dma_wait3A_171] : memref<80x128xi32, #tpu.memory_space<vmem>> -> memref<1x128xi32, #tpu.memory_space<vmem>>
        %dma_wait3A_173 = tpu.memref_squeeze %dma_wait3A_172 : memref<1x128xi32, #tpu.memory_space<vmem>> -> memref<128xi32, #tpu.memory_space<vmem>>
        %dma_wait3A_174 = arith.constant 0 : i32
        %dma_wait3A_175 = arith.constant 0 : i32
        %dma_wait3A_176 = tpu.memref_slice %arg10[%dma_wait3A_174, %dma_wait3A_175] : memref<10240x16xf32, #tpu.memory_space<vmem_shared>> -> memref<10240x16xf32, #tpu.memory_space<vmem_shared>>
        tpu.wait_indirect_dma semaphore(%arg6 : memref<!tpu.dma_semaphore, #tpu.memory_space<semaphore_mem>>) src(%dma_wait3A_170 : memref<128x16xf32, #tpu.memory_space<vmem>>) dst(%dma_wait3A_176 : memref<10240x16xf32, #tpu.memory_space<vmem_shared>>)
      } else {
      }
      %add3A_109 = arith.constant 0 : i32
      %add3A_110 = arith.addi %mul3A_104, %add3A_109 : i32
      %dma_start3A = arith.constant 0 : i32
      %dma_start3A_111 = arith.constant 0 : i32
      %dma_start3A_112 = tpu.memref_slice %arg5[%dma_start3A, %dma_start3A_111] : memref<640x16xf32, #tpu.memory_space<vmem>> -> memref<128x16xf32, #tpu.memory_space<vmem>>
      %dma_start3A_113 = arith.constant 0 : i32
      %dma_start3A_114 = tpu.memref_slice %arg4[%add3A_110, %dma_start3A_113] : memref<80x128xi32, #tpu.memory_space<vmem>> -> memref<1x128xi32, #tpu.memory_space<vmem>>
      %dma_start3A_115 = tpu.memref_squeeze %dma_start3A_114 : memref<1x128xi32, #tpu.memory_space<vmem>> -> memref<128xi32, #tpu.memory_space<vmem>>
      %dma_start3A_116 = arith.constant 0 : i32
      %dma_start3A_117 = arith.constant 0 : i32
      %dma_start3A_118 = tpu.memref_slice %arg10[%dma_start3A_116, %dma_start3A_117] : memref<10240x16xf32, #tpu.memory_space<vmem_shared>> -> memref<10240x16xf32, #tpu.memory_space<vmem_shared>>
      tpu.enqueue_indirect_dma source(%dma_start3A_112 : memref<128x16xf32, #tpu.memory_space<vmem>>) target(%dma_start3A_118 : memref<10240x16xf32, #tpu.memory_space<vmem_shared>>) offsets(%dma_start3A_115 : memref<128xi32, #tpu.memory_space<vmem>>) semaphore(%arg6 : memref<!tpu.dma_semaphore, #tpu.memory_space<semaphore_mem>>) {add = true}
      %gt3A_119 = arith.constant 0 : i32
      %gt3A_120 = arith.cmpi sgt, %add3A_102, %gt3A_119 : i32
      %convert_element_type3A_121 = arith.extui %gt3A_120 : i1 to i32
      %cond3A_122 = arith.constant 0 : i32
      %cond3A_123 = arith.cmpi ne, %convert_element_type3A_121, %cond3A_122 : i32
      scf.if %cond3A_123 {
        %dma_wait3A_167 = arith.constant 0 : i32
        %dma_wait3A_168 = arith.constant 0 : i32
        %dma_wait3A_169 = arith.constant 0 : i32
        %dma_wait3A_170 = tpu.memref_slice %arg5[%dma_wait3A_168, %dma_wait3A_169] : memref<640x16xf32, #tpu.memory_space<vmem>> -> memref<128x16xf32, #tpu.memory_space<vmem>>
        %dma_wait3A_171 = arith.constant 0 : i32
        %dma_wait3A_172 = tpu.memref_slice %arg4[%dma_wait3A_167, %dma_wait3A_171] : memref<80x128xi32, #tpu.memory_space<vmem>> -> memref<1x128xi32, #tpu.memory_space<vmem>>
        %dma_wait3A_173 = tpu.memref_squeeze %dma_wait3A_172 : memref<1x128xi32, #tpu.memory_space<vmem>> -> memref<128xi32, #tpu.memory_space<vmem>>
        %dma_wait3A_174 = arith.constant 0 : i32
        %dma_wait3A_175 = arith.constant 0 : i32
        %dma_wait3A_176 = tpu.memref_slice %arg10[%dma_wait3A_174, %dma_wait3A_175] : memref<10240x16xf32, #tpu.memory_space<vmem_shared>> -> memref<10240x16xf32, #tpu.memory_space<vmem_shared>>
        tpu.wait_indirect_dma semaphore(%arg7 : memref<!tpu.dma_semaphore, #tpu.memory_space<semaphore_mem>>) src(%dma_wait3A_170 : memref<128x16xf32, #tpu.memory_space<vmem>>) dst(%dma_wait3A_176 : memref<10240x16xf32, #tpu.memory_space<vmem_shared>>)
      } else {
      }
      %add3A_124 = arith.constant 1 : i32
      %add3A_125 = arith.addi %mul3A_104, %add3A_124 : i32
      %dma_start3A_126 = arith.constant 0 : i32
      %dma_start3A_127 = arith.constant 0 : i32
      %dma_start3A_128 = tpu.memref_slice %arg5[%dma_start3A_126, %dma_start3A_127] : memref<640x16xf32, #tpu.memory_space<vmem>> -> memref<128x16xf32, #tpu.memory_space<vmem>>
      %dma_start3A_129 = arith.constant 0 : i32
      %dma_start3A_130 = tpu.memref_slice %arg4[%add3A_125, %dma_start3A_129] : memref<80x128xi32, #tpu.memory_space<vmem>> -> memref<1x128xi32, #tpu.memory_space<vmem>>
      %dma_start3A_131 = tpu.memref_squeeze %dma_start3A_130 : memref<1x128xi32, #tpu.memory_space<vmem>> -> memref<128xi32, #tpu.memory_space<vmem>>
      %dma_start3A_132 = arith.constant 0 : i32
      %dma_start3A_133 = arith.constant 0 : i32
      %dma_start3A_134 = tpu.memref_slice %arg10[%dma_start3A_132, %dma_start3A_133] : memref<10240x16xf32, #tpu.memory_space<vmem_shared>> -> memref<10240x16xf32, #tpu.memory_space<vmem_shared>>
      tpu.enqueue_indirect_dma source(%dma_start3A_128 : memref<128x16xf32, #tpu.memory_space<vmem>>) target(%dma_start3A_134 : memref<10240x16xf32, #tpu.memory_space<vmem_shared>>) offsets(%dma_start3A_131 : memref<128xi32, #tpu.memory_space<vmem>>) semaphore(%arg7 : memref<!tpu.dma_semaphore, #tpu.memory_space<semaphore_mem>>) {add = true}
      %gt3A_135 = arith.constant 0 : i32
      %gt3A_136 = arith.cmpi sgt, %add3A_102, %gt3A_135 : i32
      %convert_element_type3A_137 = arith.extui %gt3A_136 : i1 to i32
      %cond3A_138 = arith.constant 0 : i32
      %cond3A_139 = arith.cmpi ne, %convert_element_type3A_137, %cond3A_138 : i32
      scf.if %cond3A_139 {
        %dma_wait3A_167 = arith.constant 0 : i32
        %dma_wait3A_168 = arith.constant 0 : i32
        %dma_wait3A_169 = arith.constant 0 : i32
        %dma_wait3A_170 = tpu.memref_slice %arg5[%dma_wait3A_168, %dma_wait3A_169] : memref<640x16xf32, #tpu.memory_space<vmem>> -> memref<128x16xf32, #tpu.memory_space<vmem>>
        %dma_wait3A_171 = arith.constant 0 : i32
        %dma_wait3A_172 = tpu.memref_slice %arg4[%dma_wait3A_167, %dma_wait3A_171] : memref<80x128xi32, #tpu.memory_space<vmem>> -> memref<1x128xi32, #tpu.memory_space<vmem>>
        %dma_wait3A_173 = tpu.memref_squeeze %dma_wait3A_172 : memref<1x128xi32, #tpu.memory_space<vmem>> -> memref<128xi32, #tpu.memory_space<vmem>>
        %dma_wait3A_174 = arith.constant 0 : i32
        %dma_wait3A_175 = arith.constant 0 : i32
        %dma_wait3A_176 = tpu.memref_slice %arg10[%dma_wait3A_174, %dma_wait3A_175] : memref<10240x16xf32, #tpu.memory_space<vmem_shared>> -> memref<10240x16xf32, #tpu.memory_space<vmem_shared>>
        tpu.wait_indirect_dma semaphore(%arg8 : memref<!tpu.dma_semaphore, #tpu.memory_space<semaphore_mem>>) src(%dma_wait3A_170 : memref<128x16xf32, #tpu.memory_space<vmem>>) dst(%dma_wait3A_176 : memref<10240x16xf32, #tpu.memory_space<vmem_shared>>)
      } else {
      }
      %add3A_140 = arith.constant 2 : i32
      %add3A_141 = arith.addi %mul3A_104, %add3A_140 : i32
      %dma_start3A_142 = arith.constant 0 : i32
      %dma_start3A_143 = arith.constant 0 : i32
      %dma_start3A_144 = tpu.memref_slice %arg5[%dma_start3A_142, %dma_start3A_143] : memref<640x16xf32, #tpu.memory_space<vmem>> -> memref<128x16xf32, #tpu.memory_space<vmem>>
      %dma_start3A_145 = arith.constant 0 : i32
      %dma_start3A_146 = tpu.memref_slice %arg4[%add3A_141, %dma_start3A_145] : memref<80x128xi32, #tpu.memory_space<vmem>> -> memref<1x128xi32, #tpu.memory_space<vmem>>
      %dma_start3A_147 = tpu.memref_squeeze %dma_start3A_146 : memref<1x128xi32, #tpu.memory_space<vmem>> -> memref<128xi32, #tpu.memory_space<vmem>>
      %dma_start3A_148 = arith.constant 0 : i32
      %dma_start3A_149 = arith.constant 0 : i32
      %dma_start3A_150 = tpu.memref_slice %arg10[%dma_start3A_148, %dma_start3A_149] : memref<10240x16xf32, #tpu.memory_space<vmem_shared>> -> memref<10240x16xf32, #tpu.memory_space<vmem_shared>>
      tpu.enqueue_indirect_dma source(%dma_start3A_144 : memref<128x16xf32, #tpu.memory_space<vmem>>) target(%dma_start3A_150 : memref<10240x16xf32, #tpu.memory_space<vmem_shared>>) offsets(%dma_start3A_147 : memref<128xi32, #tpu.memory_space<vmem>>) semaphore(%arg8 : memref<!tpu.dma_semaphore, #tpu.memory_space<semaphore_mem>>) {add = true}
      %gt3A_151 = arith.constant 0 : i32
      %gt3A_152 = arith.cmpi sgt, %add3A_102, %gt3A_151 : i32
      %convert_element_type3A_153 = arith.extui %gt3A_152 : i1 to i32
      %cond3A_154 = arith.constant 0 : i32
      %cond3A_155 = arith.cmpi ne, %convert_element_type3A_153, %cond3A_154 : i32
      scf.if %cond3A_155 {
        %dma_wait3A_167 = arith.constant 0 : i32
        %dma_wait3A_168 = arith.constant 0 : i32
        %dma_wait3A_169 = arith.constant 0 : i32
        %dma_wait3A_170 = tpu.memref_slice %arg5[%dma_wait3A_168, %dma_wait3A_169] : memref<640x16xf32, #tpu.memory_space<vmem>> -> memref<128x16xf32, #tpu.memory_space<vmem>>
        %dma_wait3A_171 = arith.constant 0 : i32
        %dma_wait3A_172 = tpu.memref_slice %arg4[%dma_wait3A_167, %dma_wait3A_171] : memref<80x128xi32, #tpu.memory_space<vmem>> -> memref<1x128xi32, #tpu.memory_space<vmem>>
        %dma_wait3A_173 = tpu.memref_squeeze %dma_wait3A_172 : memref<1x128xi32, #tpu.memory_space<vmem>> -> memref<128xi32, #tpu.memory_space<vmem>>
        %dma_wait3A_174 = arith.constant 0 : i32
        %dma_wait3A_175 = arith.constant 0 : i32
        %dma_wait3A_176 = tpu.memref_slice %arg10[%dma_wait3A_174, %dma_wait3A_175] : memref<10240x16xf32, #tpu.memory_space<vmem_shared>> -> memref<10240x16xf32, #tpu.memory_space<vmem_shared>>
        tpu.wait_indirect_dma semaphore(%arg9 : memref<!tpu.dma_semaphore, #tpu.memory_space<semaphore_mem>>) src(%dma_wait3A_170 : memref<128x16xf32, #tpu.memory_space<vmem>>) dst(%dma_wait3A_176 : memref<10240x16xf32, #tpu.memory_space<vmem_shared>>)
      } else {
      }
      %add3A_156 = arith.constant 3 : i32
      %add3A_157 = arith.addi %mul3A_104, %add3A_156 : i32
      %dma_start3A_158 = arith.constant 0 : i32
      %dma_start3A_159 = arith.constant 0 : i32
      %dma_start3A_160 = tpu.memref_slice %arg5[%dma_start3A_158, %dma_start3A_159] : memref<640x16xf32, #tpu.memory_space<vmem>> -> memref<128x16xf32, #tpu.memory_space<vmem>>
      %dma_start3A_161 = arith.constant 0 : i32
      %dma_start3A_162 = tpu.memref_slice %arg4[%add3A_157, %dma_start3A_161] : memref<80x128xi32, #tpu.memory_space<vmem>> -> memref<1x128xi32, #tpu.memory_space<vmem>>
      %dma_start3A_163 = tpu.memref_squeeze %dma_start3A_162 : memref<1x128xi32, #tpu.memory_space<vmem>> -> memref<128xi32, #tpu.memory_space<vmem>>
      %dma_start3A_164 = arith.constant 0 : i32
      %dma_start3A_165 = arith.constant 0 : i32
      %dma_start3A_166 = tpu.memref_slice %arg10[%dma_start3A_164, %dma_start3A_165] : memref<10240x16xf32, #tpu.memory_space<vmem_shared>> -> memref<10240x16xf32, #tpu.memory_space<vmem_shared>>
      tpu.enqueue_indirect_dma source(%dma_start3A_160 : memref<128x16xf32, #tpu.memory_space<vmem>>) target(%dma_start3A_166 : memref<10240x16xf32, #tpu.memory_space<vmem_shared>>) offsets(%dma_start3A_163 : memref<128xi32, #tpu.memory_space<vmem>>) semaphore(%arg9 : memref<!tpu.dma_semaphore, #tpu.memory_space<semaphore_mem>>) {add = true}
    }
    %dma_wait3A = arith.constant 0 : i32
    %dma_wait3A_60 = arith.constant 0 : i32
    %dma_wait3A_61 = arith.constant 0 : i32
    %dma_wait3A_62 = tpu.memref_slice %arg5[%dma_wait3A_60, %dma_wait3A_61] : memref<640x16xf32, #tpu.memory_space<vmem>> -> memref<128x16xf32, #tpu.memory_space<vmem>>
    %dma_wait3A_63 = arith.constant 0 : i32
    %dma_wait3A_64 = tpu.memref_slice %arg4[%dma_wait3A, %dma_wait3A_63] : memref<80x128xi32, #tpu.memory_space<vmem>> -> memref<1x128xi32, #tpu.memory_space<vmem>>
    %dma_wait3A_65 = tpu.memref_squeeze %dma_wait3A_64 : memref<1x128xi32, #tpu.memory_space<vmem>> -> memref<128xi32, #tpu.memory_space<vmem>>
    %dma_wait3A_66 = arith.constant 0 : i32
    %dma_wait3A_67 = arith.constant 0 : i32
    %dma_wait3A_68 = tpu.memref_slice %arg10[%dma_wait3A_66, %dma_wait3A_67] : memref<10240x16xf32, #tpu.memory_space<vmem_shared>> -> memref<10240x16xf32, #tpu.memory_space<vmem_shared>>
    tpu.wait_indirect_dma semaphore(%arg6 : memref<!tpu.dma_semaphore, #tpu.memory_space<semaphore_mem>>) src(%dma_wait3A_62 : memref<128x16xf32, #tpu.memory_space<vmem>>) dst(%dma_wait3A_68 : memref<10240x16xf32, #tpu.memory_space<vmem_shared>>)
    %dma_wait3A_69 = arith.constant 0 : i32
    %dma_wait3A_70 = arith.constant 0 : i32
    %dma_wait3A_71 = arith.constant 0 : i32
    %dma_wait3A_72 = tpu.memref_slice %arg5[%dma_wait3A_70, %dma_wait3A_71] : memref<640x16xf32, #tpu.memory_space<vmem>> -> memref<128x16xf32, #tpu.memory_space<vmem>>
    %dma_wait3A_73 = arith.constant 0 : i32
    %dma_wait3A_74 = tpu.memref_slice %arg4[%dma_wait3A_69, %dma_wait3A_73] : memref<80x128xi32, #tpu.memory_space<vmem>> -> memref<1x128xi32, #tpu.memory_space<vmem>>
    %dma_wait3A_75 = tpu.memref_squeeze %dma_wait3A_74 : memref<1x128xi32, #tpu.memory_space<vmem>> -> memref<128xi32, #tpu.memory_space<vmem>>
    %dma_wait3A_76 = arith.constant 0 : i32
    %dma_wait3A_77 = arith.constant 0 : i32
    %dma_wait3A_78 = tpu.memref_slice %arg10[%dma_wait3A_76, %dma_wait3A_77] : memref<10240x16xf32, #tpu.memory_space<vmem_shared>> -> memref<10240x16xf32, #tpu.memory_space<vmem_shared>>
    tpu.wait_indirect_dma semaphore(%arg7 : memref<!tpu.dma_semaphore, #tpu.memory_space<semaphore_mem>>) src(%dma_wait3A_72 : memref<128x16xf32, #tpu.memory_space<vmem>>) dst(%dma_wait3A_78 : memref<10240x16xf32, #tpu.memory_space<vmem_shared>>)
    %dma_wait3A_79 = arith.constant 0 : i32
    %dma_wait3A_80 = arith.constant 0 : i32
    %dma_wait3A_81 = arith.constant 0 : i32
    %dma_wait3A_82 = tpu.memref_slice %arg5[%dma_wait3A_80, %dma_wait3A_81] : memref<640x16xf32, #tpu.memory_space<vmem>> -> memref<128x16xf32, #tpu.memory_space<vmem>>
    %dma_wait3A_83 = arith.constant 0 : i32
    %dma_wait3A_84 = tpu.memref_slice %arg4[%dma_wait3A_79, %dma_wait3A_83] : memref<80x128xi32, #tpu.memory_space<vmem>> -> memref<1x128xi32, #tpu.memory_space<vmem>>
    %dma_wait3A_85 = tpu.memref_squeeze %dma_wait3A_84 : memref<1x128xi32, #tpu.memory_space<vmem>> -> memref<128xi32, #tpu.memory_space<vmem>>
    %dma_wait3A_86 = arith.constant 0 : i32
    %dma_wait3A_87 = arith.constant 0 : i32
    %dma_wait3A_88 = tpu.memref_slice %arg10[%dma_wait3A_86, %dma_wait3A_87] : memref<10240x16xf32, #tpu.memory_space<vmem_shared>> -> memref<10240x16xf32, #tpu.memory_space<vmem_shared>>
    tpu.wait_indirect_dma semaphore(%arg8 : memref<!tpu.dma_semaphore, #tpu.memory_space<semaphore_mem>>) src(%dma_wait3A_82 : memref<128x16xf32, #tpu.memory_space<vmem>>) dst(%dma_wait3A_88 : memref<10240x16xf32, #tpu.memory_space<vmem_shared>>)
    %dma_wait3A_89 = arith.constant 0 : i32
    %dma_wait3A_90 = arith.constant 0 : i32
    %dma_wait3A_91 = arith.constant 0 : i32
    %dma_wait3A_92 = tpu.memref_slice %arg5[%dma_wait3A_90, %dma_wait3A_91] : memref<640x16xf32, #tpu.memory_space<vmem>> -> memref<128x16xf32, #tpu.memory_space<vmem>>
    %dma_wait3A_93 = arith.constant 0 : i32
    %dma_wait3A_94 = tpu.memref_slice %arg4[%dma_wait3A_89, %dma_wait3A_93] : memref<80x128xi32, #tpu.memory_space<vmem>> -> memref<1x128xi32, #tpu.memory_space<vmem>>
    %dma_wait3A_95 = tpu.memref_squeeze %dma_wait3A_94 : memref<1x128xi32, #tpu.memory_space<vmem>> -> memref<128xi32, #tpu.memory_space<vmem>>
    %dma_wait3A_96 = arith.constant 0 : i32
    %dma_wait3A_97 = arith.constant 0 : i32
    %dma_wait3A_98 = tpu.memref_slice %arg10[%dma_wait3A_96, %dma_wait3A_97] : memref<10240x16xf32, #tpu.memory_space<vmem_shared>> -> memref<10240x16xf32, #tpu.memory_space<vmem_shared>>
    tpu.wait_indirect_dma semaphore(%arg9 : memref<!tpu.dma_semaphore, #tpu.memory_space<semaphore_mem>>) src(%dma_wait3A_92 : memref<128x16xf32, #tpu.memory_space<vmem>>) dst(%dma_wait3A_98 : memref<10240x16xf32, #tpu.memory_space<vmem_shared>>)
    %barrier3A_99 = arith.constant 0 : index
    tpu.barrier barrier_id(%barrier3A_99)
    "tpu.region"() ({
      %run_scoped3A = tpu.sem_alloc : memref<!tpu.dma_semaphore, #tpu.memory_space<semaphore_mem>>
      %dma_start3A = arith.constant 0 : i32
      %dma_start3A_100 = arith.constant 0 : i32
      %dma_start3A_101 = tpu.memref_slice %arg3[%arg0, %dma_start3A, %dma_start3A_100] : memref<2x10240x16xf32, #tpu.memory_space<hbm>> -> memref<1x10240x16xf32, #tpu.memory_space<hbm>>
      %dma_start3A_102 = tpu.memref_squeeze %dma_start3A_101 : memref<1x10240x16xf32, #tpu.memory_space<hbm>> -> memref<10240x16xf32, #tpu.memory_space<hbm>>
      %dma_start3A_103 = arith.constant 0 : i32
      %dma_start3A_104 = tpu.memref_slice %dma_start3A_102[%mul3A_16, %dma_start3A_103] : memref<10240x16xf32, #tpu.memory_space<hbm>> -> memref<640x16xf32, #tpu.memory_space<hbm>>
      %dma_start3A_105 = arith.constant 0 : i32
      %dma_start3A_106 = tpu.memref_slice %arg10[%mul3A_16, %dma_start3A_105] : memref<10240x16xf32, #tpu.memory_space<vmem_shared>> -> memref<640x16xf32, #tpu.memory_space<vmem_shared>>
      tpu.enqueue_dma source(%dma_start3A_106 : memref<640x16xf32, #tpu.memory_space<vmem_shared>>) target(%dma_start3A_104 : memref<640x16xf32, #tpu.memory_space<hbm>>) target_semaphore(%run_scoped3A : memref<!tpu.dma_semaphore, #tpu.memory_space<semaphore_mem>>)
      %dma_wait3A_107 = arith.constant 0 : i32
      %dma_wait3A_108 = arith.constant 0 : i32
      %dma_wait3A_109 = tpu.memref_slice %arg3[%arg0, %dma_wait3A_107, %dma_wait3A_108] : memref<2x10240x16xf32, #tpu.memory_space<hbm>> -> memref<1x10240x16xf32, #tpu.memory_space<hbm>>
      %dma_wait3A_110 = tpu.memref_squeeze %dma_wait3A_109 : memref<1x10240x16xf32, #tpu.memory_space<hbm>> -> memref<10240x16xf32, #tpu.memory_space<hbm>>
      %dma_wait3A_111 = arith.constant 0 : i32
      %dma_wait3A_112 = tpu.memref_slice %dma_wait3A_110[%mul3A_16, %dma_wait3A_111] : memref<10240x16xf32, #tpu.memory_space<hbm>> -> memref<640x16xf32, #tpu.memory_space<hbm>>
      %dma_wait3A_113 = arith.constant 0 : i32
      %dma_wait3A_114 = tpu.memref_slice %arg10[%mul3A_16, %dma_wait3A_113] : memref<10240x16xf32, #tpu.memory_space<vmem_shared>> -> memref<640x16xf32, #tpu.memory_space<vmem_shared>>
      tpu.wait_dma2 semaphore(%run_scoped3A : memref<!tpu.dma_semaphore, #tpu.memory_space<semaphore_mem>>) src(%dma_wait3A_114 : memref<640x16xf32, #tpu.memory_space<vmem_shared>>) dst(%dma_wait3A_112 : memref<640x16xf32, #tpu.memory_space<hbm>>)
      tpu.yield
    }) : () -> ()
    return
  }
}

#map = affine_map<(d0, d1) -> (0, 0)>
#map1 = affine_map<(d0, d1) -> (0, 0, 0)>
module attributes {stable_mosaic.version = 14 : i64} {
  func.func @_scatter_kernel(%arg0: i32, %arg1: i32, %arg2: memref<10000x64xf32, #tpu.memory_space<hbm>>, %arg3: memref<2500x128xi32, #tpu.memory_space<hbm>>, %arg4: memref<2500x128xi32, #tpu.memory_space<hbm>>, %arg5: memref<2x10240x64xf32, #tpu.memory_space<hbm>>, %arg6: memref<80x128xi32, #tpu.memory_space<vmem>>, %arg7: memref<80x128xi32, #tpu.memory_space<vmem>>, %arg8: memref<128x64xf32, #tpu.memory_space<vmem>>, %arg9: memref<128x64xf32, #tpu.memory_space<vmem>>, %arg10: memref<128x64xf32, #tpu.memory_space<vmem>>, %arg11: memref<128x64xf32, #tpu.memory_space<vmem>>, %arg12: memref<!tpu.dma_semaphore, #tpu.memory_space<semaphore_mem>>, %arg13: memref<!tpu.dma_semaphore, #tpu.memory_space<semaphore_mem>>, %arg14: memref<!tpu.dma_semaphore, #tpu.memory_space<semaphore_mem>>, %arg15: memref<!tpu.dma_semaphore, #tpu.memory_space<semaphore_mem>>, %arg16: memref<!tpu.dma_semaphore, #tpu.memory_space<semaphore_mem>>, %arg17: memref<!tpu.dma_semaphore, #tpu.memory_space<semaphore_mem>>, %arg18: memref<!tpu.dma_semaphore, #tpu.memory_space<semaphore_mem>>, %arg19: memref<!tpu.dma_semaphore, #tpu.memory_space<semaphore_mem>>, %arg20: memref<10240x64xf32, #tpu.memory_space<vmem_shared>>) attributes {dimension_semantics = [#tpu.dimension_semantics<core_parallel>, #tpu.dimension_semantics<subcore_parallel>], iteration_bounds = array<i64: 2, 16>, scalar_prefetch = 0 : i64, scratch_operands = 15 : i64, tpu.core_type = #tpu.core_type<sc_vector_subcore>, window_params = [{transform_indices = #map}, {transform_indices = #map}, {transform_indices = #map}, {transform_indices = #map1}]} {
    %mul3A = arith.constant 2 : i32
    %mul3A_0 = arith.muli %arg1, %mul3A : i32
    %add3A = arith.addi %mul3A_0, %arg0 : i32
    %lt3A = arith.constant 31 : i32
    %lt3A_1 = arith.cmpi slt, %add3A, %lt3A : i32
    %convert_element_type3A = arith.extui %lt3A_1 : i1 to i32
    %cond3A = arith.constant 0 : i32
    %cond3A_2 = arith.cmpi ne, %convert_element_type3A, %cond3A : i32
    scf.if %cond3A_2 {
      %mul3A_27 = arith.constant 80 : i32
      %mul3A_28 = arith.muli %add3A, %mul3A_27 : i32
      "tpu.region"() ({
        %run_scoped3A = tpu.sem_alloc : memref<!tpu.dma_semaphore, #tpu.memory_space<semaphore_mem>>
        %dma_start3A = arith.constant 0 : i32
        %dma_start3A_31 = tpu.memref_slice %arg3[%mul3A_28, %dma_start3A] : memref<2500x128xi32, #tpu.memory_space<hbm>> -> memref<80x128xi32, #tpu.memory_space<hbm>>
        %dma_start3A_32 = arith.constant 0 : i32
        %dma_start3A_33 = tpu.memref_slice %arg3[%mul3A_28, %dma_start3A_32] : memref<2500x128xi32, #tpu.memory_space<hbm>> -> memref<80x128xi32, #tpu.memory_space<hbm>>
        tpu.enqueue_dma source(%dma_start3A_33 : memref<80x128xi32, #tpu.memory_space<hbm>>) target(%arg6 : memref<80x128xi32, #tpu.memory_space<vmem>>) target_semaphore(%run_scoped3A : memref<!tpu.dma_semaphore, #tpu.memory_space<semaphore_mem>>)
        %dma_wait3A = arith.constant 0 : i32
        %dma_wait3A_34 = tpu.memref_slice %arg3[%mul3A_28, %dma_wait3A] : memref<2500x128xi32, #tpu.memory_space<hbm>> -> memref<80x128xi32, #tpu.memory_space<hbm>>
        %dma_wait3A_35 = arith.constant 0 : i32
        %dma_wait3A_36 = tpu.memref_slice %arg3[%mul3A_28, %dma_wait3A_35] : memref<2500x128xi32, #tpu.memory_space<hbm>> -> memref<80x128xi32, #tpu.memory_space<hbm>>
        tpu.wait_dma2 semaphore(%run_scoped3A : memref<!tpu.dma_semaphore, #tpu.memory_space<semaphore_mem>>) src(%dma_wait3A_36 : memref<80x128xi32, #tpu.memory_space<hbm>>) dst(%arg6 : memref<80x128xi32, #tpu.memory_space<vmem>>)
        tpu.yield
      }) : () -> ()
      %mul3A_29 = arith.constant 80 : i32
      %mul3A_30 = arith.muli %add3A, %mul3A_29 : i32
      "tpu.region"() ({
        %run_scoped3A = tpu.sem_alloc : memref<!tpu.dma_semaphore, #tpu.memory_space<semaphore_mem>>
        %dma_start3A = arith.constant 0 : i32
        %dma_start3A_31 = tpu.memref_slice %arg4[%mul3A_30, %dma_start3A] : memref<2500x128xi32, #tpu.memory_space<hbm>> -> memref<80x128xi32, #tpu.memory_space<hbm>>
        %dma_start3A_32 = arith.constant 0 : i32
        %dma_start3A_33 = tpu.memref_slice %arg4[%mul3A_30, %dma_start3A_32] : memref<2500x128xi32, #tpu.memory_space<hbm>> -> memref<80x128xi32, #tpu.memory_space<hbm>>
        tpu.enqueue_dma source(%dma_start3A_33 : memref<80x128xi32, #tpu.memory_space<hbm>>) target(%arg7 : memref<80x128xi32, #tpu.memory_space<vmem>>) target_semaphore(%run_scoped3A : memref<!tpu.dma_semaphore, #tpu.memory_space<semaphore_mem>>)
        %dma_wait3A = arith.constant 0 : i32
        %dma_wait3A_34 = tpu.memref_slice %arg4[%mul3A_30, %dma_wait3A] : memref<2500x128xi32, #tpu.memory_space<hbm>> -> memref<80x128xi32, #tpu.memory_space<hbm>>
        %dma_wait3A_35 = arith.constant 0 : i32
        %dma_wait3A_36 = tpu.memref_slice %arg4[%mul3A_30, %dma_wait3A_35] : memref<2500x128xi32, #tpu.memory_space<hbm>> -> memref<80x128xi32, #tpu.memory_space<hbm>>
        tpu.wait_dma2 semaphore(%run_scoped3A : memref<!tpu.dma_semaphore, #tpu.memory_space<semaphore_mem>>) src(%dma_wait3A_36 : memref<80x128xi32, #tpu.memory_space<hbm>>) dst(%arg7 : memref<80x128xi32, #tpu.memory_space<vmem>>)
        tpu.yield
      }) : () -> ()
    } else {
    }
    %eq3A = arith.constant 31 : i32
    %eq3A_3 = arith.cmpi eq, %add3A, %eq3A : i32
    %convert_element_type3A_4 = arith.extui %eq3A_3 : i1 to i32
    %cond3A_5 = arith.constant 0 : i32
    %cond3A_6 = arith.cmpi ne, %convert_element_type3A_4, %cond3A_5 : i32
    scf.if %cond3A_6 {
      %mul3A_27 = arith.constant 80 : i32
      %mul3A_28 = arith.muli %add3A, %mul3A_27 : i32
      "tpu.region"() ({
        %run_scoped3A = tpu.sem_alloc : memref<!tpu.dma_semaphore, #tpu.memory_space<semaphore_mem>>
        %dma_start3A = arith.constant 0 : i32
        %dma_start3A_31 = arith.constant 0 : i32
        %dma_start3A_32 = tpu.memref_slice %arg6[%dma_start3A, %dma_start3A_31] : memref<80x128xi32, #tpu.memory_space<vmem>> -> memref<20x128xi32, #tpu.memory_space<vmem>>
        %dma_start3A_33 = arith.constant 0 : i32
        %dma_start3A_34 = tpu.memref_slice %arg3[%mul3A_28, %dma_start3A_33] : memref<2500x128xi32, #tpu.memory_space<hbm>> -> memref<20x128xi32, #tpu.memory_space<hbm>>
        %dma_start3A_35 = arith.constant 0 : i32
        %dma_start3A_36 = arith.constant 0 : i32
        %dma_start3A_37 = tpu.memref_slice %arg6[%dma_start3A_35, %dma_start3A_36] : memref<80x128xi32, #tpu.memory_space<vmem>> -> memref<20x128xi32, #tpu.memory_space<vmem>>
        %dma_start3A_38 = arith.constant 0 : i32
        %dma_start3A_39 = tpu.memref_slice %arg3[%mul3A_28, %dma_start3A_38] : memref<2500x128xi32, #tpu.memory_space<hbm>> -> memref<20x128xi32, #tpu.memory_space<hbm>>
        tpu.enqueue_dma source(%dma_start3A_39 : memref<20x128xi32, #tpu.memory_space<hbm>>) target(%dma_start3A_37 : memref<20x128xi32, #tpu.memory_space<vmem>>) target_semaphore(%run_scoped3A : memref<!tpu.dma_semaphore, #tpu.memory_space<semaphore_mem>>)
        %dma_wait3A = arith.constant 0 : i32
        %dma_wait3A_40 = arith.constant 0 : i32
        %dma_wait3A_41 = tpu.memref_slice %arg6[%dma_wait3A, %dma_wait3A_40] : memref<80x128xi32, #tpu.memory_space<vmem>> -> memref<20x128xi32, #tpu.memory_space<vmem>>
        %dma_wait3A_42 = arith.constant 0 : i32
        %dma_wait3A_43 = tpu.memref_slice %arg3[%mul3A_28, %dma_wait3A_42] : memref<2500x128xi32, #tpu.memory_space<hbm>> -> memref<20x128xi32, #tpu.memory_space<hbm>>
        %dma_wait3A_44 = arith.constant 0 : i32
        %dma_wait3A_45 = arith.constant 0 : i32
        %dma_wait3A_46 = tpu.memref_slice %arg6[%dma_wait3A_44, %dma_wait3A_45] : memref<80x128xi32, #tpu.memory_space<vmem>> -> memref<20x128xi32, #tpu.memory_space<vmem>>
        %dma_wait3A_47 = arith.constant 0 : i32
        %dma_wait3A_48 = tpu.memref_slice %arg3[%mul3A_28, %dma_wait3A_47] : memref<2500x128xi32, #tpu.memory_space<hbm>> -> memref<20x128xi32, #tpu.memory_space<hbm>>
        tpu.wait_dma2 semaphore(%run_scoped3A : memref<!tpu.dma_semaphore, #tpu.memory_space<semaphore_mem>>) src(%dma_wait3A_48 : memref<20x128xi32, #tpu.memory_space<hbm>>) dst(%dma_wait3A_46 : memref<20x128xi32, #tpu.memory_space<vmem>>)
        tpu.yield
      }) : () -> ()
      %mul3A_29 = arith.constant 80 : i32
      %mul3A_30 = arith.muli %add3A, %mul3A_29 : i32
      "tpu.region"() ({
        %run_scoped3A = tpu.sem_alloc : memref<!tpu.dma_semaphore, #tpu.memory_space<semaphore_mem>>
        %dma_start3A = arith.constant 0 : i32
        %dma_start3A_31 = arith.constant 0 : i32
        %dma_start3A_32 = tpu.memref_slice %arg7[%dma_start3A, %dma_start3A_31] : memref<80x128xi32, #tpu.memory_space<vmem>> -> memref<20x128xi32, #tpu.memory_space<vmem>>
        %dma_start3A_33 = arith.constant 0 : i32
        %dma_start3A_34 = tpu.memref_slice %arg4[%mul3A_30, %dma_start3A_33] : memref<2500x128xi32, #tpu.memory_space<hbm>> -> memref<20x128xi32, #tpu.memory_space<hbm>>
        %dma_start3A_35 = arith.constant 0 : i32
        %dma_start3A_36 = arith.constant 0 : i32
        %dma_start3A_37 = tpu.memref_slice %arg7[%dma_start3A_35, %dma_start3A_36] : memref<80x128xi32, #tpu.memory_space<vmem>> -> memref<20x128xi32, #tpu.memory_space<vmem>>
        %dma_start3A_38 = arith.constant 0 : i32
        %dma_start3A_39 = tpu.memref_slice %arg4[%mul3A_30, %dma_start3A_38] : memref<2500x128xi32, #tpu.memory_space<hbm>> -> memref<20x128xi32, #tpu.memory_space<hbm>>
        tpu.enqueue_dma source(%dma_start3A_39 : memref<20x128xi32, #tpu.memory_space<hbm>>) target(%dma_start3A_37 : memref<20x128xi32, #tpu.memory_space<vmem>>) target_semaphore(%run_scoped3A : memref<!tpu.dma_semaphore, #tpu.memory_space<semaphore_mem>>)
        %dma_wait3A = arith.constant 0 : i32
        %dma_wait3A_40 = arith.constant 0 : i32
        %dma_wait3A_41 = tpu.memref_slice %arg7[%dma_wait3A, %dma_wait3A_40] : memref<80x128xi32, #tpu.memory_space<vmem>> -> memref<20x128xi32, #tpu.memory_space<vmem>>
        %dma_wait3A_42 = arith.constant 0 : i32
        %dma_wait3A_43 = tpu.memref_slice %arg4[%mul3A_30, %dma_wait3A_42] : memref<2500x128xi32, #tpu.memory_space<hbm>> -> memref<20x128xi32, #tpu.memory_space<hbm>>
        %dma_wait3A_44 = arith.constant 0 : i32
        %dma_wait3A_45 = arith.constant 0 : i32
        %dma_wait3A_46 = tpu.memref_slice %arg7[%dma_wait3A_44, %dma_wait3A_45] : memref<80x128xi32, #tpu.memory_space<vmem>> -> memref<20x128xi32, #tpu.memory_space<vmem>>
        %dma_wait3A_47 = arith.constant 0 : i32
        %dma_wait3A_48 = tpu.memref_slice %arg4[%mul3A_30, %dma_wait3A_47] : memref<2500x128xi32, #tpu.memory_space<hbm>> -> memref<20x128xi32, #tpu.memory_space<hbm>>
        tpu.wait_dma2 semaphore(%run_scoped3A : memref<!tpu.dma_semaphore, #tpu.memory_space<semaphore_mem>>) src(%dma_wait3A_48 : memref<20x128xi32, #tpu.memory_space<hbm>>) dst(%dma_wait3A_46 : memref<20x128xi32, #tpu.memory_space<vmem>>)
        tpu.yield
      }) : () -> ()
    } else {
    }
    %mul3A_7 = arith.constant 609 : i32
    %mul3A_8 = arith.muli %arg1, %mul3A_7 : i32
    "tpu.region"() ({
      %run_scoped3A = tpu.sem_alloc : memref<!tpu.dma_semaphore, #tpu.memory_space<semaphore_mem>>
      %dma_start3A = arith.constant 0 : i32
      %dma_start3A_27 = tpu.memref_slice %arg20[%mul3A_8, %dma_start3A] : memref<10240x64xf32, #tpu.memory_space<vmem_shared>> -> memref<609x64xf32, #tpu.memory_space<vmem_shared>>
      %dma_start3A_28 = arith.constant 0 : i32
      %dma_start3A_29 = tpu.memref_slice %arg2[%mul3A_8, %dma_start3A_28] : memref<10000x64xf32, #tpu.memory_space<hbm>> -> memref<609x64xf32, #tpu.memory_space<hbm>>
      tpu.enqueue_dma source(%dma_start3A_29 : memref<609x64xf32, #tpu.memory_space<hbm>>) target(%dma_start3A_27 : memref<609x64xf32, #tpu.memory_space<vmem_shared>>) target_semaphore(%run_scoped3A : memref<!tpu.dma_semaphore, #tpu.memory_space<semaphore_mem>>)
      %dma_wait3A = arith.constant 0 : i32
      %dma_wait3A_30 = tpu.memref_slice %arg20[%mul3A_8, %dma_wait3A] : memref<10240x64xf32, #tpu.memory_space<vmem_shared>> -> memref<609x64xf32, #tpu.memory_space<vmem_shared>>
      %dma_wait3A_31 = arith.constant 0 : i32
      %dma_wait3A_32 = tpu.memref_slice %arg2[%mul3A_8, %dma_wait3A_31] : memref<10000x64xf32, #tpu.memory_space<hbm>> -> memref<609x64xf32, #tpu.memory_space<hbm>>
      tpu.wait_dma2 semaphore(%run_scoped3A : memref<!tpu.dma_semaphore, #tpu.memory_space<semaphore_mem>>) src(%dma_wait3A_32 : memref<609x64xf32, #tpu.memory_space<hbm>>) dst(%dma_wait3A_30 : memref<609x64xf32, #tpu.memory_space<vmem_shared>>)
      tpu.yield
    }) : () -> ()
    %eq3A_9 = arith.constant 15 : i32
    %eq3A_10 = arith.cmpi eq, %arg1, %eq3A_9 : i32
    %convert_element_type3A_11 = arith.extui %eq3A_10 : i1 to i32
    %cond3A_12 = arith.constant 0 : i32
    %cond3A_13 = arith.cmpi ne, %convert_element_type3A_11, %cond3A_12 : i32
    scf.if %cond3A_13 {
      "tpu.region"() ({
        %run_scoped3A = tpu.sem_alloc : memref<!tpu.dma_semaphore, #tpu.memory_space<semaphore_mem>>
        %dma_start3A = arith.constant 9744 : i32
        %dma_start3A_27 = arith.constant 0 : i32
        %dma_start3A_28 = tpu.memref_slice %arg20[%dma_start3A, %dma_start3A_27] : memref<10240x64xf32, #tpu.memory_space<vmem_shared>> -> memref<256x64xf32, #tpu.memory_space<vmem_shared>>
        %dma_start3A_29 = arith.constant 9744 : i32
        %dma_start3A_30 = arith.constant 0 : i32
        %dma_start3A_31 = tpu.memref_slice %arg2[%dma_start3A_29, %dma_start3A_30] : memref<10000x64xf32, #tpu.memory_space<hbm>> -> memref<256x64xf32, #tpu.memory_space<hbm>>
        tpu.enqueue_dma source(%dma_start3A_31 : memref<256x64xf32, #tpu.memory_space<hbm>>) target(%dma_start3A_28 : memref<256x64xf32, #tpu.memory_space<vmem_shared>>) target_semaphore(%run_scoped3A : memref<!tpu.dma_semaphore, #tpu.memory_space<semaphore_mem>>)
        %dma_wait3A = arith.constant 9744 : i32
        %dma_wait3A_32 = arith.constant 0 : i32
        %dma_wait3A_33 = tpu.memref_slice %arg20[%dma_wait3A, %dma_wait3A_32] : memref<10240x64xf32, #tpu.memory_space<vmem_shared>> -> memref<256x64xf32, #tpu.memory_space<vmem_shared>>
        %dma_wait3A_34 = arith.constant 9744 : i32
        %dma_wait3A_35 = arith.constant 0 : i32
        %dma_wait3A_36 = tpu.memref_slice %arg2[%dma_wait3A_34, %dma_wait3A_35] : memref<10000x64xf32, #tpu.memory_space<hbm>> -> memref<256x64xf32, #tpu.memory_space<hbm>>
        tpu.wait_dma2 semaphore(%run_scoped3A : memref<!tpu.dma_semaphore, #tpu.memory_space<semaphore_mem>>) src(%dma_wait3A_36 : memref<256x64xf32, #tpu.memory_space<hbm>>) dst(%dma_wait3A_33 : memref<256x64xf32, #tpu.memory_space<vmem_shared>>)
        tpu.yield
      }) : () -> ()
    } else {
    }
    %barrier3A = arith.constant 0 : index
    tpu.barrier barrier_id(%barrier3A)
    %lt3A_14 = arith.constant 31 : i32
    %lt3A_15 = arith.cmpi slt, %add3A, %lt3A_14 : i32
    %convert_element_type3A_16 = arith.extui %lt3A_15 : i1 to i32
    %cond3A_17 = arith.constant 0 : i32
    %cond3A_18 = arith.cmpi ne, %convert_element_type3A_16, %cond3A_17 : i32
    scf.if %cond3A_18 {
      %dma_start3A = arith.constant 0 : i32
      %dma_start3A_27 = arith.constant 0 : i32
      %dma_start3A_28 = tpu.memref_slice %arg6[%dma_start3A, %dma_start3A_27] : memref<80x128xi32, #tpu.memory_space<vmem>> -> memref<1x128xi32, #tpu.memory_space<vmem>>
      %dma_start3A_29 = tpu.memref_squeeze %dma_start3A_28 : memref<1x128xi32, #tpu.memory_space<vmem>> -> memref<128xi32, #tpu.memory_space<vmem>>
      %dma_start3A_30 = arith.constant 0 : i32
      %dma_start3A_31 = arith.constant 0 : i32
      %dma_start3A_32 = tpu.memref_slice %arg2[%dma_start3A_30, %dma_start3A_31] : memref<10000x64xf32, #tpu.memory_space<hbm>> -> memref<10000x64xf32, #tpu.memory_space<hbm>>
      tpu.enqueue_indirect_dma source(%dma_start3A_32 : memref<10000x64xf32, #tpu.memory_space<hbm>>) target(%arg8 : memref<128x64xf32, #tpu.memory_space<vmem>>) offsets(%dma_start3A_29 : memref<128xi32, #tpu.memory_space<vmem>>) semaphore(%arg12 : memref<!tpu.dma_semaphore, #tpu.memory_space<semaphore_mem>>)
      %dma_start3A_33 = arith.constant 1 : i32
      %dma_start3A_34 = arith.constant 0 : i32
      %dma_start3A_35 = tpu.memref_slice %arg6[%dma_start3A_33, %dma_start3A_34] : memref<80x128xi32, #tpu.memory_space<vmem>> -> memref<1x128xi32, #tpu.memory_space<vmem>>
      %dma_start3A_36 = tpu.memref_squeeze %dma_start3A_35 : memref<1x128xi32, #tpu.memory_space<vmem>> -> memref<128xi32, #tpu.memory_space<vmem>>
      %dma_start3A_37 = arith.constant 0 : i32
      %dma_start3A_38 = arith.constant 0 : i32
      %dma_start3A_39 = tpu.memref_slice %arg2[%dma_start3A_37, %dma_start3A_38] : memref<10000x64xf32, #tpu.memory_space<hbm>> -> memref<10000x64xf32, #tpu.memory_space<hbm>>
      tpu.enqueue_indirect_dma source(%dma_start3A_39 : memref<10000x64xf32, #tpu.memory_space<hbm>>) target(%arg9 : memref<128x64xf32, #tpu.memory_space<vmem>>) offsets(%dma_start3A_36 : memref<128xi32, #tpu.memory_space<vmem>>) semaphore(%arg13 : memref<!tpu.dma_semaphore, #tpu.memory_space<semaphore_mem>>)
      %dma_start3A_40 = arith.constant 2 : i32
      %dma_start3A_41 = arith.constant 0 : i32
      %dma_start3A_42 = tpu.memref_slice %arg6[%dma_start3A_40, %dma_start3A_41] : memref<80x128xi32, #tpu.memory_space<vmem>> -> memref<1x128xi32, #tpu.memory_space<vmem>>
      %dma_start3A_43 = tpu.memref_squeeze %dma_start3A_42 : memref<1x128xi32, #tpu.memory_space<vmem>> -> memref<128xi32, #tpu.memory_space<vmem>>
      %dma_start3A_44 = arith.constant 0 : i32
      %dma_start3A_45 = arith.constant 0 : i32
      %dma_start3A_46 = tpu.memref_slice %arg2[%dma_start3A_44, %dma_start3A_45] : memref<10000x64xf32, #tpu.memory_space<hbm>> -> memref<10000x64xf32, #tpu.memory_space<hbm>>
      tpu.enqueue_indirect_dma source(%dma_start3A_46 : memref<10000x64xf32, #tpu.memory_space<hbm>>) target(%arg10 : memref<128x64xf32, #tpu.memory_space<vmem>>) offsets(%dma_start3A_43 : memref<128xi32, #tpu.memory_space<vmem>>) semaphore(%arg14 : memref<!tpu.dma_semaphore, #tpu.memory_space<semaphore_mem>>)
      %scan3A = arith.constant 0 : i32
      %scan3A_47 = arith.constant 20 : i32
      %scan3A_48 = arith.addi %scan3A, %scan3A_47 : i32
      %scan3A_49 = arith.constant 1 : i32
      scf.for %scan3A_78 = %scan3A to %scan3A_48 step %scan3A_49  : i32 {
        %mul3A_79 = arith.constant 1 : i32
        %mul3A_80 = arith.muli %scan3A_78, %mul3A_79 : i32
        %add3A_81 = arith.constant 0 : i32
        %add3A_82 = arith.addi %add3A_81, %mul3A_80 : i32
        %mul3A_83 = arith.constant 4 : i32
        %mul3A_84 = arith.muli %add3A_82, %mul3A_83 : i32
        %add3A_85 = arith.constant 0 : i32
        %add3A_86 = arith.addi %mul3A_84, %add3A_85 : i32
        %add3A_87 = arith.constant 4 : i32
        %add3A_88 = arith.addi %add3A_86, %add3A_87 : i32
        %sub3A = arith.constant 1 : i32
        %sub3A_89 = arith.subi %add3A_88, %sub3A : i32
        %lt3A_90 = arith.constant 80 : i32
        %lt3A_91 = arith.cmpi slt, %sub3A_89, %lt3A_90 : i32
        %convert_element_type3A_92 = arith.extui %lt3A_91 : i1 to i32
        %cond3A_93 = arith.constant 0 : i32
        %cond3A_94 = arith.cmpi ne, %convert_element_type3A_92, %cond3A_93 : i32
        scf.if %cond3A_94 {
          %ge3A = arith.constant 1 : i32
          %ge3A_180 = arith.cmpi sge, %add3A_86, %ge3A : i32
          %convert_element_type3A_181 = arith.extui %ge3A_180 : i1 to i32
          %cond3A_182 = arith.constant 0 : i32
          %cond3A_183 = arith.cmpi ne, %convert_element_type3A_181, %cond3A_182 : i32
          scf.if %cond3A_183 {
            %dma_wait3A_194 = arith.constant 0 : i32
            %dma_wait3A_195 = arith.constant 0 : i32
            %dma_wait3A_196 = tpu.memref_slice %arg7[%dma_wait3A_194, %dma_wait3A_195] : memref<80x128xi32, #tpu.memory_space<vmem>> -> memref<1x128xi32, #tpu.memory_space<vmem>>
            %dma_wait3A_197 = tpu.memref_squeeze %dma_wait3A_196 : memref<1x128xi32, #tpu.memory_space<vmem>> -> memref<128xi32, #tpu.memory_space<vmem>>
            %dma_wait3A_198 = arith.constant 0 : i32
            %dma_wait3A_199 = arith.constant 0 : i32
            %dma_wait3A_200 = tpu.memref_slice %arg20[%dma_wait3A_198, %dma_wait3A_199] : memref<10240x64xf32, #tpu.memory_space<vmem_shared>> -> memref<10240x64xf32, #tpu.memory_space<vmem_shared>>
            tpu.wait_indirect_dma semaphore(%arg19 : memref<!tpu.dma_semaphore, #tpu.memory_space<semaphore_mem>>) src(%arg11 : memref<128x64xf32, #tpu.memory_space<vmem>>) dst(%dma_wait3A_200 : memref<10240x64xf32, #tpu.memory_space<vmem_shared>>)
          } else {
          }
          %add3A_184 = arith.constant 4 : i32
          %add3A_185 = arith.addi %add3A_86, %add3A_184 : i32
          %sub3A_186 = arith.constant 1 : i32
          %sub3A_187 = arith.subi %add3A_185, %sub3A_186 : i32
          %dma_start3A_188 = arith.constant 0 : i32
          %dma_start3A_189 = tpu.memref_slice %arg6[%sub3A_187, %dma_start3A_188] : memref<80x128xi32, #tpu.memory_space<vmem>> -> memref<1x128xi32, #tpu.memory_space<vmem>>
          %dma_start3A_190 = tpu.memref_squeeze %dma_start3A_189 : memref<1x128xi32, #tpu.memory_space<vmem>> -> memref<128xi32, #tpu.memory_space<vmem>>
          %dma_start3A_191 = arith.constant 0 : i32
          %dma_start3A_192 = arith.constant 0 : i32
          %dma_start3A_193 = tpu.memref_slice %arg2[%dma_start3A_191, %dma_start3A_192] : memref<10000x64xf32, #tpu.memory_space<hbm>> -> memref<10000x64xf32, #tpu.memory_space<hbm>>
          tpu.enqueue_indirect_dma source(%dma_start3A_193 : memref<10000x64xf32, #tpu.memory_space<hbm>>) target(%arg11 : memref<128x64xf32, #tpu.memory_space<vmem>>) offsets(%dma_start3A_190 : memref<128xi32, #tpu.memory_space<vmem>>) semaphore(%arg15 : memref<!tpu.dma_semaphore, #tpu.memory_space<semaphore_mem>>)
        } else {
        }
        %dma_wait3A_95 = arith.constant 0 : i32
        %dma_wait3A_96 = arith.constant 0 : i32
        %dma_wait3A_97 = tpu.memref_slice %arg6[%dma_wait3A_95, %dma_wait3A_96] : memref<80x128xi32, #tpu.memory_space<vmem>> -> memref<1x128xi32, #tpu.memory_space<vmem>>
        %dma_wait3A_98 = tpu.memref_squeeze %dma_wait3A_97 : memref<1x128xi32, #tpu.memory_space<vmem>> -> memref<128xi32, #tpu.memory_space<vmem>>
        %dma_wait3A_99 = arith.constant 0 : i32
        %dma_wait3A_100 = arith.constant 0 : i32
        %dma_wait3A_101 = tpu.memref_slice %arg2[%dma_wait3A_99, %dma_wait3A_100] : memref<10000x64xf32, #tpu.memory_space<hbm>> -> memref<10000x64xf32, #tpu.memory_space<hbm>>
        tpu.wait_indirect_dma semaphore(%arg12 : memref<!tpu.dma_semaphore, #tpu.memory_space<semaphore_mem>>) src(%dma_wait3A_101 : memref<10000x64xf32, #tpu.memory_space<hbm>>) dst(%arg8 : memref<128x64xf32, #tpu.memory_space<vmem>>)
        %dma_start3A_102 = arith.constant 0 : i32
        %dma_start3A_103 = tpu.memref_slice %arg7[%add3A_86, %dma_start3A_102] : memref<80x128xi32, #tpu.memory_space<vmem>> -> memref<1x128xi32, #tpu.memory_space<vmem>>
        %dma_start3A_104 = tpu.memref_squeeze %dma_start3A_103 : memref<1x128xi32, #tpu.memory_space<vmem>> -> memref<128xi32, #tpu.memory_space<vmem>>
        %dma_start3A_105 = arith.constant 0 : i32
        %dma_start3A_106 = arith.constant 0 : i32
        %dma_start3A_107 = tpu.memref_slice %arg20[%dma_start3A_105, %dma_start3A_106] : memref<10240x64xf32, #tpu.memory_space<vmem_shared>> -> memref<10240x64xf32, #tpu.memory_space<vmem_shared>>
        tpu.enqueue_indirect_dma source(%arg8 : memref<128x64xf32, #tpu.memory_space<vmem>>) target(%dma_start3A_107 : memref<10240x64xf32, #tpu.memory_space<vmem_shared>>) offsets(%dma_start3A_104 : memref<128xi32, #tpu.memory_space<vmem>>) semaphore(%arg16 : memref<!tpu.dma_semaphore, #tpu.memory_space<semaphore_mem>>) {add = true}
        %add3A_108 = arith.constant 1 : i32
        %add3A_109 = arith.addi %mul3A_84, %add3A_108 : i32
        %add3A_110 = arith.constant 4 : i32
        %add3A_111 = arith.addi %add3A_109, %add3A_110 : i32
        %sub3A_112 = arith.constant 1 : i32
        %sub3A_113 = arith.subi %add3A_111, %sub3A_112 : i32
        %lt3A_114 = arith.constant 80 : i32
        %lt3A_115 = arith.cmpi slt, %sub3A_113, %lt3A_114 : i32
        %convert_element_type3A_116 = arith.extui %lt3A_115 : i1 to i32
        %cond3A_117 = arith.constant 0 : i32
        %cond3A_118 = arith.cmpi ne, %convert_element_type3A_116, %cond3A_117 : i32
        scf.if %cond3A_118 {
          %ge3A = arith.constant 1 : i32
          %ge3A_180 = arith.cmpi sge, %add3A_109, %ge3A : i32
          %convert_element_type3A_181 = arith.extui %ge3A_180 : i1 to i32
          %cond3A_182 = arith.constant 0 : i32
          %cond3A_183 = arith.cmpi ne, %convert_element_type3A_181, %cond3A_182 : i32
          scf.if %cond3A_183 {
            %dma_wait3A_194 = arith.constant 0 : i32
            %dma_wait3A_195 = arith.constant 0 : i32
            %dma_wait3A_196 = tpu.memref_slice %arg7[%dma_wait3A_194, %dma_wait3A_195] : memref<80x128xi32, #tpu.memory_space<vmem>> -> memref<1x128xi32, #tpu.memory_space<vmem>>
            %dma_wait3A_197 = tpu.memref_squeeze %dma_wait3A_196 : memref<1x128xi32, #tpu.memory_space<vmem>> -> memref<128xi32, #tpu.memory_space<vmem>>
            %dma_wait3A_198 = arith.constant 0 : i32
            %dma_wait3A_199 = arith.constant 0 : i32
            %dma_wait3A_200 = tpu.memref_slice %arg20[%dma_wait3A_198, %dma_wait3A_199] : memref<10240x64xf32, #tpu.memory_space<vmem_shared>> -> memref<10240x64xf32, #tpu.memory_space<vmem_shared>>
            tpu.wait_indirect_dma semaphore(%arg16 : memref<!tpu.dma_semaphore, #tpu.memory_space<semaphore_mem>>) src(%arg8 : memref<128x64xf32, #tpu.memory_space<vmem>>) dst(%dma_wait3A_200 : memref<10240x64xf32, #tpu.memory_space<vmem_shared>>)
          } else {
          }
          %add3A_184 = arith.constant 4 : i32
          %add3A_185 = arith.addi %add3A_109, %add3A_184 : i32
          %sub3A_186 = arith.constant 1 : i32
          %sub3A_187 = arith.subi %add3A_185, %sub3A_186 : i32
          %dma_start3A_188 = arith.constant 0 : i32
          %dma_start3A_189 = tpu.memref_slice %arg6[%sub3A_187, %dma_start3A_188] : memref<80x128xi32, #tpu.memory_space<vmem>> -> memref<1x128xi32, #tpu.memory_space<vmem>>
          %dma_start3A_190 = tpu.memref_squeeze %dma_start3A_189 : memref<1x128xi32, #tpu.memory_space<vmem>> -> memref<128xi32, #tpu.memory_space<vmem>>
          %dma_start3A_191 = arith.constant 0 : i32
          %dma_start3A_192 = arith.constant 0 : i32
          %dma_start3A_193 = tpu.memref_slice %arg2[%dma_start3A_191, %dma_start3A_192] : memref<10000x64xf32, #tpu.memory_space<hbm>> -> memref<10000x64xf32, #tpu.memory_space<hbm>>
          tpu.enqueue_indirect_dma source(%dma_start3A_193 : memref<10000x64xf32, #tpu.memory_space<hbm>>) target(%arg8 : memref<128x64xf32, #tpu.memory_space<vmem>>) offsets(%dma_start3A_190 : memref<128xi32, #tpu.memory_space<vmem>>) semaphore(%arg12 : memref<!tpu.dma_semaphore, #tpu.memory_space<semaphore_mem>>)
        } else {
        }
        %dma_wait3A_119 = arith.constant 0 : i32
        %dma_wait3A_120 = arith.constant 0 : i32
        %dma_wait3A_121 = tpu.memref_slice %arg6[%dma_wait3A_119, %dma_wait3A_120] : memref<80x128xi32, #tpu.memory_space<vmem>> -> memref<1x128xi32, #tpu.memory_space<vmem>>
        %dma_wait3A_122 = tpu.memref_squeeze %dma_wait3A_121 : memref<1x128xi32, #tpu.memory_space<vmem>> -> memref<128xi32, #tpu.memory_space<vmem>>
        %dma_wait3A_123 = arith.constant 0 : i32
        %dma_wait3A_124 = arith.constant 0 : i32
        %dma_wait3A_125 = tpu.memref_slice %arg2[%dma_wait3A_123, %dma_wait3A_124] : memref<10000x64xf32, #tpu.memory_space<hbm>> -> memref<10000x64xf32, #tpu.memory_space<hbm>>
        tpu.wait_indirect_dma semaphore(%arg13 : memref<!tpu.dma_semaphore, #tpu.memory_space<semaphore_mem>>) src(%dma_wait3A_125 : memref<10000x64xf32, #tpu.memory_space<hbm>>) dst(%arg9 : memref<128x64xf32, #tpu.memory_space<vmem>>)
        %dma_start3A_126 = arith.constant 0 : i32
        %dma_start3A_127 = tpu.memref_slice %arg7[%add3A_109, %dma_start3A_126] : memref<80x128xi32, #tpu.memory_space<vmem>> -> memref<1x128xi32, #tpu.memory_space<vmem>>
        %dma_start3A_128 = tpu.memref_squeeze %dma_start3A_127 : memref<1x128xi32, #tpu.memory_space<vmem>> -> memref<128xi32, #tpu.memory_space<vmem>>
        %dma_start3A_129 = arith.constant 0 : i32
        %dma_start3A_130 = arith.constant 0 : i32
        %dma_start3A_131 = tpu.memref_slice %arg20[%dma_start3A_129, %dma_start3A_130] : memref<10240x64xf32, #tpu.memory_space<vmem_shared>> -> memref<10240x64xf32, #tpu.memory_space<vmem_shared>>
        tpu.enqueue_indirect_dma source(%arg9 : memref<128x64xf32, #tpu.memory_space<vmem>>) target(%dma_start3A_131 : memref<10240x64xf32, #tpu.memory_space<vmem_shared>>) offsets(%dma_start3A_128 : memref<128xi32, #tpu.memory_space<vmem>>) semaphore(%arg17 : memref<!tpu.dma_semaphore, #tpu.memory_space<semaphore_mem>>) {add = true}
        %add3A_132 = arith.constant 2 : i32
        %add3A_133 = arith.addi %mul3A_84, %add3A_132 : i32
        %add3A_134 = arith.constant 4 : i32
        %add3A_135 = arith.addi %add3A_133, %add3A_134 : i32
        %sub3A_136 = arith.constant 1 : i32
        %sub3A_137 = arith.subi %add3A_135, %sub3A_136 : i32
        %lt3A_138 = arith.constant 80 : i32
        %lt3A_139 = arith.cmpi slt, %sub3A_137, %lt3A_138 : i32
        %convert_element_type3A_140 = arith.extui %lt3A_139 : i1 to i32
        %cond3A_141 = arith.constant 0 : i32
        %cond3A_142 = arith.cmpi ne, %convert_element_type3A_140, %cond3A_141 : i32
        scf.if %cond3A_142 {
          %ge3A = arith.constant 1 : i32
          %ge3A_180 = arith.cmpi sge, %add3A_133, %ge3A : i32
          %convert_element_type3A_181 = arith.extui %ge3A_180 : i1 to i32
          %cond3A_182 = arith.constant 0 : i32
          %cond3A_183 = arith.cmpi ne, %convert_element_type3A_181, %cond3A_182 : i32
          scf.if %cond3A_183 {
            %dma_wait3A_194 = arith.constant 0 : i32
            %dma_wait3A_195 = arith.constant 0 : i32
            %dma_wait3A_196 = tpu.memref_slice %arg7[%dma_wait3A_194, %dma_wait3A_195] : memref<80x128xi32, #tpu.memory_space<vmem>> -> memref<1x128xi32, #tpu.memory_space<vmem>>
            %dma_wait3A_197 = tpu.memref_squeeze %dma_wait3A_196 : memref<1x128xi32, #tpu.memory_space<vmem>> -> memref<128xi32, #tpu.memory_space<vmem>>
            %dma_wait3A_198 = arith.constant 0 : i32
            %dma_wait3A_199 = arith.constant 0 : i32
            %dma_wait3A_200 = tpu.memref_slice %arg20[%dma_wait3A_198, %dma_wait3A_199] : memref<10240x64xf32, #tpu.memory_space<vmem_shared>> -> memref<10240x64xf32, #tpu.memory_space<vmem_shared>>
            tpu.wait_indirect_dma semaphore(%arg17 : memref<!tpu.dma_semaphore, #tpu.memory_space<semaphore_mem>>) src(%arg9 : memref<128x64xf32, #tpu.memory_space<vmem>>) dst(%dma_wait3A_200 : memref<10240x64xf32, #tpu.memory_space<vmem_shared>>)
          } else {
          }
          %add3A_184 = arith.constant 4 : i32
          %add3A_185 = arith.addi %add3A_133, %add3A_184 : i32
          %sub3A_186 = arith.constant 1 : i32
          %sub3A_187 = arith.subi %add3A_185, %sub3A_186 : i32
          %dma_start3A_188 = arith.constant 0 : i32
          %dma_start3A_189 = tpu.memref_slice %arg6[%sub3A_187, %dma_start3A_188] : memref<80x128xi32, #tpu.memory_space<vmem>> -> memref<1x128xi32, #tpu.memory_space<vmem>>
          %dma_start3A_190 = tpu.memref_squeeze %dma_start3A_189 : memref<1x128xi32, #tpu.memory_space<vmem>> -> memref<128xi32, #tpu.memory_space<vmem>>
          %dma_start3A_191 = arith.constant 0 : i32
          %dma_start3A_192 = arith.constant 0 : i32
          %dma_start3A_193 = tpu.memref_slice %arg2[%dma_start3A_191, %dma_start3A_192] : memref<10000x64xf32, #tpu.memory_space<hbm>> -> memref<10000x64xf32, #tpu.memory_space<hbm>>
          tpu.enqueue_indirect_dma source(%dma_start3A_193 : memref<10000x64xf32, #tpu.memory_space<hbm>>) target(%arg9 : memref<128x64xf32, #tpu.memory_space<vmem>>) offsets(%dma_start3A_190 : memref<128xi32, #tpu.memory_space<vmem>>) semaphore(%arg13 : memref<!tpu.dma_semaphore, #tpu.memory_space<semaphore_mem>>)
        } else {
        }
        %dma_wait3A_143 = arith.constant 0 : i32
        %dma_wait3A_144 = arith.constant 0 : i32
        %dma_wait3A_145 = tpu.memref_slice %arg6[%dma_wait3A_143, %dma_wait3A_144] : memref<80x128xi32, #tpu.memory_space<vmem>> -> memref<1x128xi32, #tpu.memory_space<vmem>>
        %dma_wait3A_146 = tpu.memref_squeeze %dma_wait3A_145 : memref<1x128xi32, #tpu.memory_space<vmem>> -> memref<128xi32, #tpu.memory_space<vmem>>
        %dma_wait3A_147 = arith.constant 0 : i32
        %dma_wait3A_148 = arith.constant 0 : i32
        %dma_wait3A_149 = tpu.memref_slice %arg2[%dma_wait3A_147, %dma_wait3A_148] : memref<10000x64xf32, #tpu.memory_space<hbm>> -> memref<10000x64xf32, #tpu.memory_space<hbm>>
        tpu.wait_indirect_dma semaphore(%arg14 : memref<!tpu.dma_semaphore, #tpu.memory_space<semaphore_mem>>) src(%dma_wait3A_149 : memref<10000x64xf32, #tpu.memory_space<hbm>>) dst(%arg10 : memref<128x64xf32, #tpu.memory_space<vmem>>)
        %dma_start3A_150 = arith.constant 0 : i32
        %dma_start3A_151 = tpu.memref_slice %arg7[%add3A_133, %dma_start3A_150] : memref<80x128xi32, #tpu.memory_space<vmem>> -> memref<1x128xi32, #tpu.memory_space<vmem>>
        %dma_start3A_152 = tpu.memref_squeeze %dma_start3A_151 : memref<1x128xi32, #tpu.memory_space<vmem>> -> memref<128xi32, #tpu.memory_space<vmem>>
        %dma_start3A_153 = arith.constant 0 : i32
        %dma_start3A_154 = arith.constant 0 : i32
        %dma_start3A_155 = tpu.memref_slice %arg20[%dma_start3A_153, %dma_start3A_154] : memref<10240x64xf32, #tpu.memory_space<vmem_shared>> -> memref<10240x64xf32, #tpu.memory_space<vmem_shared>>
        tpu.enqueue_indirect_dma source(%arg10 : memref<128x64xf32, #tpu.memory_space<vmem>>) target(%dma_start3A_155 : memref<10240x64xf32, #tpu.memory_space<vmem_shared>>) offsets(%dma_start3A_152 : memref<128xi32, #tpu.memory_space<vmem>>) semaphore(%arg18 : memref<!tpu.dma_semaphore, #tpu.memory_space<semaphore_mem>>) {add = true}
        %add3A_156 = arith.constant 3 : i32
        %add3A_157 = arith.addi %mul3A_84, %add3A_156 : i32
        %add3A_158 = arith.constant 4 : i32
        %add3A_159 = arith.addi %add3A_157, %add3A_158 : i32
        %sub3A_160 = arith.constant 1 : i32
        %sub3A_161 = arith.subi %add3A_159, %sub3A_160 : i32
        %lt3A_162 = arith.constant 80 : i32
        %lt3A_163 = arith.cmpi slt, %sub3A_161, %lt3A_162 : i32
        %convert_element_type3A_164 = arith.extui %lt3A_163 : i1 to i32
        %cond3A_165 = arith.constant 0 : i32
        %cond3A_166 = arith.cmpi ne, %convert_element_type3A_164, %cond3A_165 : i32
        scf.if %cond3A_166 {
          %ge3A = arith.constant 1 : i32
          %ge3A_180 = arith.cmpi sge, %add3A_157, %ge3A : i32
          %convert_element_type3A_181 = arith.extui %ge3A_180 : i1 to i32
          %cond3A_182 = arith.constant 0 : i32
          %cond3A_183 = arith.cmpi ne, %convert_element_type3A_181, %cond3A_182 : i32
          scf.if %cond3A_183 {
            %dma_wait3A_194 = arith.constant 0 : i32
            %dma_wait3A_195 = arith.constant 0 : i32
            %dma_wait3A_196 = tpu.memref_slice %arg7[%dma_wait3A_194, %dma_wait3A_195] : memref<80x128xi32, #tpu.memory_space<vmem>> -> memref<1x128xi32, #tpu.memory_space<vmem>>
            %dma_wait3A_197 = tpu.memref_squeeze %dma_wait3A_196 : memref<1x128xi32, #tpu.memory_space<vmem>> -> memref<128xi32, #tpu.memory_space<vmem>>
            %dma_wait3A_198 = arith.constant 0 : i32
            %dma_wait3A_199 = arith.constant 0 : i32
            %dma_wait3A_200 = tpu.memref_slice %arg20[%dma_wait3A_198, %dma_wait3A_199] : memref<10240x64xf32, #tpu.memory_space<vmem_shared>> -> memref<10240x64xf32, #tpu.memory_space<vmem_shared>>
            tpu.wait_indirect_dma semaphore(%arg18 : memref<!tpu.dma_semaphore, #tpu.memory_space<semaphore_mem>>) src(%arg10 : memref<128x64xf32, #tpu.memory_space<vmem>>) dst(%dma_wait3A_200 : memref<10240x64xf32, #tpu.memory_space<vmem_shared>>)
          } else {
          }
          %add3A_184 = arith.constant 4 : i32
          %add3A_185 = arith.addi %add3A_157, %add3A_184 : i32
          %sub3A_186 = arith.constant 1 : i32
          %sub3A_187 = arith.subi %add3A_185, %sub3A_186 : i32
          %dma_start3A_188 = arith.constant 0 : i32
          %dma_start3A_189 = tpu.memref_slice %arg6[%sub3A_187, %dma_start3A_188] : memref<80x128xi32, #tpu.memory_space<vmem>> -> memref<1x128xi32, #tpu.memory_space<vmem>>
          %dma_start3A_190 = tpu.memref_squeeze %dma_start3A_189 : memref<1x128xi32, #tpu.memory_space<vmem>> -> memref<128xi32, #tpu.memory_space<vmem>>
          %dma_start3A_191 = arith.constant 0 : i32
          %dma_start3A_192 = arith.constant 0 : i32
          %dma_start3A_193 = tpu.memref_slice %arg2[%dma_start3A_191, %dma_start3A_192] : memref<10000x64xf32, #tpu.memory_space<hbm>> -> memref<10000x64xf32, #tpu.memory_space<hbm>>
          tpu.enqueue_indirect_dma source(%dma_start3A_193 : memref<10000x64xf32, #tpu.memory_space<hbm>>) target(%arg10 : memref<128x64xf32, #tpu.memory_space<vmem>>) offsets(%dma_start3A_190 : memref<128xi32, #tpu.memory_space<vmem>>) semaphore(%arg14 : memref<!tpu.dma_semaphore, #tpu.memory_space<semaphore_mem>>)
        } else {
        }
        %dma_wait3A_167 = arith.constant 0 : i32
        %dma_wait3A_168 = arith.constant 0 : i32
        %dma_wait3A_169 = tpu.memref_slice %arg6[%dma_wait3A_167, %dma_wait3A_168] : memref<80x128xi32, #tpu.memory_space<vmem>> -> memref<1x128xi32, #tpu.memory_space<vmem>>
        %dma_wait3A_170 = tpu.memref_squeeze %dma_wait3A_169 : memref<1x128xi32, #tpu.memory_space<vmem>> -> memref<128xi32, #tpu.memory_space<vmem>>
        %dma_wait3A_171 = arith.constant 0 : i32
        %dma_wait3A_172 = arith.constant 0 : i32
        %dma_wait3A_173 = tpu.memref_slice %arg2[%dma_wait3A_171, %dma_wait3A_172] : memref<10000x64xf32, #tpu.memory_space<hbm>> -> memref<10000x64xf32, #tpu.memory_space<hbm>>
        tpu.wait_indirect_dma semaphore(%arg15 : memref<!tpu.dma_semaphore, #tpu.memory_space<semaphore_mem>>) src(%dma_wait3A_173 : memref<10000x64xf32, #tpu.memory_space<hbm>>) dst(%arg11 : memref<128x64xf32, #tpu.memory_space<vmem>>)
        %dma_start3A_174 = arith.constant 0 : i32
        %dma_start3A_175 = tpu.memref_slice %arg7[%add3A_157, %dma_start3A_174] : memref<80x128xi32, #tpu.memory_space<vmem>> -> memref<1x128xi32, #tpu.memory_space<vmem>>
        %dma_start3A_176 = tpu.memref_squeeze %dma_start3A_175 : memref<1x128xi32, #tpu.memory_space<vmem>> -> memref<128xi32, #tpu.memory_space<vmem>>
        %dma_start3A_177 = arith.constant 0 : i32
        %dma_start3A_178 = arith.constant 0 : i32
        %dma_start3A_179 = tpu.memref_slice %arg20[%dma_start3A_177, %dma_start3A_178] : memref<10240x64xf32, #tpu.memory_space<vmem_shared>> -> memref<10240x64xf32, #tpu.memory_space<vmem_shared>>
        tpu.enqueue_indirect_dma source(%arg11 : memref<128x64xf32, #tpu.memory_space<vmem>>) target(%dma_start3A_179 : memref<10240x64xf32, #tpu.memory_space<vmem_shared>>) offsets(%dma_start3A_176 : memref<128xi32, #tpu.memory_space<vmem>>) semaphore(%arg19 : memref<!tpu.dma_semaphore, #tpu.memory_space<semaphore_mem>>) {add = true}
      }
      %scan3A_50 = arith.constant 20 : i32
      %dma_wait3A = arith.constant 0 : i32
      %dma_wait3A_51 = arith.constant 0 : i32
      %dma_wait3A_52 = tpu.memref_slice %arg7[%dma_wait3A, %dma_wait3A_51] : memref<80x128xi32, #tpu.memory_space<vmem>> -> memref<1x128xi32, #tpu.memory_space<vmem>>
      %dma_wait3A_53 = tpu.memref_squeeze %dma_wait3A_52 : memref<1x128xi32, #tpu.memory_space<vmem>> -> memref<128xi32, #tpu.memory_space<vmem>>
      %dma_wait3A_54 = arith.constant 0 : i32
      %dma_wait3A_55 = arith.constant 0 : i32
      %dma_wait3A_56 = tpu.memref_slice %arg20[%dma_wait3A_54, %dma_wait3A_55] : memref<10240x64xf32, #tpu.memory_space<vmem_shared>> -> memref<10240x64xf32, #tpu.memory_space<vmem_shared>>
      tpu.wait_indirect_dma semaphore(%arg16 : memref<!tpu.dma_semaphore, #tpu.memory_space<semaphore_mem>>) src(%arg8 : memref<128x64xf32, #tpu.memory_space<vmem>>) dst(%dma_wait3A_56 : memref<10240x64xf32, #tpu.memory_space<vmem_shared>>)
      %dma_wait3A_57 = arith.constant 0 : i32
      %dma_wait3A_58 = arith.constant 0 : i32
      %dma_wait3A_59 = tpu.memref_slice %arg7[%dma_wait3A_57, %dma_wait3A_58] : memref<80x128xi32, #tpu.memory_space<vmem>> -> memref<1x128xi32, #tpu.memory_space<vmem>>
      %dma_wait3A_60 = tpu.memref_squeeze %dma_wait3A_59 : memref<1x128xi32, #tpu.memory_space<vmem>> -> memref<128xi32, #tpu.memory_space<vmem>>
      %dma_wait3A_61 = arith.constant 0 : i32
      %dma_wait3A_62 = arith.constant 0 : i32
      %dma_wait3A_63 = tpu.memref_slice %arg20[%dma_wait3A_61, %dma_wait3A_62] : memref<10240x64xf32, #tpu.memory_space<vmem_shared>> -> memref<10240x64xf32, #tpu.memory_space<vmem_shared>>
      tpu.wait_indirect_dma semaphore(%arg17 : memref<!tpu.dma_semaphore, #tpu.memory_space<semaphore_mem>>) src(%arg9 : memref<128x64xf32, #tpu.memory_space<vmem>>) dst(%dma_wait3A_63 : memref<10240x64xf32, #tpu.memory_space<vmem_shared>>)
      %dma_wait3A_64 = arith.constant 0 : i32
      %dma_wait3A_65 = arith.constant 0 : i32
      %dma_wait3A_66 = tpu.memref_slice %arg7[%dma_wait3A_64, %dma_wait3A_65] : memref<80x128xi32, #tpu.memory_space<vmem>> -> memref<1x128xi32, #tpu.memory_space<vmem>>
      %dma_wait3A_67 = tpu.memref_squeeze %dma_wait3A_66 : memref<1x128xi32, #tpu.memory_space<vmem>> -> memref<128xi32, #tpu.memory_space<vmem>>
      %dma_wait3A_68 = arith.constant 0 : i32
      %dma_wait3A_69 = arith.constant 0 : i32
      %dma_wait3A_70 = tpu.memref_slice %arg20[%dma_wait3A_68, %dma_wait3A_69] : memref<10240x64xf32, #tpu.memory_space<vmem_shared>> -> memref<10240x64xf32, #tpu.memory_space<vmem_shared>>
      tpu.wait_indirect_dma semaphore(%arg18 : memref<!tpu.dma_semaphore, #tpu.memory_space<semaphore_mem>>) src(%arg10 : memref<128x64xf32, #tpu.memory_space<vmem>>) dst(%dma_wait3A_70 : memref<10240x64xf32, #tpu.memory_space<vmem_shared>>)
      %dma_wait3A_71 = arith.constant 0 : i32
      %dma_wait3A_72 = arith.constant 0 : i32
      %dma_wait3A_73 = tpu.memref_slice %arg7[%dma_wait3A_71, %dma_wait3A_72] : memref<80x128xi32, #tpu.memory_space<vmem>> -> memref<1x128xi32, #tpu.memory_space<vmem>>
      %dma_wait3A_74 = tpu.memref_squeeze %dma_wait3A_73 : memref<1x128xi32, #tpu.memory_space<vmem>> -> memref<128xi32, #tpu.memory_space<vmem>>
      %dma_wait3A_75 = arith.constant 0 : i32
      %dma_wait3A_76 = arith.constant 0 : i32
      %dma_wait3A_77 = tpu.memref_slice %arg20[%dma_wait3A_75, %dma_wait3A_76] : memref<10240x64xf32, #tpu.memory_space<vmem_shared>> -> memref<10240x64xf32, #tpu.memory_space<vmem_shared>>
      tpu.wait_indirect_dma semaphore(%arg19 : memref<!tpu.dma_semaphore, #tpu.memory_space<semaphore_mem>>) src(%arg11 : memref<128x64xf32, #tpu.memory_space<vmem>>) dst(%dma_wait3A_77 : memref<10240x64xf32, #tpu.memory_space<vmem_shared>>)
    } else {
    }
    %eq3A_19 = arith.constant 31 : i32
    %eq3A_20 = arith.cmpi eq, %add3A, %eq3A_19 : i32
    %convert_element_type3A_21 = arith.extui %eq3A_20 : i1 to i32
    %cond3A_22 = arith.constant 0 : i32
    %cond3A_23 = arith.cmpi ne, %convert_element_type3A_21, %cond3A_22 : i32
    scf.if %cond3A_23 {
      %dma_start3A = arith.constant 0 : i32
      %dma_start3A_27 = arith.constant 0 : i32
      %dma_start3A_28 = tpu.memref_slice %arg6[%dma_start3A, %dma_start3A_27] : memref<80x128xi32, #tpu.memory_space<vmem>> -> memref<1x128xi32, #tpu.memory_space<vmem>>
      %dma_start3A_29 = tpu.memref_squeeze %dma_start3A_28 : memref<1x128xi32, #tpu.memory_space<vmem>> -> memref<128xi32, #tpu.memory_space<vmem>>
      %dma_start3A_30 = arith.constant 0 : i32
      %dma_start3A_31 = arith.constant 0 : i32
      %dma_start3A_32 = tpu.memref_slice %arg2[%dma_start3A_30, %dma_start3A_31] : memref<10000x64xf32, #tpu.memory_space<hbm>> -> memref<10000x64xf32, #tpu.memory_space<hbm>>
      tpu.enqueue_indirect_dma source(%dma_start3A_32 : memref<10000x64xf32, #tpu.memory_space<hbm>>) target(%arg8 : memref<128x64xf32, #tpu.memory_space<vmem>>) offsets(%dma_start3A_29 : memref<128xi32, #tpu.memory_space<vmem>>) semaphore(%arg12 : memref<!tpu.dma_semaphore, #tpu.memory_space<semaphore_mem>>)
      %dma_start3A_33 = arith.constant 1 : i32
      %dma_start3A_34 = arith.constant 0 : i32
      %dma_start3A_35 = tpu.memref_slice %arg6[%dma_start3A_33, %dma_start3A_34] : memref<80x128xi32, #tpu.memory_space<vmem>> -> memref<1x128xi32, #tpu.memory_space<vmem>>
      %dma_start3A_36 = tpu.memref_squeeze %dma_start3A_35 : memref<1x128xi32, #tpu.memory_space<vmem>> -> memref<128xi32, #tpu.memory_space<vmem>>
      %dma_start3A_37 = arith.constant 0 : i32
      %dma_start3A_38 = arith.constant 0 : i32
      %dma_start3A_39 = tpu.memref_slice %arg2[%dma_start3A_37, %dma_start3A_38] : memref<10000x64xf32, #tpu.memory_space<hbm>> -> memref<10000x64xf32, #tpu.memory_space<hbm>>
      tpu.enqueue_indirect_dma source(%dma_start3A_39 : memref<10000x64xf32, #tpu.memory_space<hbm>>) target(%arg9 : memref<128x64xf32, #tpu.memory_space<vmem>>) offsets(%dma_start3A_36 : memref<128xi32, #tpu.memory_space<vmem>>) semaphore(%arg13 : memref<!tpu.dma_semaphore, #tpu.memory_space<semaphore_mem>>)
      %dma_start3A_40 = arith.constant 2 : i32
      %dma_start3A_41 = arith.constant 0 : i32
      %dma_start3A_42 = tpu.memref_slice %arg6[%dma_start3A_40, %dma_start3A_41] : memref<80x128xi32, #tpu.memory_space<vmem>> -> memref<1x128xi32, #tpu.memory_space<vmem>>
      %dma_start3A_43 = tpu.memref_squeeze %dma_start3A_42 : memref<1x128xi32, #tpu.memory_space<vmem>> -> memref<128xi32, #tpu.memory_space<vmem>>
      %dma_start3A_44 = arith.constant 0 : i32
      %dma_start3A_45 = arith.constant 0 : i32
      %dma_start3A_46 = tpu.memref_slice %arg2[%dma_start3A_44, %dma_start3A_45] : memref<10000x64xf32, #tpu.memory_space<hbm>> -> memref<10000x64xf32, #tpu.memory_space<hbm>>
      tpu.enqueue_indirect_dma source(%dma_start3A_46 : memref<10000x64xf32, #tpu.memory_space<hbm>>) target(%arg10 : memref<128x64xf32, #tpu.memory_space<vmem>>) offsets(%dma_start3A_43 : memref<128xi32, #tpu.memory_space<vmem>>) semaphore(%arg14 : memref<!tpu.dma_semaphore, #tpu.memory_space<semaphore_mem>>)
      %scan3A = arith.constant 0 : i32
      %scan3A_47 = arith.constant 5 : i32
      %scan3A_48 = arith.addi %scan3A, %scan3A_47 : i32
      %scan3A_49 = arith.constant 1 : i32
      scf.for %scan3A_78 = %scan3A to %scan3A_48 step %scan3A_49  : i32 {
        %mul3A_79 = arith.constant 1 : i32
        %mul3A_80 = arith.muli %scan3A_78, %mul3A_79 : i32
        %add3A_81 = arith.constant 0 : i32
        %add3A_82 = arith.addi %add3A_81, %mul3A_80 : i32
        %mul3A_83 = arith.constant 4 : i32
        %mul3A_84 = arith.muli %add3A_82, %mul3A_83 : i32
        %add3A_85 = arith.constant 0 : i32
        %add3A_86 = arith.addi %mul3A_84, %add3A_85 : i32
        %add3A_87 = arith.constant 4 : i32
        %add3A_88 = arith.addi %add3A_86, %add3A_87 : i32
        %sub3A = arith.constant 1 : i32
        %sub3A_89 = arith.subi %add3A_88, %sub3A : i32
        %lt3A_90 = arith.constant 20 : i32
        %lt3A_91 = arith.cmpi slt, %sub3A_89, %lt3A_90 : i32
        %convert_element_type3A_92 = arith.extui %lt3A_91 : i1 to i32
        %cond3A_93 = arith.constant 0 : i32
        %cond3A_94 = arith.cmpi ne, %convert_element_type3A_92, %cond3A_93 : i32
        scf.if %cond3A_94 {
          %ge3A = arith.constant 1 : i32
          %ge3A_180 = arith.cmpi sge, %add3A_86, %ge3A : i32
          %convert_element_type3A_181 = arith.extui %ge3A_180 : i1 to i32
          %cond3A_182 = arith.constant 0 : i32
          %cond3A_183 = arith.cmpi ne, %convert_element_type3A_181, %cond3A_182 : i32
          scf.if %cond3A_183 {
            %dma_wait3A_194 = arith.constant 0 : i32
            %dma_wait3A_195 = arith.constant 0 : i32
            %dma_wait3A_196 = tpu.memref_slice %arg7[%dma_wait3A_194, %dma_wait3A_195] : memref<80x128xi32, #tpu.memory_space<vmem>> -> memref<1x128xi32, #tpu.memory_space<vmem>>
            %dma_wait3A_197 = tpu.memref_squeeze %dma_wait3A_196 : memref<1x128xi32, #tpu.memory_space<vmem>> -> memref<128xi32, #tpu.memory_space<vmem>>
            %dma_wait3A_198 = arith.constant 0 : i32
            %dma_wait3A_199 = arith.constant 0 : i32
            %dma_wait3A_200 = tpu.memref_slice %arg20[%dma_wait3A_198, %dma_wait3A_199] : memref<10240x64xf32, #tpu.memory_space<vmem_shared>> -> memref<10240x64xf32, #tpu.memory_space<vmem_shared>>
            tpu.wait_indirect_dma semaphore(%arg19 : memref<!tpu.dma_semaphore, #tpu.memory_space<semaphore_mem>>) src(%arg11 : memref<128x64xf32, #tpu.memory_space<vmem>>) dst(%dma_wait3A_200 : memref<10240x64xf32, #tpu.memory_space<vmem_shared>>)
          } else {
          }
          %add3A_184 = arith.constant 4 : i32
          %add3A_185 = arith.addi %add3A_86, %add3A_184 : i32
          %sub3A_186 = arith.constant 1 : i32
          %sub3A_187 = arith.subi %add3A_185, %sub3A_186 : i32
          %dma_start3A_188 = arith.constant 0 : i32
          %dma_start3A_189 = tpu.memref_slice %arg6[%sub3A_187, %dma_start3A_188] : memref<80x128xi32, #tpu.memory_space<vmem>> -> memref<1x128xi32, #tpu.memory_space<vmem>>
          %dma_start3A_190 = tpu.memref_squeeze %dma_start3A_189 : memref<1x128xi32, #tpu.memory_space<vmem>> -> memref<128xi32, #tpu.memory_space<vmem>>
          %dma_start3A_191 = arith.constant 0 : i32
          %dma_start3A_192 = arith.constant 0 : i32
          %dma_start3A_193 = tpu.memref_slice %arg2[%dma_start3A_191, %dma_start3A_192] : memref<10000x64xf32, #tpu.memory_space<hbm>> -> memref<10000x64xf32, #tpu.memory_space<hbm>>
          tpu.enqueue_indirect_dma source(%dma_start3A_193 : memref<10000x64xf32, #tpu.memory_space<hbm>>) target(%arg11 : memref<128x64xf32, #tpu.memory_space<vmem>>) offsets(%dma_start3A_190 : memref<128xi32, #tpu.memory_space<vmem>>) semaphore(%arg15 : memref<!tpu.dma_semaphore, #tpu.memory_space<semaphore_mem>>)
        } else {
        }
        %dma_wait3A_95 = arith.constant 0 : i32
        %dma_wait3A_96 = arith.constant 0 : i32
        %dma_wait3A_97 = tpu.memref_slice %arg6[%dma_wait3A_95, %dma_wait3A_96] : memref<80x128xi32, #tpu.memory_space<vmem>> -> memref<1x128xi32, #tpu.memory_space<vmem>>
        %dma_wait3A_98 = tpu.memref_squeeze %dma_wait3A_97 : memref<1x128xi32, #tpu.memory_space<vmem>> -> memref<128xi32, #tpu.memory_space<vmem>>
        %dma_wait3A_99 = arith.constant 0 : i32
        %dma_wait3A_100 = arith.constant 0 : i32
        %dma_wait3A_101 = tpu.memref_slice %arg2[%dma_wait3A_99, %dma_wait3A_100] : memref<10000x64xf32, #tpu.memory_space<hbm>> -> memref<10000x64xf32, #tpu.memory_space<hbm>>
        tpu.wait_indirect_dma semaphore(%arg12 : memref<!tpu.dma_semaphore, #tpu.memory_space<semaphore_mem>>) src(%dma_wait3A_101 : memref<10000x64xf32, #tpu.memory_space<hbm>>) dst(%arg8 : memref<128x64xf32, #tpu.memory_space<vmem>>)
        %dma_start3A_102 = arith.constant 0 : i32
        %dma_start3A_103 = tpu.memref_slice %arg7[%add3A_86, %dma_start3A_102] : memref<80x128xi32, #tpu.memory_space<vmem>> -> memref<1x128xi32, #tpu.memory_space<vmem>>
        %dma_start3A_104 = tpu.memref_squeeze %dma_start3A_103 : memref<1x128xi32, #tpu.memory_space<vmem>> -> memref<128xi32, #tpu.memory_space<vmem>>
        %dma_start3A_105 = arith.constant 0 : i32
        %dma_start3A_106 = arith.constant 0 : i32
        %dma_start3A_107 = tpu.memref_slice %arg20[%dma_start3A_105, %dma_start3A_106] : memref<10240x64xf32, #tpu.memory_space<vmem_shared>> -> memref<10240x64xf32, #tpu.memory_space<vmem_shared>>
        tpu.enqueue_indirect_dma source(%arg8 : memref<128x64xf32, #tpu.memory_space<vmem>>) target(%dma_start3A_107 : memref<10240x64xf32, #tpu.memory_space<vmem_shared>>) offsets(%dma_start3A_104 : memref<128xi32, #tpu.memory_space<vmem>>) semaphore(%arg16 : memref<!tpu.dma_semaphore, #tpu.memory_space<semaphore_mem>>) {add = true}
        %add3A_108 = arith.constant 1 : i32
        %add3A_109 = arith.addi %mul3A_84, %add3A_108 : i32
        %add3A_110 = arith.constant 4 : i32
        %add3A_111 = arith.addi %add3A_109, %add3A_110 : i32
        %sub3A_112 = arith.constant 1 : i32
        %sub3A_113 = arith.subi %add3A_111, %sub3A_112 : i32
        %lt3A_114 = arith.constant 20 : i32
        %lt3A_115 = arith.cmpi slt, %sub3A_113, %lt3A_114 : i32
        %convert_element_type3A_116 = arith.extui %lt3A_115 : i1 to i32
        %cond3A_117 = arith.constant 0 : i32
        %cond3A_118 = arith.cmpi ne, %convert_element_type3A_116, %cond3A_117 : i32
        scf.if %cond3A_118 {
          %ge3A = arith.constant 1 : i32
          %ge3A_180 = arith.cmpi sge, %add3A_109, %ge3A : i32
          %convert_element_type3A_181 = arith.extui %ge3A_180 : i1 to i32
          %cond3A_182 = arith.constant 0 : i32
          %cond3A_183 = arith.cmpi ne, %convert_element_type3A_181, %cond3A_182 : i32
          scf.if %cond3A_183 {
            %dma_wait3A_194 = arith.constant 0 : i32
            %dma_wait3A_195 = arith.constant 0 : i32
            %dma_wait3A_196 = tpu.memref_slice %arg7[%dma_wait3A_194, %dma_wait3A_195] : memref<80x128xi32, #tpu.memory_space<vmem>> -> memref<1x128xi32, #tpu.memory_space<vmem>>
            %dma_wait3A_197 = tpu.memref_squeeze %dma_wait3A_196 : memref<1x128xi32, #tpu.memory_space<vmem>> -> memref<128xi32, #tpu.memory_space<vmem>>
            %dma_wait3A_198 = arith.constant 0 : i32
            %dma_wait3A_199 = arith.constant 0 : i32
            %dma_wait3A_200 = tpu.memref_slice %arg20[%dma_wait3A_198, %dma_wait3A_199] : memref<10240x64xf32, #tpu.memory_space<vmem_shared>> -> memref<10240x64xf32, #tpu.memory_space<vmem_shared>>
            tpu.wait_indirect_dma semaphore(%arg16 : memref<!tpu.dma_semaphore, #tpu.memory_space<semaphore_mem>>) src(%arg8 : memref<128x64xf32, #tpu.memory_space<vmem>>) dst(%dma_wait3A_200 : memref<10240x64xf32, #tpu.memory_space<vmem_shared>>)
          } else {
          }
          %add3A_184 = arith.constant 4 : i32
          %add3A_185 = arith.addi %add3A_109, %add3A_184 : i32
          %sub3A_186 = arith.constant 1 : i32
          %sub3A_187 = arith.subi %add3A_185, %sub3A_186 : i32
          %dma_start3A_188 = arith.constant 0 : i32
          %dma_start3A_189 = tpu.memref_slice %arg6[%sub3A_187, %dma_start3A_188] : memref<80x128xi32, #tpu.memory_space<vmem>> -> memref<1x128xi32, #tpu.memory_space<vmem>>
          %dma_start3A_190 = tpu.memref_squeeze %dma_start3A_189 : memref<1x128xi32, #tpu.memory_space<vmem>> -> memref<128xi32, #tpu.memory_space<vmem>>
          %dma_start3A_191 = arith.constant 0 : i32
          %dma_start3A_192 = arith.constant 0 : i32
          %dma_start3A_193 = tpu.memref_slice %arg2[%dma_start3A_191, %dma_start3A_192] : memref<10000x64xf32, #tpu.memory_space<hbm>> -> memref<10000x64xf32, #tpu.memory_space<hbm>>
          tpu.enqueue_indirect_dma source(%dma_start3A_193 : memref<10000x64xf32, #tpu.memory_space<hbm>>) target(%arg8 : memref<128x64xf32, #tpu.memory_space<vmem>>) offsets(%dma_start3A_190 : memref<128xi32, #tpu.memory_space<vmem>>) semaphore(%arg12 : memref<!tpu.dma_semaphore, #tpu.memory_space<semaphore_mem>>)
        } else {
        }
        %dma_wait3A_119 = arith.constant 0 : i32
        %dma_wait3A_120 = arith.constant 0 : i32
        %dma_wait3A_121 = tpu.memref_slice %arg6[%dma_wait3A_119, %dma_wait3A_120] : memref<80x128xi32, #tpu.memory_space<vmem>> -> memref<1x128xi32, #tpu.memory_space<vmem>>
        %dma_wait3A_122 = tpu.memref_squeeze %dma_wait3A_121 : memref<1x128xi32, #tpu.memory_space<vmem>> -> memref<128xi32, #tpu.memory_space<vmem>>
        %dma_wait3A_123 = arith.constant 0 : i32
        %dma_wait3A_124 = arith.constant 0 : i32
        %dma_wait3A_125 = tpu.memref_slice %arg2[%dma_wait3A_123, %dma_wait3A_124] : memref<10000x64xf32, #tpu.memory_space<hbm>> -> memref<10000x64xf32, #tpu.memory_space<hbm>>
        tpu.wait_indirect_dma semaphore(%arg13 : memref<!tpu.dma_semaphore, #tpu.memory_space<semaphore_mem>>) src(%dma_wait3A_125 : memref<10000x64xf32, #tpu.memory_space<hbm>>) dst(%arg9 : memref<128x64xf32, #tpu.memory_space<vmem>>)
        %dma_start3A_126 = arith.constant 0 : i32
        %dma_start3A_127 = tpu.memref_slice %arg7[%add3A_109, %dma_start3A_126] : memref<80x128xi32, #tpu.memory_space<vmem>> -> memref<1x128xi32, #tpu.memory_space<vmem>>
        %dma_start3A_128 = tpu.memref_squeeze %dma_start3A_127 : memref<1x128xi32, #tpu.memory_space<vmem>> -> memref<128xi32, #tpu.memory_space<vmem>>
        %dma_start3A_129 = arith.constant 0 : i32
        %dma_start3A_130 = arith.constant 0 : i32
        %dma_start3A_131 = tpu.memref_slice %arg20[%dma_start3A_129, %dma_start3A_130] : memref<10240x64xf32, #tpu.memory_space<vmem_shared>> -> memref<10240x64xf32, #tpu.memory_space<vmem_shared>>
        tpu.enqueue_indirect_dma source(%arg9 : memref<128x64xf32, #tpu.memory_space<vmem>>) target(%dma_start3A_131 : memref<10240x64xf32, #tpu.memory_space<vmem_shared>>) offsets(%dma_start3A_128 : memref<128xi32, #tpu.memory_space<vmem>>) semaphore(%arg17 : memref<!tpu.dma_semaphore, #tpu.memory_space<semaphore_mem>>) {add = true}
        %add3A_132 = arith.constant 2 : i32
        %add3A_133 = arith.addi %mul3A_84, %add3A_132 : i32
        %add3A_134 = arith.constant 4 : i32
        %add3A_135 = arith.addi %add3A_133, %add3A_134 : i32
        %sub3A_136 = arith.constant 1 : i32
        %sub3A_137 = arith.subi %add3A_135, %sub3A_136 : i32
        %lt3A_138 = arith.constant 20 : i32
        %lt3A_139 = arith.cmpi slt, %sub3A_137, %lt3A_138 : i32
        %convert_element_type3A_140 = arith.extui %lt3A_139 : i1 to i32
        %cond3A_141 = arith.constant 0 : i32
        %cond3A_142 = arith.cmpi ne, %convert_element_type3A_140, %cond3A_141 : i32
        scf.if %cond3A_142 {
          %ge3A = arith.constant 1 : i32
          %ge3A_180 = arith.cmpi sge, %add3A_133, %ge3A : i32
          %convert_element_type3A_181 = arith.extui %ge3A_180 : i1 to i32
          %cond3A_182 = arith.constant 0 : i32
          %cond3A_183 = arith.cmpi ne, %convert_element_type3A_181, %cond3A_182 : i32
          scf.if %cond3A_183 {
            %dma_wait3A_194 = arith.constant 0 : i32
            %dma_wait3A_195 = arith.constant 0 : i32
            %dma_wait3A_196 = tpu.memref_slice %arg7[%dma_wait3A_194, %dma_wait3A_195] : memref<80x128xi32, #tpu.memory_space<vmem>> -> memref<1x128xi32, #tpu.memory_space<vmem>>
            %dma_wait3A_197 = tpu.memref_squeeze %dma_wait3A_196 : memref<1x128xi32, #tpu.memory_space<vmem>> -> memref<128xi32, #tpu.memory_space<vmem>>
            %dma_wait3A_198 = arith.constant 0 : i32
            %dma_wait3A_199 = arith.constant 0 : i32
            %dma_wait3A_200 = tpu.memref_slice %arg20[%dma_wait3A_198, %dma_wait3A_199] : memref<10240x64xf32, #tpu.memory_space<vmem_shared>> -> memref<10240x64xf32, #tpu.memory_space<vmem_shared>>
            tpu.wait_indirect_dma semaphore(%arg17 : memref<!tpu.dma_semaphore, #tpu.memory_space<semaphore_mem>>) src(%arg9 : memref<128x64xf32, #tpu.memory_space<vmem>>) dst(%dma_wait3A_200 : memref<10240x64xf32, #tpu.memory_space<vmem_shared>>)
          } else {
          }
          %add3A_184 = arith.constant 4 : i32
          %add3A_185 = arith.addi %add3A_133, %add3A_184 : i32
          %sub3A_186 = arith.constant 1 : i32
          %sub3A_187 = arith.subi %add3A_185, %sub3A_186 : i32
          %dma_start3A_188 = arith.constant 0 : i32
          %dma_start3A_189 = tpu.memref_slice %arg6[%sub3A_187, %dma_start3A_188] : memref<80x128xi32, #tpu.memory_space<vmem>> -> memref<1x128xi32, #tpu.memory_space<vmem>>
          %dma_start3A_190 = tpu.memref_squeeze %dma_start3A_189 : memref<1x128xi32, #tpu.memory_space<vmem>> -> memref<128xi32, #tpu.memory_space<vmem>>
          %dma_start3A_191 = arith.constant 0 : i32
          %dma_start3A_192 = arith.constant 0 : i32
          %dma_start3A_193 = tpu.memref_slice %arg2[%dma_start3A_191, %dma_start3A_192] : memref<10000x64xf32, #tpu.memory_space<hbm>> -> memref<10000x64xf32, #tpu.memory_space<hbm>>
          tpu.enqueue_indirect_dma source(%dma_start3A_193 : memref<10000x64xf32, #tpu.memory_space<hbm>>) target(%arg9 : memref<128x64xf32, #tpu.memory_space<vmem>>) offsets(%dma_start3A_190 : memref<128xi32, #tpu.memory_space<vmem>>) semaphore(%arg13 : memref<!tpu.dma_semaphore, #tpu.memory_space<semaphore_mem>>)
        } else {
        }
        %dma_wait3A_143 = arith.constant 0 : i32
        %dma_wait3A_144 = arith.constant 0 : i32
        %dma_wait3A_145 = tpu.memref_slice %arg6[%dma_wait3A_143, %dma_wait3A_144] : memref<80x128xi32, #tpu.memory_space<vmem>> -> memref<1x128xi32, #tpu.memory_space<vmem>>
        %dma_wait3A_146 = tpu.memref_squeeze %dma_wait3A_145 : memref<1x128xi32, #tpu.memory_space<vmem>> -> memref<128xi32, #tpu.memory_space<vmem>>
        %dma_wait3A_147 = arith.constant 0 : i32
        %dma_wait3A_148 = arith.constant 0 : i32
        %dma_wait3A_149 = tpu.memref_slice %arg2[%dma_wait3A_147, %dma_wait3A_148] : memref<10000x64xf32, #tpu.memory_space<hbm>> -> memref<10000x64xf32, #tpu.memory_space<hbm>>
        tpu.wait_indirect_dma semaphore(%arg14 : memref<!tpu.dma_semaphore, #tpu.memory_space<semaphore_mem>>) src(%dma_wait3A_149 : memref<10000x64xf32, #tpu.memory_space<hbm>>) dst(%arg10 : memref<128x64xf32, #tpu.memory_space<vmem>>)
        %dma_start3A_150 = arith.constant 0 : i32
        %dma_start3A_151 = tpu.memref_slice %arg7[%add3A_133, %dma_start3A_150] : memref<80x128xi32, #tpu.memory_space<vmem>> -> memref<1x128xi32, #tpu.memory_space<vmem>>
        %dma_start3A_152 = tpu.memref_squeeze %dma_start3A_151 : memref<1x128xi32, #tpu.memory_space<vmem>> -> memref<128xi32, #tpu.memory_space<vmem>>
        %dma_start3A_153 = arith.constant 0 : i32
        %dma_start3A_154 = arith.constant 0 : i32
        %dma_start3A_155 = tpu.memref_slice %arg20[%dma_start3A_153, %dma_start3A_154] : memref<10240x64xf32, #tpu.memory_space<vmem_shared>> -> memref<10240x64xf32, #tpu.memory_space<vmem_shared>>
        tpu.enqueue_indirect_dma source(%arg10 : memref<128x64xf32, #tpu.memory_space<vmem>>) target(%dma_start3A_155 : memref<10240x64xf32, #tpu.memory_space<vmem_shared>>) offsets(%dma_start3A_152 : memref<128xi32, #tpu.memory_space<vmem>>) semaphore(%arg18 : memref<!tpu.dma_semaphore, #tpu.memory_space<semaphore_mem>>) {add = true}
        %add3A_156 = arith.constant 3 : i32
        %add3A_157 = arith.addi %mul3A_84, %add3A_156 : i32
        %add3A_158 = arith.constant 4 : i32
        %add3A_159 = arith.addi %add3A_157, %add3A_158 : i32
        %sub3A_160 = arith.constant 1 : i32
        %sub3A_161 = arith.subi %add3A_159, %sub3A_160 : i32
        %lt3A_162 = arith.constant 20 : i32
        %lt3A_163 = arith.cmpi slt, %sub3A_161, %lt3A_162 : i32
        %convert_element_type3A_164 = arith.extui %lt3A_163 : i1 to i32
        %cond3A_165 = arith.constant 0 : i32
        %cond3A_166 = arith.cmpi ne, %convert_element_type3A_164, %cond3A_165 : i32
        scf.if %cond3A_166 {
          %ge3A = arith.constant 1 : i32
          %ge3A_180 = arith.cmpi sge, %add3A_157, %ge3A : i32
          %convert_element_type3A_181 = arith.extui %ge3A_180 : i1 to i32
          %cond3A_182 = arith.constant 0 : i32
          %cond3A_183 = arith.cmpi ne, %convert_element_type3A_181, %cond3A_182 : i32
          scf.if %cond3A_183 {
            %dma_wait3A_194 = arith.constant 0 : i32
            %dma_wait3A_195 = arith.constant 0 : i32
            %dma_wait3A_196 = tpu.memref_slice %arg7[%dma_wait3A_194, %dma_wait3A_195] : memref<80x128xi32, #tpu.memory_space<vmem>> -> memref<1x128xi32, #tpu.memory_space<vmem>>
            %dma_wait3A_197 = tpu.memref_squeeze %dma_wait3A_196 : memref<1x128xi32, #tpu.memory_space<vmem>> -> memref<128xi32, #tpu.memory_space<vmem>>
            %dma_wait3A_198 = arith.constant 0 : i32
            %dma_wait3A_199 = arith.constant 0 : i32
            %dma_wait3A_200 = tpu.memref_slice %arg20[%dma_wait3A_198, %dma_wait3A_199] : memref<10240x64xf32, #tpu.memory_space<vmem_shared>> -> memref<10240x64xf32, #tpu.memory_space<vmem_shared>>
            tpu.wait_indirect_dma semaphore(%arg18 : memref<!tpu.dma_semaphore, #tpu.memory_space<semaphore_mem>>) src(%arg10 : memref<128x64xf32, #tpu.memory_space<vmem>>) dst(%dma_wait3A_200 : memref<10240x64xf32, #tpu.memory_space<vmem_shared>>)
          } else {
          }
          %add3A_184 = arith.constant 4 : i32
          %add3A_185 = arith.addi %add3A_157, %add3A_184 : i32
          %sub3A_186 = arith.constant 1 : i32
          %sub3A_187 = arith.subi %add3A_185, %sub3A_186 : i32
          %dma_start3A_188 = arith.constant 0 : i32
          %dma_start3A_189 = tpu.memref_slice %arg6[%sub3A_187, %dma_start3A_188] : memref<80x128xi32, #tpu.memory_space<vmem>> -> memref<1x128xi32, #tpu.memory_space<vmem>>
          %dma_start3A_190 = tpu.memref_squeeze %dma_start3A_189 : memref<1x128xi32, #tpu.memory_space<vmem>> -> memref<128xi32, #tpu.memory_space<vmem>>
          %dma_start3A_191 = arith.constant 0 : i32
          %dma_start3A_192 = arith.constant 0 : i32
          %dma_start3A_193 = tpu.memref_slice %arg2[%dma_start3A_191, %dma_start3A_192] : memref<10000x64xf32, #tpu.memory_space<hbm>> -> memref<10000x64xf32, #tpu.memory_space<hbm>>
          tpu.enqueue_indirect_dma source(%dma_start3A_193 : memref<10000x64xf32, #tpu.memory_space<hbm>>) target(%arg10 : memref<128x64xf32, #tpu.memory_space<vmem>>) offsets(%dma_start3A_190 : memref<128xi32, #tpu.memory_space<vmem>>) semaphore(%arg14 : memref<!tpu.dma_semaphore, #tpu.memory_space<semaphore_mem>>)
        } else {
        }
        %dma_wait3A_167 = arith.constant 0 : i32
        %dma_wait3A_168 = arith.constant 0 : i32
        %dma_wait3A_169 = tpu.memref_slice %arg6[%dma_wait3A_167, %dma_wait3A_168] : memref<80x128xi32, #tpu.memory_space<vmem>> -> memref<1x128xi32, #tpu.memory_space<vmem>>
        %dma_wait3A_170 = tpu.memref_squeeze %dma_wait3A_169 : memref<1x128xi32, #tpu.memory_space<vmem>> -> memref<128xi32, #tpu.memory_space<vmem>>
        %dma_wait3A_171 = arith.constant 0 : i32
        %dma_wait3A_172 = arith.constant 0 : i32
        %dma_wait3A_173 = tpu.memref_slice %arg2[%dma_wait3A_171, %dma_wait3A_172] : memref<10000x64xf32, #tpu.memory_space<hbm>> -> memref<10000x64xf32, #tpu.memory_space<hbm>>
        tpu.wait_indirect_dma semaphore(%arg15 : memref<!tpu.dma_semaphore, #tpu.memory_space<semaphore_mem>>) src(%dma_wait3A_173 : memref<10000x64xf32, #tpu.memory_space<hbm>>) dst(%arg11 : memref<128x64xf32, #tpu.memory_space<vmem>>)
        %dma_start3A_174 = arith.constant 0 : i32
        %dma_start3A_175 = tpu.memref_slice %arg7[%add3A_157, %dma_start3A_174] : memref<80x128xi32, #tpu.memory_space<vmem>> -> memref<1x128xi32, #tpu.memory_space<vmem>>
        %dma_start3A_176 = tpu.memref_squeeze %dma_start3A_175 : memref<1x128xi32, #tpu.memory_space<vmem>> -> memref<128xi32, #tpu.memory_space<vmem>>
        %dma_start3A_177 = arith.constant 0 : i32
        %dma_start3A_178 = arith.constant 0 : i32
        %dma_start3A_179 = tpu.memref_slice %arg20[%dma_start3A_177, %dma_start3A_178] : memref<10240x64xf32, #tpu.memory_space<vmem_shared>> -> memref<10240x64xf32, #tpu.memory_space<vmem_shared>>
        tpu.enqueue_indirect_dma source(%arg11 : memref<128x64xf32, #tpu.memory_space<vmem>>) target(%dma_start3A_179 : memref<10240x64xf32, #tpu.memory_space<vmem_shared>>) offsets(%dma_start3A_176 : memref<128xi32, #tpu.memory_space<vmem>>) semaphore(%arg19 : memref<!tpu.dma_semaphore, #tpu.memory_space<semaphore_mem>>) {add = true}
      }
      %scan3A_50 = arith.constant 5 : i32
      %dma_wait3A = arith.constant 0 : i32
      %dma_wait3A_51 = arith.constant 0 : i32
      %dma_wait3A_52 = tpu.memref_slice %arg7[%dma_wait3A, %dma_wait3A_51] : memref<80x128xi32, #tpu.memory_space<vmem>> -> memref<1x128xi32, #tpu.memory_space<vmem>>
      %dma_wait3A_53 = tpu.memref_squeeze %dma_wait3A_52 : memref<1x128xi32, #tpu.memory_space<vmem>> -> memref<128xi32, #tpu.memory_space<vmem>>
      %dma_wait3A_54 = arith.constant 0 : i32
      %dma_wait3A_55 = arith.constant 0 : i32
      %dma_wait3A_56 = tpu.memref_slice %arg20[%dma_wait3A_54, %dma_wait3A_55] : memref<10240x64xf32, #tpu.memory_space<vmem_shared>> -> memref<10240x64xf32, #tpu.memory_space<vmem_shared>>
      tpu.wait_indirect_dma semaphore(%arg16 : memref<!tpu.dma_semaphore, #tpu.memory_space<semaphore_mem>>) src(%arg8 : memref<128x64xf32, #tpu.memory_space<vmem>>) dst(%dma_wait3A_56 : memref<10240x64xf32, #tpu.memory_space<vmem_shared>>)
      %dma_wait3A_57 = arith.constant 0 : i32
      %dma_wait3A_58 = arith.constant 0 : i32
      %dma_wait3A_59 = tpu.memref_slice %arg7[%dma_wait3A_57, %dma_wait3A_58] : memref<80x128xi32, #tpu.memory_space<vmem>> -> memref<1x128xi32, #tpu.memory_space<vmem>>
      %dma_wait3A_60 = tpu.memref_squeeze %dma_wait3A_59 : memref<1x128xi32, #tpu.memory_space<vmem>> -> memref<128xi32, #tpu.memory_space<vmem>>
      %dma_wait3A_61 = arith.constant 0 : i32
      %dma_wait3A_62 = arith.constant 0 : i32
      %dma_wait3A_63 = tpu.memref_slice %arg20[%dma_wait3A_61, %dma_wait3A_62] : memref<10240x64xf32, #tpu.memory_space<vmem_shared>> -> memref<10240x64xf32, #tpu.memory_space<vmem_shared>>
      tpu.wait_indirect_dma semaphore(%arg17 : memref<!tpu.dma_semaphore, #tpu.memory_space<semaphore_mem>>) src(%arg9 : memref<128x64xf32, #tpu.memory_space<vmem>>) dst(%dma_wait3A_63 : memref<10240x64xf32, #tpu.memory_space<vmem_shared>>)
      %dma_wait3A_64 = arith.constant 0 : i32
      %dma_wait3A_65 = arith.constant 0 : i32
      %dma_wait3A_66 = tpu.memref_slice %arg7[%dma_wait3A_64, %dma_wait3A_65] : memref<80x128xi32, #tpu.memory_space<vmem>> -> memref<1x128xi32, #tpu.memory_space<vmem>>
      %dma_wait3A_67 = tpu.memref_squeeze %dma_wait3A_66 : memref<1x128xi32, #tpu.memory_space<vmem>> -> memref<128xi32, #tpu.memory_space<vmem>>
      %dma_wait3A_68 = arith.constant 0 : i32
      %dma_wait3A_69 = arith.constant 0 : i32
      %dma_wait3A_70 = tpu.memref_slice %arg20[%dma_wait3A_68, %dma_wait3A_69] : memref<10240x64xf32, #tpu.memory_space<vmem_shared>> -> memref<10240x64xf32, #tpu.memory_space<vmem_shared>>
      tpu.wait_indirect_dma semaphore(%arg18 : memref<!tpu.dma_semaphore, #tpu.memory_space<semaphore_mem>>) src(%arg10 : memref<128x64xf32, #tpu.memory_space<vmem>>) dst(%dma_wait3A_70 : memref<10240x64xf32, #tpu.memory_space<vmem_shared>>)
      %dma_wait3A_71 = arith.constant 0 : i32
      %dma_wait3A_72 = arith.constant 0 : i32
      %dma_wait3A_73 = tpu.memref_slice %arg7[%dma_wait3A_71, %dma_wait3A_72] : memref<80x128xi32, #tpu.memory_space<vmem>> -> memref<1x128xi32, #tpu.memory_space<vmem>>
      %dma_wait3A_74 = tpu.memref_squeeze %dma_wait3A_73 : memref<1x128xi32, #tpu.memory_space<vmem>> -> memref<128xi32, #tpu.memory_space<vmem>>
      %dma_wait3A_75 = arith.constant 0 : i32
      %dma_wait3A_76 = arith.constant 0 : i32
      %dma_wait3A_77 = tpu.memref_slice %arg20[%dma_wait3A_75, %dma_wait3A_76] : memref<10240x64xf32, #tpu.memory_space<vmem_shared>> -> memref<10240x64xf32, #tpu.memory_space<vmem_shared>>
      tpu.wait_indirect_dma semaphore(%arg19 : memref<!tpu.dma_semaphore, #tpu.memory_space<semaphore_mem>>) src(%arg11 : memref<128x64xf32, #tpu.memory_space<vmem>>) dst(%dma_wait3A_77 : memref<10240x64xf32, #tpu.memory_space<vmem_shared>>)
    } else {
    }
    %barrier3A_24 = arith.constant 0 : index
    tpu.barrier barrier_id(%barrier3A_24)
    %mul3A_25 = arith.constant 640 : i32
    %mul3A_26 = arith.muli %arg1, %mul3A_25 : i32
    "tpu.region"() ({
      %run_scoped3A = tpu.sem_alloc : memref<!tpu.dma_semaphore, #tpu.memory_space<semaphore_mem>>
      %dma_start3A = arith.constant 0 : i32
      %dma_start3A_27 = arith.constant 0 : i32
      %dma_start3A_28 = tpu.memref_slice %arg5[%arg0, %dma_start3A, %dma_start3A_27] : memref<2x10240x64xf32, #tpu.memory_space<hbm>> -> memref<1x10240x64xf32, #tpu.memory_space<hbm>>
      %dma_start3A_29 = tpu.memref_squeeze %dma_start3A_28 : memref<1x10240x64xf32, #tpu.memory_space<hbm>> -> memref<10240x64xf32, #tpu.memory_space<hbm>>
      %dma_start3A_30 = arith.constant 0 : i32
      %dma_start3A_31 = tpu.memref_slice %dma_start3A_29[%mul3A_26, %dma_start3A_30] : memref<10240x64xf32, #tpu.memory_space<hbm>> -> memref<640x64xf32, #tpu.memory_space<hbm>>
      %dma_start3A_32 = arith.constant 0 : i32
      %dma_start3A_33 = tpu.memref_slice %arg20[%mul3A_26, %dma_start3A_32] : memref<10240x64xf32, #tpu.memory_space<vmem_shared>> -> memref<640x64xf32, #tpu.memory_space<vmem_shared>>
      tpu.enqueue_dma source(%dma_start3A_33 : memref<640x64xf32, #tpu.memory_space<vmem_shared>>) target(%dma_start3A_31 : memref<640x64xf32, #tpu.memory_space<hbm>>) target_semaphore(%run_scoped3A : memref<!tpu.dma_semaphore, #tpu.memory_space<semaphore_mem>>)
      %dma_wait3A = arith.constant 0 : i32
      %dma_wait3A_34 = arith.constant 0 : i32
      %dma_wait3A_35 = tpu.memref_slice %arg5[%arg0, %dma_wait3A, %dma_wait3A_34] : memref<2x10240x64xf32, #tpu.memory_space<hbm>> -> memref<1x10240x64xf32, #tpu.memory_space<hbm>>
      %dma_wait3A_36 = tpu.memref_squeeze %dma_wait3A_35 : memref<1x10240x64xf32, #tpu.memory_space<hbm>> -> memref<10240x64xf32, #tpu.memory_space<hbm>>
      %dma_wait3A_37 = arith.constant 0 : i32
      %dma_wait3A_38 = tpu.memref_slice %dma_wait3A_36[%mul3A_26, %dma_wait3A_37] : memref<10240x64xf32, #tpu.memory_space<hbm>> -> memref<640x64xf32, #tpu.memory_space<hbm>>
      %dma_wait3A_39 = arith.constant 0 : i32
      %dma_wait3A_40 = tpu.memref_slice %arg20[%mul3A_26, %dma_wait3A_39] : memref<10240x64xf32, #tpu.memory_space<vmem_shared>> -> memref<640x64xf32, #tpu.memory_space<vmem_shared>>
      tpu.wait_dma2 semaphore(%run_scoped3A : memref<!tpu.dma_semaphore, #tpu.memory_space<semaphore_mem>>) src(%dma_wait3A_40 : memref<640x64xf32, #tpu.memory_space<vmem_shared>>) dst(%dma_wait3A_38 : memref<640x64xf32, #tpu.memory_space<hbm>>)
      tpu.yield
    }) : () -> ()
    return
  }
}

module attributes {stable_mosaic.version = 14 : i64} {
  func.func @_mm1_body(%arg0: i32, %arg1: memref<2x10000x16xf32, #tpu.memory_space<vmem>>, %arg2: memref<10000x128xf32, #tpu.memory_space<vmem>>, %arg3: memref<128x64xf32, #tpu.memory_space<vmem>>, %arg4: memref<10000x64xf32, #tpu.memory_space<vmem>>, %arg5: memref<10000x1xf32, #tpu.memory_space<vmem>>) attributes {dimension_semantics = [#tpu.dimension_semantics<arbitrary>], iteration_bounds = array<i64: 1>, scalar_prefetch = 0 : i64, scratch_operands = 0 : i64, tpu.core_type = #tpu.core_type<tc>, window_params = [{transform_indices = @transform_0, window_bounds = array<i64: 2, 10000, 16>}, {transform_indices = @transform_1, window_bounds = array<i64: 10000, 128>}, {pipeline_mode = #tpu.pipeline_mode<synchronous>, transform_indices = @transform_2, window_bounds = array<i64: 128, 64>}, {transform_indices = @transform_3, window_bounds = array<i64: 10000, 64>}, {transform_indices = @transform_4, window_bounds = array<i64: 10000, 1>}]} {
    %get3A = arith.constant 0 : index
    %get3A_0 = arith.constant 0 : index
    %get3A_1 = arith.constant 0 : index
    %get3A_2 = vector.load %arg1[%get3A, %get3A_0, %get3A_1] : memref<2x10000x16xf32, #tpu.memory_space<vmem>>, vector<1x10000x1xf32>
    %get3A_3 = vector.shape_cast %get3A_2 : vector<1x10000x1xf32> to vector<10000x1xf32>
    %get3A_4 = arith.constant 1 : index
    %get3A_5 = arith.constant 0 : index
    %get3A_6 = arith.constant 0 : index
    %get3A_7 = vector.load %arg1[%get3A_4, %get3A_5, %get3A_6] : memref<2x10000x16xf32, #tpu.memory_space<vmem>>, vector<1x10000x1xf32>
    %get3A_8 = vector.shape_cast %get3A_7 : vector<1x10000x1xf32> to vector<10000x1xf32>
    %add3A = arith.addf %get3A_3, %get3A_8 : vector<10000x1xf32>
    %add3A_9 = arith.constant 1.000000e+00 : f32
    %add3A_10 = vector.broadcast %add3A_9 : f32 to vector<10000x1xf32>
    %add3A_11 = arith.addf %add3A, %add3A_10 : vector<10000x1xf32>
    %max3A = arith.constant 1.000000e+00 : f32
    %max3A_12 = vector.broadcast %max3A : f32 to vector<10000x1xf32>
    %max3A_13 = arith.maximumf %add3A_11, %max3A_12 : vector<10000x1xf32>
    %rsqrt3A = math.rsqrt %max3A_13 : vector<10000x1xf32>
    %swap3A = arith.constant 0 : index
    %swap3A_14 = arith.constant 0 : index
    %swap3A_15 = vector.load %arg5[%swap3A, %swap3A_14] : memref<10000x1xf32, #tpu.memory_space<vmem>>, vector<10000x1xf32>
    tpu.vector_store %arg5[%swap3A, %swap3A_14], %rsqrt3A {strides = array<i32>} : memref<10000x1xf32, #tpu.memory_space<vmem>>, vector<10000x1xf32>,
    %get3A_16 = arith.constant 0 : index
    %get3A_17 = arith.constant 0 : index
    %get3A_18 = vector.load %arg2[%get3A_16, %get3A_17] : memref<10000x128xf32, #tpu.memory_space<vmem>>, vector<10000x128xf32>
    %mul3A = vector.broadcast %rsqrt3A : vector<10000x1xf32> to vector<10000x128xf32>
    %mul3A_19 = arith.mulf %get3A_18, %mul3A : vector<10000x128xf32>
    %get3A_20 = arith.constant 0 : index
    %get3A_21 = arith.constant 0 : index
    %get3A_22 = vector.load %arg3[%get3A_20, %get3A_21] : memref<128x64xf32, #tpu.memory_space<vmem>>, vector<128x64xf32>
    %dot_general3A = arith.constant dense<0.000000e+00> : vector<10000x64xf32>
    %dot_general3A_23 = tpu.matmul %mul3A_19, %get3A_22, %dot_general3A {dimension_numbers = #tpu.dot_dimension_numbers<[1], [0], [0], [1], [0, 0, 1, 1], [], []>, transpose_lhs_hint = false} : vector<10000x128xf32>, vector<128x64xf32>, vector<10000x64xf32> -> vector<10000x64xf32>
    %swap3A_24 = arith.constant 0 : index
    %swap3A_25 = arith.constant 0 : index
    %swap3A_26 = vector.load %arg4[%swap3A_24, %swap3A_25] : memref<10000x64xf32, #tpu.memory_space<vmem>>, vector<10000x64xf32>
    tpu.vector_store %arg4[%swap3A_24, %swap3A_25], %dot_general3A_23 {strides = array<i32>} : memref<10000x64xf32, #tpu.memory_space<vmem>>, vector<10000x64xf32>,
    return
  }
  func.func @transform_0(%arg0: i32) -> (i32, i32, i32) {
    %c0_i32 = arith.constant 0 : i32
    %c0_i32_0 = arith.constant 0 : i32
    %c0_i32_1 = arith.constant 0 : i32
    return %c0_i32, %arg0, %c0_i32_0 : i32, i32, i32
  }
  func.func @transform_1(%arg0: i32) -> (i32, i32) {
    %c0_i32 = arith.constant 0 : i32
    %c0_i32_0 = arith.constant 0 : i32
    return %arg0, %c0_i32 : i32, i32
  }
  func.func @transform_2(%arg0: i32) -> (i32, i32) {
    %c0_i32 = arith.constant 0 : i32
    %c0_i32_0 = arith.constant 0 : i32
    %c0_i32_1 = arith.constant 0 : i32
    return %c0_i32, %c0_i32_0 : i32, i32
  }
  func.func @transform_3(%arg0: i32) -> (i32, i32) {
    %c0_i32 = arith.constant 0 : i32
    %c0_i32_0 = arith.constant 0 : i32
    return %arg0, %c0_i32 : i32, i32
  }
  func.func @transform_4(%arg0: i32) -> (i32, i32) {
    %c0_i32 = arith.constant 0 : i32
    %c0_i32_0 = arith.constant 0 : i32
    return %arg0, %c0_i32 : i32, i32
  }
}

module attributes {stable_mosaic.version = 14 : i64} {
  func.func @_mm2_body(%arg0: i32, %arg1: memref<2x10000x64xf32, #tpu.memory_space<vmem>>, %arg2: memref<10000x64xf32, #tpu.memory_space<vmem>>, %arg3: memref<10000x1xf32, #tpu.memory_space<vmem>>, %arg4: memref<1x64xf32, #tpu.memory_space<vmem>>, %arg5: memref<64x64xf32, #tpu.memory_space<vmem>>, %arg6: memref<10000x64xf32, #tpu.memory_space<vmem>>) attributes {dimension_semantics = [#tpu.dimension_semantics<arbitrary>], iteration_bounds = array<i64: 1>, scalar_prefetch = 0 : i64, scratch_operands = 0 : i64, tpu.core_type = #tpu.core_type<tc>, window_params = [{transform_indices = @transform_0, window_bounds = array<i64: 2, 10000, 64>}, {transform_indices = @transform_1, window_bounds = array<i64: 10000, 64>}, {transform_indices = @transform_2, window_bounds = array<i64: 10000, 1>}, {pipeline_mode = #tpu.pipeline_mode<synchronous>, transform_indices = @transform_3, window_bounds = array<i64: 1, 64>}, {pipeline_mode = #tpu.pipeline_mode<synchronous>, transform_indices = @transform_4, window_bounds = array<i64: 64, 64>}, {transform_indices = @transform_5, window_bounds = array<i64: 10000, 64>}]} {
    %get3A = arith.constant 0 : index
    %get3A_0 = arith.constant 0 : index
    %get3A_1 = vector.load %arg3[%get3A, %get3A_0] : memref<10000x1xf32, #tpu.memory_space<vmem>>, vector<10000x1xf32>
    %get3A_2 = arith.constant 0 : index
    %get3A_3 = arith.constant 0 : index
    %get3A_4 = arith.constant 0 : index
    %get3A_5 = vector.load %arg1[%get3A_2, %get3A_3, %get3A_4] : memref<2x10000x64xf32, #tpu.memory_space<vmem>>, vector<1x10000x64xf32>
    %get3A_6 = vector.shape_cast %get3A_5 : vector<1x10000x64xf32> to vector<10000x64xf32>
    %get3A_7 = arith.constant 1 : index
    %get3A_8 = arith.constant 0 : index
    %get3A_9 = arith.constant 0 : index
    %get3A_10 = vector.load %arg1[%get3A_7, %get3A_8, %get3A_9] : memref<2x10000x64xf32, #tpu.memory_space<vmem>>, vector<1x10000x64xf32>
    %get3A_11 = vector.shape_cast %get3A_10 : vector<1x10000x64xf32> to vector<10000x64xf32>
    %add3A = arith.addf %get3A_6, %get3A_11 : vector<10000x64xf32>
    %get3A_12 = arith.constant 0 : index
    %get3A_13 = arith.constant 0 : index
    %get3A_14 = vector.load %arg2[%get3A_12, %get3A_13] : memref<10000x64xf32, #tpu.memory_space<vmem>>, vector<10000x64xf32>
    %sub3A = arith.subf %add3A, %get3A_14 : vector<10000x64xf32>
    %mul3A = vector.broadcast %get3A_1 : vector<10000x1xf32> to vector<10000x64xf32>
    %mul3A_15 = arith.mulf %sub3A, %mul3A : vector<10000x64xf32>
    %get3A_16 = arith.constant 0 : index
    %get3A_17 = arith.constant 0 : index
    %get3A_18 = vector.load %arg4[%get3A_16, %get3A_17] : memref<1x64xf32, #tpu.memory_space<vmem>>, vector<1x64xf32>
    %add3A_19 = vector.broadcast %get3A_18 : vector<1x64xf32> to vector<10000x64xf32>
    %add3A_20 = arith.addf %mul3A_15, %add3A_19 : vector<10000x64xf32>
    %max3A = arith.constant 0.000000e+00 : f32
    %max3A_21 = vector.broadcast %max3A : f32 to vector<10000x64xf32>
    %max3A_22 = arith.maximumf %add3A_20, %max3A_21 : vector<10000x64xf32>
    %mul3A_23 = vector.broadcast %get3A_1 : vector<10000x1xf32> to vector<10000x64xf32>
    %mul3A_24 = arith.mulf %max3A_22, %mul3A_23 : vector<10000x64xf32>
    %get3A_25 = arith.constant 0 : index
    %get3A_26 = arith.constant 0 : index
    %get3A_27 = vector.load %arg5[%get3A_25, %get3A_26] : memref<64x64xf32, #tpu.memory_space<vmem>>, vector<64x64xf32>
    %dot_general3A = arith.constant dense<0.000000e+00> : vector<10000x64xf32>
    %dot_general3A_28 = tpu.matmul %mul3A_24, %get3A_27, %dot_general3A {dimension_numbers = #tpu.dot_dimension_numbers<[1], [0], [0], [1], [0, 0, 1, 1], [], []>, transpose_lhs_hint = false} : vector<10000x64xf32>, vector<64x64xf32>, vector<10000x64xf32> -> vector<10000x64xf32>
    %swap3A = arith.constant 0 : index
    %swap3A_29 = arith.constant 0 : index
    %swap3A_30 = vector.load %arg6[%swap3A, %swap3A_29] : memref<10000x64xf32, #tpu.memory_space<vmem>>, vector<10000x64xf32>
    tpu.vector_store %arg6[%swap3A, %swap3A_29], %dot_general3A_28 {strides = array<i32>} : memref<10000x64xf32, #tpu.memory_space<vmem>>, vector<10000x64xf32>,
    return
  }
  func.func @transform_0(%arg0: i32) -> (i32, i32, i32) {
    %c0_i32 = arith.constant 0 : i32
    %c0_i32_0 = arith.constant 0 : i32
    %c0_i32_1 = arith.constant 0 : i32
    return %c0_i32, %arg0, %c0_i32_0 : i32, i32, i32
  }
  func.func @transform_1(%arg0: i32) -> (i32, i32) {
    %c0_i32 = arith.constant 0 : i32
    %c0_i32_0 = arith.constant 0 : i32
    return %arg0, %c0_i32 : i32, i32
  }
  func.func @transform_2(%arg0: i32) -> (i32, i32) {
    %c0_i32 = arith.constant 0 : i32
    %c0_i32_0 = arith.constant 0 : i32
    return %arg0, %c0_i32 : i32, i32
  }
  func.func @transform_3(%arg0: i32) -> (i32, i32) {
    %c0_i32 = arith.constant 0 : i32
    %c0_i32_0 = arith.constant 0 : i32
    %c0_i32_1 = arith.constant 0 : i32
    return %c0_i32, %c0_i32_0 : i32, i32
  }
  func.func @transform_4(%arg0: i32) -> (i32, i32) {
    %c0_i32 = arith.constant 0 : i32
    %c0_i32_0 = arith.constant 0 : i32
    %c0_i32_1 = arith.constant 0 : i32
    return %c0_i32, %c0_i32_0 : i32, i32
  }
  func.func @transform_5(%arg0: i32) -> (i32, i32) {
    %c0_i32 = arith.constant 0 : i32
    %c0_i32_0 = arith.constant 0 : i32
    return %arg0, %c0_i32 : i32, i32
  }
}

module attributes {stable_mosaic.version = 14 : i64} {
  func.func @_head_body(%arg0: i32, %arg1: memref<2x10000x64xf32, #tpu.memory_space<vmem>>, %arg2: memref<10000x64xf32, #tpu.memory_space<vmem>>, %arg3: memref<10000x1xf32, #tpu.memory_space<vmem>>, %arg4: memref<1x64xf32, #tpu.memory_space<vmem>>, %arg5: memref<64x1xf32, #tpu.memory_space<vmem>>, %arg6: memref<1x1xf32, #tpu.memory_space<vmem>>, %arg7: memref<10000x1xf32, #tpu.memory_space<vmem>>) attributes {dimension_semantics = [#tpu.dimension_semantics<arbitrary>], iteration_bounds = array<i64: 1>, scalar_prefetch = 0 : i64, scratch_operands = 0 : i64, tpu.core_type = #tpu.core_type<tc>, window_params = [{transform_indices = @transform_0, window_bounds = array<i64: 2, 10000, 64>}, {transform_indices = @transform_1, window_bounds = array<i64: 10000, 64>}, {transform_indices = @transform_2, window_bounds = array<i64: 10000, 1>}, {pipeline_mode = #tpu.pipeline_mode<synchronous>, transform_indices = @transform_3, window_bounds = array<i64: 1, 64>}, {pipeline_mode = #tpu.pipeline_mode<synchronous>, transform_indices = @transform_4, window_bounds = array<i64: 64, 1>}, {pipeline_mode = #tpu.pipeline_mode<synchronous>, transform_indices = @transform_5, window_bounds = array<i64: 1, 1>}, {transform_indices = @transform_6, window_bounds = array<i64: 10000, 1>}]} {
    %get3A = arith.constant 0 : index
    %get3A_0 = arith.constant 0 : index
    %get3A_1 = vector.load %arg3[%get3A, %get3A_0] : memref<10000x1xf32, #tpu.memory_space<vmem>>, vector<10000x1xf32>
    %get3A_2 = arith.constant 0 : index
    %get3A_3 = arith.constant 0 : index
    %get3A_4 = arith.constant 0 : index
    %get3A_5 = vector.load %arg1[%get3A_2, %get3A_3, %get3A_4] : memref<2x10000x64xf32, #tpu.memory_space<vmem>>, vector<1x10000x64xf32>
    %get3A_6 = vector.shape_cast %get3A_5 : vector<1x10000x64xf32> to vector<10000x64xf32>
    %get3A_7 = arith.constant 1 : index
    %get3A_8 = arith.constant 0 : index
    %get3A_9 = arith.constant 0 : index
    %get3A_10 = vector.load %arg1[%get3A_7, %get3A_8, %get3A_9] : memref<2x10000x64xf32, #tpu.memory_space<vmem>>, vector<1x10000x64xf32>
    %get3A_11 = vector.shape_cast %get3A_10 : vector<1x10000x64xf32> to vector<10000x64xf32>
    %add3A = arith.addf %get3A_6, %get3A_11 : vector<10000x64xf32>
    %get3A_12 = arith.constant 0 : index
    %get3A_13 = arith.constant 0 : index
    %get3A_14 = vector.load %arg2[%get3A_12, %get3A_13] : memref<10000x64xf32, #tpu.memory_space<vmem>>, vector<10000x64xf32>
    %sub3A = arith.subf %add3A, %get3A_14 : vector<10000x64xf32>
    %mul3A = vector.broadcast %get3A_1 : vector<10000x1xf32> to vector<10000x64xf32>
    %mul3A_15 = arith.mulf %sub3A, %mul3A : vector<10000x64xf32>
    %get3A_16 = arith.constant 0 : index
    %get3A_17 = arith.constant 0 : index
    %get3A_18 = vector.load %arg4[%get3A_16, %get3A_17] : memref<1x64xf32, #tpu.memory_space<vmem>>, vector<1x64xf32>
    %add3A_19 = vector.broadcast %get3A_18 : vector<1x64xf32> to vector<10000x64xf32>
    %add3A_20 = arith.addf %mul3A_15, %add3A_19 : vector<10000x64xf32>
    %max3A = arith.constant 0.000000e+00 : f32
    %max3A_21 = vector.broadcast %max3A : f32 to vector<10000x64xf32>
    %max3A_22 = arith.maximumf %add3A_20, %max3A_21 : vector<10000x64xf32>
    %get3A_23 = arith.constant 0 : index
    %get3A_24 = arith.constant 0 : index
    %get3A_25 = vector.load %arg5[%get3A_23, %get3A_24] : memref<64x1xf32, #tpu.memory_space<vmem>>, vector<64x1xf32>
    %dot_general3A = arith.constant dense<0.000000e+00> : vector<10000x1xf32>
    %dot_general3A_26 = tpu.matmul %max3A_22, %get3A_25, %dot_general3A {dimension_numbers = #tpu.dot_dimension_numbers<[1], [0], [0], [1], [0, 0, 1, 1], [], []>, transpose_lhs_hint = false} : vector<10000x64xf32>, vector<64x1xf32>, vector<10000x1xf32> -> vector<10000x1xf32>
    %get3A_27 = arith.constant 0 : index
    %get3A_28 = arith.constant 0 : index
    %get3A_29 = vector.load %arg6[%get3A_27, %get3A_28] : memref<1x1xf32, #tpu.memory_space<vmem>>, vector<1x1xf32>
    %add3A_30 = vector.broadcast %get3A_29 : vector<1x1xf32> to vector<10000x1xf32>
    %add3A_31 = arith.addf %dot_general3A_26, %add3A_30 : vector<10000x1xf32>
    %swap3A = arith.constant 0 : index
    %swap3A_32 = arith.constant 0 : index
    %swap3A_33 = vector.load %arg7[%swap3A, %swap3A_32] : memref<10000x1xf32, #tpu.memory_space<vmem>>, vector<10000x1xf32>
    tpu.vector_store %arg7[%swap3A, %swap3A_32], %add3A_31 {strides = array<i32>} : memref<10000x1xf32, #tpu.memory_space<vmem>>, vector<10000x1xf32>,
    return
  }
  func.func @transform_0(%arg0: i32) -> (i32, i32, i32) {
    %c0_i32 = arith.constant 0 : i32
    %c0_i32_0 = arith.constant 0 : i32
    %c0_i32_1 = arith.constant 0 : i32
    return %c0_i32, %arg0, %c0_i32_0 : i32, i32, i32
  }
  func.func @transform_1(%arg0: i32) -> (i32, i32) {
    %c0_i32 = arith.constant 0 : i32
    %c0_i32_0 = arith.constant 0 : i32
    return %arg0, %c0_i32 : i32, i32
  }
  func.func @transform_2(%arg0: i32) -> (i32, i32) {
    %c0_i32 = arith.constant 0 : i32
    %c0_i32_0 = arith.constant 0 : i32
    return %arg0, %c0_i32 : i32, i32
  }
  func.func @transform_3(%arg0: i32) -> (i32, i32) {
    %c0_i32 = arith.constant 0 : i32
    %c0_i32_0 = arith.constant 0 : i32
    %c0_i32_1 = arith.constant 0 : i32
    return %c0_i32, %c0_i32_0 : i32, i32
  }
  func.func @transform_4(%arg0: i32) -> (i32, i32) {
    %c0_i32 = arith.constant 0 : i32
    %c0_i32_0 = arith.constant 0 : i32
    %c0_i32_1 = arith.constant 0 : i32
    return %c0_i32, %c0_i32_0 : i32, i32
  }
  func.func @transform_5(%arg0: i32) -> (i32, i32) {
    %c0_i32 = arith.constant 0 : i32
    %c0_i32_0 = arith.constant 0 : i32
    %c0_i32_1 = arith.constant 0 : i32
    return %c0_i32, %c0_i32_0 : i32, i32
  }
  func.func @transform_6(%arg0: i32) -> (i32, i32) {
    %c0_i32 = arith.constant 0 : i32
    %c0_i32_0 = arith.constant 0 : i32
    return %arg0, %c0_i32 : i32, i32
  }
}

</mosaic_0001>

<sc_bundles>
// kernel: kernel.11.cloned.1.call-start
scs
__scs_entry_jumppad:
0x0: {  	(pc) =	sbr.rel $0x88, $3  }
0x1: {  	(tag) =	ssettag $0x0;
	lr =	simm.s32 $0x1  }
0x2: {  	[smem:$0x3F99] =	sst lr;
	_ =	strace $0xD0000000  }
0x3: {  	_ = 	snop  }
0x4: {  	_ = 	snop  }
0x5: {  	_ = 	snop  }
0x6: {  	_ = 	snop  }
0x7: {  	_ = 	snop  }
__scs_overlays_trampoline_lowered:
0x8: {  	[smem:$0x3FA8] =	sst s0  }
0x9: {  	[smem:$0x3FA9] =	sst s1  }
0xa: {  	[smem:$0x3FAA] =	sst s2  }
0xb: {  	[smem:$0x3FAB] =	sst s3  }
0xc: {  	[smem:$0x3FAC] =	sst s4  }
0xd: {  	[smem:$0x3FAD] =	sst s5  }
0xe: {  	[smem:$0x3FAE] =	sst s6  }
0xf: {  	[smem:$0x3FAF] =	sst s7  }
0x10: {  	[smem:$0x3FB0] =	sst s8  }
0x11: {  	[smem:$0x3FB1] =	sst s9;
	s0 =	simm.s32 @!p0 $0x0  }
0x12: {  	s1 =	sld [smem:$0x3F97];
	s0 =	simm.s32 @p0 $0x1  }
0x13: {  	[smem:$0x3FB2] =	sst s0;
	s0 =	simm.s32 @!p1 $0x0  }
0x14: {  	s2 =	sld [smem:$0x3F96];
	s0 =	simm.s32 @p1 $0x1  }
0x15: {  	[smem:$0x3FB3] =	sst s0;
	s0 =	simm.s32 @!p2 $0x0  }
0x16: {  	s3 =	sld [smem:$0x3FDB];
	s0 =	simm.s32 @p2 $0x1  }
0x17: {  	s4 =	simm.s32 $0x1BF5;
	[smem:$0x3FB5] =	sst s0  }
0x18: {  	s0 =	sld [smem:$0x3F98];
	_ =	swait.ge [sflag:s4], $0x0  }
0x19: {  	s7 =	sld [smem:$0x3F99]  }
0x1a: {  	s8 =	sadd.s32 $0xFFFFE003, lr  }
0x1b: {  	s9 =	sadd.s32 $0xFFFFFEF7, lr;
	s5 =	simm.s32 $0xFFFFFFFF;
	p2 =	slt.u32 s8, $0xFFFFF086  }
0x1c: {  	p1 =	slt.u32 s9, $0xF7A;
	s5 =	simm.s32 @!p2 $0x0  }
0x1d: {  	s5 =	simm.s32 @p1 $0x1;
	p0 =	seq.s32 s7, s2  }
0x1e: {  	s7 =	smul.u32 @!p0 $0xF7A, s2;
	p2 =	seq.s32 @!p0 s5, $0x0  }
0x1f: {  	s9 =	smul.u32 $0xF7A, s1;
	s8 =	simm.s32 @!p0 $0x1BF5;
	p2 =	por !p2, p0  }
0x20: {  	[sflag:s8] =	ssyncset.s32 @!p0 $0xFFFFF086;
	s6 =	sadd.s32 @!p0 s3, s7;
	s7 =	simm.s32 @!p0 $0x108  }
0x21: {  	s3 =	sadd.s32 s3, s9;
	s6 =	sadd.s32 @!p0 $0x88, s6;
	s7 =	simm.s32 @p2 $0x1082  }
0x22: {  	[simem:s7], [sflag:s8] =	dma.local @!p0 [hbm:s6], $0xF7A  }
0x23: {  	s9 =	sor.u32 $0xD0000000, s2;
	s6 =	simm.s32 $0x108;
	_ =	swait.ge @!p0 [sflag:s8], $0x0  }
0x24: {  	s3 =	sadd.s32 $0x88, s3;
	s6 =	simm.s32 @!p1 $0x1082;
	[sflag:s4] =	ssyncset.s32 $0xFFFFF086  }
0x25: {  	[simem:s6], [sflag:s4] =	dma.local [hbm:s3], $0xF7A  }
0x26: {  	[smem:$0x3F99] =	sst s1;
	(tag) =	ssettag s2;
	_ =	strace s9  }
0x27: {  	s1 =	sld [smem:$0x3FA9]  }
0x28: {  	s2 =	sld [smem:$0x3FAA]  }
0x29: {  	s4 =	sld [smem:$0x3FAC]  }
0x2a: {  	p0 =	seq.s32 s5, $0x0;
	s5 =	sld [smem:$0x3FAD]  }
0x2b: {  	s6 =	sld [smem:$0x3FAE]  }
0x2c: {  	s7 =	sld [smem:$0x3FAF]  }
0x2d: {  	s3 =	simm.s32 $0x108;
	s8 =	sld [smem:$0x3FB0]  }
0x2e: {  	s3 =	simm.s32 @!p0 $0x1082;
	s9 =	sld [smem:$0x3FB1]  }
0x2f: {  	lr =	sadd.s32 s0, s3;
	s0 =	sld [smem:$0x3FA8]  }
0x30: {  	s3 =	sld [smem:$0x3FAB]  }
0x31: {  	[smem:$0x3FB4] =	sst s10  }
0x32: {  	s10 =	sld [smem:$0x3FB2];
	_ =	sdelay $0x3  }
0x33: {  	p0 =	seq.s32 s10, $0x1;
	s10 =	sld [smem:$0x3FB4];
	_ =	sdelay $0x3  }
0x34: {  	[smem:$0x3FB4] =	sst s10  }
0x35: {  	s10 =	sld [smem:$0x3FB3];
	_ =	sdelay $0x3  }
0x36: {  	p1 =	seq.s32 s10, $0x1;
	s10 =	sld [smem:$0x3FB4];
	_ =	sdelay $0x3  }
0x37: {  	[smem:$0x3FB4] =	sst s10  }
0x38: {  	s10 =	sld [smem:$0x3FB5]  }
0x39: {  	_ = 	snop;
	(pc) =	sbr.ind lr, $3  }
0x3a: {  	_ = 	snop  }
0x3b: {  	_ = 	snop  }
0x3c: {  	p2 =	seq.s32 s10, $0x1;
	s10 =	sld [smem:$0x3FB4]  }
0x3d: {  	_ =	shalt  }
0x3e: {  	_ =	shalt  }
0x3f: {  	_ =	shalt  }
0x40: {  	_ =	shalt  }
0x41: {  	_ =	shalt  }
0x42: {  	_ =	shalt  }
0x43: {  	_ =	shalt  }
0x44: {  	_ =	shalt  }
0x45: {  	_ =	shalt  }
0x46: {  	_ =	shalt  }
0x47: {  	_ =	shalt  }
0x48: {  	_ =	shalt  }
0x49: {  	_ =	shalt  }
0x4a: {  	_ =	shalt  }
0x4b: {  	_ =	shalt  }
0x4c: {  	_ =	shalt  }
0x4d: {  	_ =	shalt  }
0x4e: {  	_ =	shalt  }
0x4f: {  	_ =	shalt  }
0x50: {  	_ =	shalt  }
0x51: {  	_ =	shalt  }
0x52: {  	_ =	shalt  }
0x53: {  	_ =	shalt  }
0x54: {  	_ =	shalt  }
0x55: {  	_ =	shalt  }
0x56: {  	_ =	shalt  }
0x57: {  	_ =	shalt  }
0x58: {  	_ =	shalt  }
0x59: {  	_ =	shalt  }
0x5a: {  	_ =	shalt  }
0x5b: {  	_ =	shalt  }
0x5c: {  	_ =	shalt  }
0x5d: {  	_ =	shalt  }
0x5e: {  	_ =	shalt  }
0x5f: {  	_ =	shalt  }
0x60: {  	_ =	shalt  }
0x61: {  	_ =	shalt  }
0x62: {  	_ =	shalt  }
0x63: {  	_ =	shalt  }
0x64: {  	_ =	shalt  }
0x65: {  	_ =	shalt  }
0x66: {  	_ =	shalt  }
0x67: {  	_ =	shalt  }
0x68: {  	_ =	shalt  }
0x69: {  	_ =	shalt  }
0x6a: {  	_ =	shalt  }
0x6b: {  	_ =	shalt  }
0x6c: {  	_ =	shalt  }
0x6d: {  	_ =	shalt  }
0x6e: {  	_ =	shalt  }
0x6f: {  	_ =	shalt  }
0x70: {  	_ =	shalt  }
0x71: {  	_ =	shalt  }
0x72: {  	_ =	shalt  }
0x73: {  	_ =	shalt  }
0x74: {  	_ =	shalt  }
0x75: {  	_ =	shalt  }
0x76: {  	_ =	shalt  }
0x77: {  	_ =	shalt  }
0x78: {  	_ =	shalt  }
0x79: {  	_ =	shalt  }
0x7a: {  	_ =	shalt  }
0x7b: {  	_ =	shalt  }
0x7c: {  	_ =	shalt  }
0x7d: {  	_ =	shalt  }
0x7e: {  	_ =	shalt  }
0x7f: {  	_ =	shalt  }
0x80: {  	_ =	shalt  }
0x81: {  	_ =	shalt  }
0x82: {  	_ =	shalt  }
0x83: {  	_ =	shalt  }
0x84: {  	_ =	shalt  }
0x85: {  	_ =	shalt  }
0x86: {  	_ =	shalt  }
0x87: {  	_ =	shalt  }
.Lfunc_end0:
.L_simem_size_0:
called_computation.1_lowered:
.L_overlay_start_0:
0x88: {  	s2 =	sld [smem:$0x3FD9]  }
0x89: {  	s3 =	sld [smem:$0x3FFE];
	_ =	sdelay $0x1  }
0x8a: {  	s1 =	srdreg.scid  }
0x8b: {  	s0 =	sand.u32 $0x1, s1  }
0x8c: {  	s16 =	sshll.u32 s0, $0xA;
	s2 =	sadd.s32 s3, s2  }
0x8d: {  	s2 =	sadd.s32 s2, s16  }
0x8e: {  	[smem:$0x3FC0] =	sst s2  }
0x8f: {  	_ = 	snop  }
0x90: {  	(tm) =	ssettm $0x1  }
0x91: {  	s17 =	sld [smem:$0x3FFB];
	_ =	sdelay $0x3  }
0x92: {  	_ =	strace s17  }
0x93: {  	s2 =	sld [smem:$0x3FFC];
	_ =	sdelay $0x3  }
0x94: {  	_ =	strace s2  }
0x95: {  	s2 =	sld [smem:$0x3FFD];
	_ =	sdelay $0x3  }
0x96: {  	_ =	strace s2  }
0x97: {  	_ =	strace $0x8FFFFFFF  }
0x98: {  	s18 =	sld [smem:$0x3FDB];
	_ =	sdelay $0x1  }
0x99: {  	s19 =	simm.s32 $_scs_section_size  }
0x9a: {  	s4 =	simm.s32 $_size__tile_overlayer_lowered;
	s5 =	simm.s32 $_tile_overlayer_lowered  }
0x9b: {  	s22 =	simm.s32 $0x1BFF;
	s21 =	sshll.u32 s5, $0x1;
	s2 =	sadd.s32 s19, s18  }
0x9c: {  	s6 =	simm.s32 $0x0;
	s20 =	sshll.u32 s4, $0x1;
	s4 =	sadd.s32 s21, s2  }
0x9d: {  	[timem:s6], [sflag:s22] =	dma.local [hbm:s4], s20  }
0x9e: {  	_ =	swait.ge [sflag:s22], s20  }
0x9f: {  	s3 =	ssub.s32 $0x0, s20;
	[sflag:s22] =	ssyncset.done $0x0  }
0xa0: {  	[sflag:s22] =	ssyncadd.s32 s3;
	_ =	sdelay $0x1  }
0xa1: {  	s23 =	simm.s32 $0x1B8B  }
0xa2: {  	_ =	swait.ge [sflag:s23], $0x1  }
0xa3: {  	[sflag:s23] =	ssyncset.done $0x0  }
0xa4: {  	s25 =	simm.s32 $0x1B8E;
	s24 =	sld [smem:$0x3FFE];
	[sflag:s23] =	ssyncadd.s32 $0xFFFFFFFF  }
0xa5: {  	s26 =	simm.s32 $execute0_lowered;
	[smem:$0x3FD2] =	sst s25  }
0xa6: {  	s4 =	sshll.u32 s26, $0x1;
	_ =	strace $0x80000049;
	[dreg:$0x1] =	wrdreg $0xFFFFFFFF  }
0xa7: {  	s28 =	simm.s32 $_size_execute0_lowered;
	s2 =	sadd.s32 s2, s4;
	[dreg:$0x0] =	wrdreg $0x0  }
0xa8: {  	s4 =	sshll.u32 s28, $0x1;
	[dreg:$0x2] =	wrdreg s2  }
0xa9: {  	[dreg:$0x3] =	wrdreg s4  }
0xaa: {  	[dreg:$0x4] =	wrdreg $0xC0  }
0xab: {  	_ =	task [dreg:s6], $0x5FFFF  }
0xac: {  	[dreg:$0x1] =	wrdreg $0xFFFFFFFF  }
0xad: {  	[dreg:$0x0] =	wrdreg $0x60  }
0xae: {  	[dreg:$0x2] =	wrdreg s24  }
0xaf: {  	[dreg:$0x3] =	wrdreg $0xD0000  }
0xb0: {  	[dreg:$0x4] =	wrdreg $0x9  }
0xb1: {  	_ =	task.clear_ibuf [dreg:s6], $0x5FFFF;
	_ =	strace $0x90000049  }
0xb2: {  	s29 =	simm.s32 $0x9;
	_ =	strace $0x8000004B  }
0xb3: {  	_ =	swait.ge [sflag:s29], $0x1  }
0xb4: {  	[sflag:s29] =	ssyncadd.s32 $0xFFFFFFFF  }
0xb5: {  	_ =	strace $0x9000004B  }
0xb6: {  	_ =	sfence  }
0xb7: {  	s30 =	sld [smem:$0x0];
	_ =	sdelay $0x2  }
0xb8: {  	s31 =	sshll.u32 s1, $0xD;
	s1 =	sshrl.u32 s1, $0x2  }
0xb9: {  	s3 =	sand.u32 $0x4000, s31;
	s1 =	sadd.s32 s1, s30  }
0xba: {  	s0 =	sor.u32 s3, s0;
	s1 =	sshll.u32 s1, $0x11  }
0xbb: {  	s0 =	sor.u32 s1, s0  }
0xbc: {  	s0 =	sadd.s32 $0x8F2B, s0  }
0xbd: {  	[sflag:s0] =	ssyncadd.remote.s32 $0x1  }
0xbe: {  	_ =	sfence.sel $0xFFFF  }
0xbf: {  	[dreg:$0x0] =	wrdreg $0xFFFFFFFF;
	(pc) =	sbr.abs _section_cstart, $3  }
0xc0: {  	[dreg:$0x1] =	wrdreg $0xFFFFFFFF  }
0xc1: {  	_ =	task.clear_ibuf [dreg:s6], $0x2FFFF;
	_ =	strace $0x9FFFFFFF  }
0xc2: {  	(tm) =	ssettm $0x7FFFFFFF  }
0xc3: {  	_ =	shalt  }
tec
execute0_lowered:
.L_overlay_start_1:
0x0: {  	(tag) =	ssettag $0x1  }
0x1: {  	s0 =	rddreg [dreg:$0x0];
	s1 =	srdreg.scid  }
0x2: {  	s14 =	stileid.u32;
	s2 =	rddreg [dreg:$0x1]  }
0x3: {  	s4 =	simm.s32 $0x0;
	s16 =	simm.s32 $0x80;
	s17 =	simm.s32 $0x5000  }
0x4: {  	s18 =	simm.s32 $0x7000;
	s20 =	simm.s32 $0x9000;
	s22 =	simm.s32 $0xB000  }
0x5: {  	s28 =	simm.s32 $0x5;
	s30 =	simm.s32 $0x2;
	s29 =	simm.s32 $0x4  }
0x6: {  	s1 =	sand.u32 $0x1, s1;
	s3 =	sshll.u32 s14, $0x1;
	[smem:$0x7FF] =	sst s4  }
0x7: {  	s4 =	sadd.s32 $0x14E00, s0;
	s9 =	smul.u32 $0x9840, s14;
	s8 =	sadd.s32 $0x14B00, s0  }
0x8: {  	s12 =	smul.u32 $0xA000, s14;
	s15 =	sadd.s32 $0x98400, s2;
	p1 =	sne.s32 s14, $0xF  }
0x9: {  	s31 =	sshll.u32 s14, $0x6;
	s14 =	simm.s32 $0x9;
	s3 =	sor.u32 s1, s3  }
0xa: {  	_ =	strace $0x8000004A;
	s6 =	smul.u32 $0x14000, s1;
	s1 =	ssub.s32 $0x2, s1  }
0xb: {  	s15 =	sshrl.u32 @!p1 s15, $0x3;
	s5 =	smul.u32 $0x500, s3;
	s24 =	sshrl.u32 s1, $0x1  }
0xc: {  	s10 =	sshrl.u32 s9, $0x3;
	s13 =	sadd.s32 s9, s2;
	s19 =	sshrl.u32 s12, $0x3  }
0xd: {  	s21 =	sadd.s32 s12, s2;
	p0 =	seq.s32 s3, $0x1F;
	s12 =	sor.u32 $0x1C09, s31  }
0xe: {  	s3 =	simm.s32 $0x3;
	s11 =	sadd.s32 s6, s0;
	s1 =	ssub.s32 s1, s24  }
0xf: {  	s9 =	sadd.s32 s4, s10;
	s10 =	sadd.s32 $0x27E80, s0;
	s13 =	sshrl.u32 s13, $0x3  }
.Ltmp0:
0x10: {  	s24 =	simm.s32 $0x1;
	s7 =	sadd.s32 s5, s0;
	(pc) =	sbr.rel .LBB2_1-.Ltmp0, $4  }
0x11: {  	s26 =	sadd.s32 $0x28800, s11;
	s11 =	smax.u32 s1, $0x1;
	s1 =	simm.s32 $0x6  }
0x12: {  	s25 =	sadd.s32 $0x1200, s7;
	s6 =	sadd.s32 $0xB000, s7;
	s7 =	sadd.s32 $0xAD00, s0  }
0x13: {  	s23 =	sadd.s32 s19, s26;
	s0 =	simm.s32 $0x8;
	s19 =	simm.s32 $0x0  }
0x14: {  	[dreg:$0x3] =	wrdreg s25;
	s25 =	sshrl.u32 s21, $0x3;
	s21 =	simm.s32 $0x7  }
.LBB2_7:
0x15: {  	[tilespmem:s22], [sflag:$0x4] =	stream.indirect.gather [hbm4b:s4+s16], $0x40, s5, s16, $0xb8;
	[tilespmem:$0x17000] =	vst v63  }
0x16: {  	_ =	swait.ge [sflag:s24], $0x2000  }
0x17: {  	[sflag:s24] =	ssyncset.done $0x0  }
0x18: {  	s26 =	simm.s32 $0x2800;
	[sflag:s24] =	ssyncadd.s32 $0xFFFFE000  }
0x19: {  	[spmem:s2] =	stream.indirect.scatter.add.f32 [tilespmem:s17], [sflag:$0x5], $0x40, s26, s16, $0xb8;
	[tilespmem:$0x17000] =	vst v63  }
0x1a: {  	_ =	swait.ge [sflag:s28], $0x2000  }
0x1b: {  	[sflag:s28] =	ssyncset.done $0x0  }
0x1c: {  	s31 =	simm.s32 $0x200;
	[sflag:s28] =	ssyncadd.s32 $0xFFFFE000  }
0x1d: {  	[tilespmem:s17], [sflag:$0x1] =	stream.indirect.gather [hbm4b:s4+s16], $0x40, s31, s16, $0xb8;
	[tilespmem:$0x17000] =	vst v63  }
0x1e: {  	_ =	swait.ge [sflag:s30], $0x2000  }
0x1f: {  	[sflag:s30] =	ssyncset.done $0x0  }
0x20: {  	s26 =	simm.s32 $0x2880;
	[sflag:s30] =	ssyncadd.s32 $0xFFFFE000  }
0x21: {  	[spmem:s2] =	stream.indirect.scatter.add.f32 [tilespmem:s18], [sflag:$0x6], $0x40, s26, s16, $0xb8;
	[tilespmem:$0x17000] =	vst v63  }
0x22: {  	_ =	swait.ge [sflag:s1], $0x2000  }
0x23: {  	[sflag:s1] =	ssyncset.done $0x0  }
0x24: {  	s31 =	simm.s32 $0x280;
	[sflag:s1] =	ssyncadd.s32 $0xFFFFE000  }
0x25: {  	[tilespmem:s18], [sflag:$0x2] =	stream.indirect.gather [hbm4b:s4+s16], $0x40, s31, s16, $0xb8;
	[tilespmem:$0x17000] =	vst v63  }
0x26: {  	_ =	swait.ge [sflag:s3], $0x2000  }
0x27: {  	[sflag:s3] =	ssyncset.done $0x0  }
0x28: {  	s26 =	simm.s32 $0x2900;
	[sflag:s3] =	ssyncadd.s32 $0xFFFFE000  }
0x29: {  	[spmem:s2] =	stream.indirect.scatter.add.f32 [tilespmem:s20], [sflag:$0x7], $0x40, s26, s16, $0xb8;
	[tilespmem:$0x17000] =	vst v63  }
0x2a: {  	_ =	swait.ge [sflag:s21], $0x2000  }
0x2b: {  	[sflag:s21] =	ssyncset.done $0x0  }
0x2c: {  	s31 =	simm.s32 $0x300;
	[sflag:s21] =	ssyncadd.s32 $0xFFFFE000  }
0x2d: {  	[tilespmem:s20], [sflag:$0x3] =	stream.indirect.gather [hbm4b:s4+s16], $0x40, s31, s16, $0xb8;
	[tilespmem:$0x17000] =	vst v63  }
0x2e: {  	_ =	swait.ge [sflag:s29], $0x2000  }
0x2f: {  	[sflag:s29] =	ssyncset.done $0x0  }
0x30: {  	s26 =	simm.s32 $0x2980;
	[sflag:s29] =	ssyncadd.s32 $0xFFFFE000  }
0x31: {  	[spmem:s2] =	stream.indirect.scatter.add.f32 [tilespmem:s22], [sflag:$0x8], $0x40, s26, s16, $0xb8;
	[tilespmem:$0x17000] =	vst v63  }
0x32: {  	_ =	swait.ge [sflag:s0], $0x2000  }
0x33: {  	[sflag:s0] =	ssyncset.done $0x0  }
0x34: {  	s31 =	simm.s32 $0x380;
	[sflag:s0] =	ssyncadd.s32 $0xFFFFE000  }
0x35: {  	[tilespmem:s22], [sflag:$0x4] =	stream.indirect.gather [hbm4b:s4+s16], $0x40, s31, s16, $0xb8;
	[tilespmem:$0x17000] =	vst v63  }
0x36: {  	_ =	swait.ge [sflag:s24], $0x2000  }
0x37: {  	[sflag:s24] =	ssyncset.done $0x0  }
0x38: {  	s26 =	simm.s32 $0x2A00;
	[sflag:s24] =	ssyncadd.s32 $0xFFFFE000  }
0x39: {  	[spmem:s2] =	stream.indirect.scatter.add.f32 [tilespmem:s17], [sflag:$0x5], $0x40, s26, s16, $0xb8;
	[tilespmem:$0x17000] =	vst v63  }
0x3a: {  	_ =	swait.ge [sflag:s28], $0x2000  }
0x3b: {  	[sflag:s28] =	ssyncset.done $0x0  }
0x3c: {  	s31 =	simm.s32 $0x400;
	[sflag:s28] =	ssyncadd.s32 $0xFFFFE000  }
0x3d: {  	[tilespmem:s17], [sflag:$0x1] =	stream.indirect.gather [hbm4b:s4+s16], $0x40, s31, s16, $0xb8;
	[tilespmem:$0x17000] =	vst v63  }
0x3e: {  	_ =	swait.ge [sflag:s30], $0x2000  }
0x3f: {  	[sflag:s30] =	ssyncset.done $0x0  }
0x40: {  	s26 =	simm.s32 $0x2A80;
	[sflag:s30] =	ssyncadd.s32 $0xFFFFE000  }
0x41: {  	[spmem:s2] =	stream.indirect.scatter.add.f32 [tilespmem:s18], [sflag:$0x6], $0x40, s26, s16, $0xb8;
	[tilespmem:$0x17000] =	vst v63  }
0x42: {  	_ =	swait.ge [sflag:s1], $0x2000  }
0x43: {  	[sflag:s1] =	ssyncset.done $0x0  }
0x44: {  	s31 =	simm.s32 $0x480;
	[sflag:s1] =	ssyncadd.s32 $0xFFFFE000  }
0x45: {  	[tilespmem:s18], [sflag:$0x2] =	stream.indirect.gather [hbm4b:s4+s16], $0x40, s31, s16, $0xb8;
	[tilespmem:$0x17000] =	vst v63  }
0x46: {  	_ =	swait.ge [sflag:s3], $0x2000  }
0x47: {  	[sflag:s3] =	ssyncset.done $0x0  }
0x48: {  	s26 =	simm.s32 $0x2B00;
	[sflag:s3] =	ssyncadd.s32 $0xFFFFE000  }
0x49: {  	[spmem:s2] =	stream.indirect.scatter.add.f32 [tilespmem:s20], [sflag:$0x7], $0x40, s26, s16, $0xb8;
	[tilespmem:$0x17000] =	vst v63  }
0x4a: {  	_ =	swait.ge [sflag:s21], $0x2000  }
0x4b: {  	[sflag:s21] =	ssyncset.done $0x0  }
0x4c: {  	s31 =	simm.s32 $0x500;
	[sflag:s21] =	ssyncadd.s32 $0xFFFFE000  }
0x4d: {  	[tilespmem:s20], [sflag:$0x3] =	stream.indirect.gather [hbm4b:s4+s16], $0x40, s31, s16, $0xb8;
	[tilespmem:$0x17000] =	vst v63  }
0x4e: {  	_ =	swait.ge [sflag:s29], $0x2000  }
0x4f: {  	[sflag:s29] =	ssyncset.done $0x0  }
0x50: {  	s26 =	simm.s32 $0x2B80;
	[sflag:s29] =	ssyncadd.s32 $0xFFFFE000  }
0x51: {  	[spmem:s2] =	stream.indirect.scatter.add.f32 [tilespmem:s22], [sflag:$0x8], $0x40, s26, s16, $0xb8;
	[tilespmem:$0x17000] =	vst v63  }
0x52: {  	_ =	swait.ge [sflag:s0], $0x2000  }
0x53: {  	[sflag:s0] =	ssyncset.done $0x0  }
0x54: {  	s31 =	simm.s32 $0x580;
	[sflag:s0] =	ssyncadd.s32 $0xFFFFE000  }
0x55: {  	[tilespmem:s22], [sflag:$0x4] =	stream.indirect.gather [hbm4b:s4+s16], $0x40, s31, s16, $0xb8;
	[tilespmem:$0x17000] =	vst v63  }
0x56: {  	_ =	swait.ge [sflag:s24], $0x2000  }
0x57: {  	[sflag:s24] =	ssyncset.done $0x0  }
0x58: {  	s26 =	simm.s32 $0x2C00;
	[sflag:s24] =	ssyncadd.s32 $0xFFFFE000  }
0x59: {  	[spmem:s2] =	stream.indirect.scatter.add.f32 [tilespmem:s17], [sflag:$0x5], $0x40, s26, s16, $0xb8;
	[tilespmem:$0x17000] =	vst v63  }
0x5a: {  	_ =	swait.ge [sflag:s28], $0x2000  }
0x5b: {  	[sflag:s28] =	ssyncset.done $0x0  }
0x5c: {  	s31 =	simm.s32 $0x600;
	[sflag:s28] =	ssyncadd.s32 $0xFFFFE000  }
0x5d: {  	[tilespmem:s17], [sflag:$0x1] =	stream.indirect.gather [hbm4b:s4+s16], $0x40, s31, s16, $0xb8;
	[tilespmem:$0x17000] =	vst v63  }
0x5e: {  	_ =	swait.ge [sflag:s30], $0x2000  }
0x5f: {  	[sflag:s30] =	ssyncset.done $0x0  }
0x60: {  	s26 =	simm.s32 $0x2C80;
	[sflag:s30] =	ssyncadd.s32 $0xFFFFE000  }
0x61: {  	[spmem:s2] =	stream.indirect.scatter.add.f32 [tilespmem:s18], [sflag:$0x6], $0x40, s26, s16, $0xb8;
	[tilespmem:$0x17000] =	vst v63  }
0x62: {  	_ =	swait.ge [sflag:s1], $0x2000  }
0x63: {  	[sflag:s1] =	ssyncset.done $0x0  }
0x64: {  	s31 =	simm.s32 $0x680;
	[sflag:s1] =	ssyncadd.s32 $0xFFFFE000  }
0x65: {  	[tilespmem:s18], [sflag:$0x2] =	stream.indirect.gather [hbm4b:s4+s16], $0x40, s31, s16, $0xb8;
	[tilespmem:$0x17000] =	vst v63  }
0x66: {  	_ =	swait.ge [sflag:s3], $0x2000  }
0x67: {  	[sflag:s3] =	ssyncset.done $0x0  }
0x68: {  	s26 =	simm.s32 $0x2D00;
	[sflag:s3] =	ssyncadd.s32 $0xFFFFE000  }
0x69: {  	[spmem:s2] =	stream.indirect.scatter.add.f32 [tilespmem:s20], [sflag:$0x7], $0x40, s26, s16, $0xb8;
	[tilespmem:$0x17000] =	vst v63  }
0x6a: {  	_ =	swait.ge [sflag:s21], $0x2000  }
0x6b: {  	[sflag:s21] =	ssyncset.done $0x0  }
0x6c: {  	s31 =	simm.s32 $0x700;
	[sflag:s21] =	ssyncadd.s32 $0xFFFFE000  }
0x6d: {  	[tilespmem:s20], [sflag:$0x3] =	stream.indirect.gather [hbm4b:s4+s16], $0x40, s31, s16, $0xb8;
	[tilespmem:$0x17000] =	vst v63  }
0x6e: {  	_ =	swait.ge [sflag:s29], $0x2000  }
0x6f: {  	[sflag:s29] =	ssyncset.done $0x0  }
0x70: {  	s26 =	simm.s32 $0x2D80;
	[sflag:s29] =	ssyncadd.s32 $0xFFFFE000  }
0x71: {  	[spmem:s2] =	stream.indirect.scatter.add.f32 [tilespmem:s22], [sflag:$0x8], $0x40, s26, s16, $0xb8;
	[tilespmem:$0x17000] =	vst v63  }
0x72: {  	_ =	swait.ge [sflag:s0], $0x2000  }
0x73: {  	[sflag:s0] =	ssyncset.done $0x0  }
0x74: {  	s31 =	simm.s32 $0x780;
	[sflag:s0] =	ssyncadd.s32 $0xFFFFE000  }
0x75: {  	[tilespmem:s22], [sflag:$0x4] =	stream.indirect.gather [hbm4b:s4+s16], $0x40, s31, s16, $0xb8;
	[tilespmem:$0x17000] =	vst v63  }
0x76: {  	_ =	swait.ge [sflag:s24], $0x2000  }
0x77: {  	[sflag:s24] =	ssyncset.done $0x0  }
0x78: {  	s26 =	simm.s32 $0x2E00;
	[sflag:s24] =	ssyncadd.s32 $0xFFFFE000  }
0x79: {  	[spmem:s2] =	stream.indirect.scatter.add.f32 [tilespmem:s17], [sflag:$0x5], $0x40, s26, s16, $0xb8;
	[tilespmem:$0x17000] =	vst v63  }
0x7a: {  	_ =	swait.ge [sflag:s28], $0x2000  }
0x7b: {  	[sflag:s28] =	ssyncset.done $0x0  }
0x7c: {  	s31 =	simm.s32 $0x800;
	[sflag:s28] =	ssyncadd.s32 $0xFFFFE000  }
0x7d: {  	[tilespmem:s17], [sflag:$0x1] =	stream.indirect.gather [hbm4b:s4+s16], $0x40, s31, s16, $0xb8;
	[tilespmem:$0x17000] =	vst v63  }
0x7e: {  	_ =	swait.ge [sflag:s30], $0x2000  }
0x7f: {  	[sflag:s30] =	ssyncset.done $0x0  }
0x80: {  	s26 =	simm.s32 $0x2E80;
	[sflag:s30] =	ssyncadd.s32 $0xFFFFE000  }
0x81: {  	[spmem:s2] =	stream.indirect.scatter.add.f32 [tilespmem:s18], [sflag:$0x6], $0x40, s26, s16, $0xb8;
	[tilespmem:$0x17000] =	vst v63  }
0x82: {  	_ =	swait.ge [sflag:s1], $0x2000  }
0x83: {  	[sflag:s1] =	ssyncset.done $0x0  }
0x84: {  	s31 =	simm.s32 $0x880;
	[sflag:s1] =	ssyncadd.s32 $0xFFFFE000  }
0x85: {  	[tilespmem:s18], [sflag:$0x2] =	stream.indirect.gather [hbm4b:s4+s16], $0x40, s31, s16, $0xb8;
	[tilespmem:$0x17000] =	vst v63  }
0x86: {  	_ =	swait.ge [sflag:s3], $0x2000  }
0x87: {  	[sflag:s3] =	ssyncset.done $0x0  }
0x88: {  	s26 =	simm.s32 $0x2F00;
	[sflag:s3] =	ssyncadd.s32 $0xFFFFE000  }
0x89: {  	[spmem:s2] =	stream.indirect.scatter.add.f32 [tilespmem:s20], [sflag:$0x7], $0x40, s26, s16, $0xb8;
	[tilespmem:$0x17000] =	vst v63  }
0x8a: {  	_ =	swait.ge [sflag:s21], $0x2000  }
0x8b: {  	[sflag:s21] =	ssyncset.done $0x0  }
0x8c: {  	s31 =	simm.s32 $0x900;
	[sflag:s21] =	ssyncadd.s32 $0xFFFFE000  }
0x8d: {  	[tilespmem:s20], [sflag:$0x3] =	stream.indirect.gather [hbm4b:s4+s16], $0x40, s31, s16, $0xb8;
	[tilespmem:$0x17000] =	vst v63  }
0x8e: {  	_ =	swait.ge [sflag:s29], $0x2000  }
0x8f: {  	[sflag:s29] =	ssyncset.done $0x0  }
0x90: {  	s26 =	simm.s32 $0x2F80;
	[sflag:s29] =	ssyncadd.s32 $0xFFFFE000  }
0x91: {  	[spmem:s2] =	stream.indirect.scatter.add.f32 [tilespmem:s22], [sflag:$0x8], $0x40, s26, s16, $0xb8;
	[tilespmem:$0x17000] =	vst v63  }
0x92: {  	_ =	swait.ge [sflag:s0], $0x2000  }
0x93: {  	[sflag:s0] =	ssyncset.done $0x0  }
0x94: {  	s31 =	simm.s32 $0x980;
	[sflag:s0] =	ssyncadd.s32 $0xFFFFE000  }
0x95: {  	[tilespmem:s22], [sflag:$0x4] =	stream.indirect.gather [hbm4b:s4+s16], $0x40, s31, s16, $0xb8;
	[tilespmem:$0x17000] =	vst v63  }
0x96: {  	_ =	swait.ge [sflag:s24], $0x2000  }
0x97: {  	[sflag:s24] =	ssyncset.done $0x0  }
0x98: {  	s26 =	simm.s32 $0x3000;
	[sflag:s24] =	ssyncadd.s32 $0xFFFFE000  }
0x99: {  	[spmem:s2] =	stream.indirect.scatter.add.f32 [tilespmem:s17], [sflag:$0x5], $0x40, s26, s16, $0xb8;
	[tilespmem:$0x17000] =	vst v63  }
0x9a: {  	_ =	swait.ge [sflag:s30], $0x2000  }
0x9b: {  	[sflag:s30] =	ssyncset.done $0x0  }
0x9c: {  	s31 =	simm.s32 $0x3080;
	[sflag:s30] =	ssyncadd.s32 $0xFFFFE000  }
0x9d: {  	[spmem:s2] =	stream.indirect.scatter.add.f32 [tilespmem:s18], [sflag:$0x6], $0x40, s31, s16, $0xb8;
	[tilespmem:$0x17000] =	vst v63  }
0x9e: {  	_ =	swait.ge [sflag:s3], $0x2000  }
0x9f: {  	[sflag:s3] =	ssyncset.done $0x0  }
0xa0: {  	s26 =	simm.s32 $0x3100;
	[sflag:s3] =	ssyncadd.s32 $0xFFFFE000  }
0xa1: {  	[spmem:s2] =	stream.indirect.scatter.add.f32 [tilespmem:s20], [sflag:$0x7], $0x40, s26, s16, $0xb8;
	[tilespmem:$0x17000] =	vst v63  }
0xa2: {  	_ =	swait.ge [sflag:s29], $0x2000  }
0xa3: {  	[sflag:s29] =	ssyncset.done $0x0  }
0xa4: {  	s31 =	simm.s32 $0x3180;
	[sflag:s29] =	ssyncadd.s32 $0xFFFFE000  }
0xa5: {  	[spmem:s2] =	stream.indirect.scatter.add.f32 [tilespmem:s22], [sflag:$0x8], $0x40, s31, s16, $0xb8;
	[tilespmem:$0x17000] =	vst v63  }
.LBB2_5:
0xa6: {  	_ =	swait.ge [sflag:s28], $0x2000  }
0xa7: {  	[sflag:s28] =	ssyncset.done $0x0  }
0xa8: {  	[sflag:s28] =	ssyncadd.s32 $0xFFFFE000  }
0xa9: {  	_ =	swait.ge [sflag:s1], $0x2000  }
0xaa: {  	[sflag:s1] =	ssyncset.done $0x0  }
0xab: {  	[sflag:s1] =	ssyncadd.s32 $0xFFFFE000  }
0xac: {  	_ =	swait.ge [sflag:s21], $0x2000  }
0xad: {  	[sflag:s21] =	ssyncset.done $0x0  }
0xae: {  	[sflag:s21] =	ssyncadd.s32 $0xFFFFE000  }
0xaf: {  	_ =	swait.ge [sflag:s0], $0x2000  }
0xb0: {  	s19 =	sadd.s32 $0x1, s19;
	[sflag:s0] =	ssyncset.done $0x0  }
0xb1: {  	p2 =	sne.s32 s19, s11;
	[sflag:s0] =	ssyncadd.s32 $0xFFFFE000  }
.Ltmp1:
0xb2: {  	[bflag:$0x0] =	sbarrier.arrive $0xFFFF;
	(pc) =	sbr.rel @!p2 .LBB2_6-.Ltmp1, $4  }
0xb3: {  	[hbm:s23], [sflag:s12] =	dma.local [spmem:s25], $0x1400  }
0xb4: {  	_ =	swait.ge [sflag:s14], $0x1400  }
0xb5: {  	[sflag:s14] =	ssyncset.done $0x0  }
0xb6: {  	[sflag:s14] =	ssyncadd.s32 $0xFFFFEC00  }
.LBB2_1:
0xb7: {  	s26 =	simm.s32 @p0 $0x0;
	s31 =	simm.s32 @p0 $0x9  }
0xb8: {  	[tilespmem:s26], [sflag:$0x9] =	stream.linear.gather @p0 [hbm4b:s7+s26], $0xA00, $0x38;
	[tilespmem:$0x17000] =	vst v63  }
0xb9: {  	_ =	swait.ge @p0 [sflag:s31], $0xA00  }
0xba: {  	[sflag:s31] =	ssyncset.done @p0 $0x0  }
0xbb: {  	s5 =	simm.s32 @p0 $0x2800;
	[sflag:s31] =	ssyncadd.s32 @p0 $0xFFFFF600  }
0xbc: {  	[tilespmem:s5], [sflag:$0x9] =	stream.linear.gather @p0 [hbm4b:s8+s26], $0xA00, $0x38;
	[tilespmem:$0x17000] =	vst v63  }
0xbd: {  	_ =	swait.ge @p0 [sflag:s31], $0xA00  }
0xbe: {  	[sflag:s31] =	ssyncset.done @p0 $0x0  }
0xbf: {  	s5 =	simm.s32 @!p0 $0x0;
	s26 =	rddreg [dreg:$0x3];
	[sflag:s31] =	ssyncadd.s32 @p0 $0xFFFFF600  }
0xc0: {  	[tilespmem:s5], [sflag:$0x9] =	stream.linear.gather @!p0 [hbm4b:s26+s5], $0x2800, $0x38;
	[tilespmem:$0x17000] =	vst v63  }
0xc1: {  	s26 =	simm.s32 @!p0 $0x9  }
0xc2: {  	_ =	swait.ge @!p0 [sflag:s26], $0x2800  }
0xc3: {  	[sflag:s26] =	ssyncset.done @!p0 $0x0  }
0xc4: {  	s31 =	simm.s32 @!p0 $0x2800;
	[sflag:s26] =	ssyncadd.s32 @!p0 $0xFFFFD800  }
0xc5: {  	[tilespmem:s31], [sflag:$0x9] =	stream.linear.gather @!p0 [hbm4b:s6+s5], $0x2800, $0x38;
	[tilespmem:$0x17000] =	vst v63  }
0xc6: {  	_ =	swait.ge @!p0 [sflag:s26], $0x2800  }
0xc7: {  	[sflag:s26] =	ssyncset.done @!p0 $0x0  }
0xc8: {  	[sflag:s26] =	ssyncadd.s32 @!p0 $0xFFFFD800  }
0xc9: {  	[spmem:s13], [sflag:s12] =	dma.local [hbm:s9], $0x1308  }
0xca: {  	_ =	swait.ge [sflag:s14], $0x1308  }
0xcb: {  	[sflag:s14] =	ssyncset.done $0x0  }
0xcc: {  	s5 =	simm.s32 @!p1 $0x9;
	[sflag:s14] =	ssyncadd.s32 $0xFFFFECF8  }
0xcd: {  	[spmem:s15], [sflag:s12] =	dma.local @!p1 [hbm:s10], $0x800  }
0xce: {  	_ =	swait.ge @!p1 [sflag:s5], $0x800  }
0xcf: {  	[sflag:s5] =	ssyncset.done @!p1 $0x0  }
0xd0: {  	[sflag:s5] =	ssyncadd.s32 @!p1 $0xFFFFF800  }
0xd1: {  	s26 =	simm.s32 $0x0;
	[bflag:$0x0] =	sbarrier.arrive $0xFFFF  }
0xd2: {  	[tilespmem:s17], [sflag:$0x1] =	stream.indirect.gather [hbm4b:s4+s16], $0x40, s26, s16, $0xb8;
	[tilespmem:$0x17000] =	vst v63  }
.Ltmp2:
0xd3: {  	_ = 	snop;
	(pc) =	sbr.rel @p0 .LBB2_7-.Ltmp2, $4  }
0xd4: {  	_ = 	snop  }
0xd5: {  	[tilespmem:s18], [sflag:$0x2] =	stream.indirect.gather [hbm4b:s4+s16], $0x40, s16, s16, $0xb8;
	[tilespmem:$0x17000] =	vst v63  }
0xd6: {  	s31 =	simm.s32 $0x100;
	s5 =	simm.s32 $0x180  }
0xd7: {  	[tilespmem:s20], [sflag:$0x3] =	stream.indirect.gather [hbm4b:s4+s16], $0x40, s31, s16, $0xb8;
	[tilespmem:$0x17000] =	vst v63  }
0xd8: {  	[tilespmem:s22], [sflag:$0x4] =	stream.indirect.gather [hbm4b:s4+s16], $0x40, s5, s16, $0xb8;
	[tilespmem:$0x17000] =	vst v63  }
0xd9: {  	_ =	swait.ge [sflag:s24], $0x2000  }
0xda: {  	[sflag:s24] =	ssyncset.done $0x0  }
0xdb: {  	s26 =	simm.s32 $0x2800;
	[sflag:s24] =	ssyncadd.s32 $0xFFFFE000  }
0xdc: {  	[spmem:s2] =	stream.indirect.scatter.add.f32 [tilespmem:s17], [sflag:$0x5], $0x40, s26, s16, $0xb8;
	[tilespmem:$0x17000] =	vst v63  }
0xdd: {  	_ =	swait.ge [sflag:s28], $0x2000  }
0xde: {  	[sflag:s28] =	ssyncset.done $0x0  }
0xdf: {  	s26 =	simm.s32 $0x200;
	[sflag:s28] =	ssyncadd.s32 $0xFFFFE000  }
0xe0: {  	[tilespmem:s17], [sflag:$0x1] =	stream.indirect.gather [hbm4b:s4+s16], $0x40, s26, s16, $0xb8;
	[tilespmem:$0x17000] =	vst v63  }
0xe1: {  	_ =	swait.ge [sflag:s30], $0x2000  }
0xe2: {  	[sflag:s30] =	ssyncset.done $0x0  }
0xe3: {  	s26 =	simm.s32 $0x2880;
	[sflag:s30] =	ssyncadd.s32 $0xFFFFE000  }
0xe4: {  	[spmem:s2] =	stream.indirect.scatter.add.f32 [tilespmem:s18], [sflag:$0x6], $0x40, s26, s16, $0xb8;
	[tilespmem:$0x17000] =	vst v63  }
0xe5: {  	_ =	swait.ge [sflag:s1], $0x2000  }
0xe6: {  	[sflag:s1] =	ssyncset.done $0x0  }
0xe7: {  	s26 =	simm.s32 $0x280;
	[sflag:s1] =	ssyncadd.s32 $0xFFFFE000  }
0xe8: {  	[tilespmem:s18], [sflag:$0x2] =	stream.indirect.gather [hbm4b:s4+s16], $0x40, s26, s16, $0xb8;
	[tilespmem:$0x17000] =	vst v63  }
0xe9: {  	_ =	swait.ge [sflag:s3], $0x2000  }
0xea: {  	[sflag:s3] =	ssyncset.done $0x0  }
0xeb: {  	s26 =	simm.s32 $0x2900;
	[sflag:s3] =	ssyncadd.s32 $0xFFFFE000  }
0xec: {  	[spmem:s2] =	stream.indirect.scatter.add.f32 [tilespmem:s20], [sflag:$0x7], $0x40, s26, s16, $0xb8;
	[tilespmem:$0x17000] =	vst v63  }
0xed: {  	_ =	swait.ge [sflag:s21], $0x2000  }
0xee: {  	[sflag:s21] =	ssyncset.done $0x0  }
0xef: {  	s26 =	simm.s32 $0x300;
	[sflag:s21] =	ssyncadd.s32 $0xFFFFE000  }
0xf0: {  	[tilespmem:s20], [sflag:$0x3] =	stream.indirect.gather [hbm4b:s4+s16], $0x40, s26, s16, $0xb8;
	[tilespmem:$0x17000] =	vst v63  }
0xf1: {  	_ =	swait.ge [sflag:s29], $0x2000  }
0xf2: {  	[sflag:s29] =	ssyncset.done $0x0  }
0xf3: {  	s26 =	simm.s32 $0x2980;
	[sflag:s29] =	ssyncadd.s32 $0xFFFFE000  }
0xf4: {  	[spmem:s2] =	stream.indirect.scatter.add.f32 [tilespmem:s22], [sflag:$0x8], $0x40, s26, s16, $0xb8;
	[tilespmem:$0x17000] =	vst v63  }
0xf5: {  	_ =	swait.ge [sflag:s0], $0x2000  }
0xf6: {  	[sflag:s0] =	ssyncset.done $0x0  }
0xf7: {  	s26 =	simm.s32 $0x380;
	[sflag:s0] =	ssyncadd.s32 $0xFFFFE000  }
0xf8: {  	[tilespmem:s22], [sflag:$0x4] =	stream.indirect.gather [hbm4b:s4+s16], $0x40, s26, s16, $0xb8;
	[tilespmem:$0x17000] =	vst v63  }
0xf9: {  	_ =	swait.ge [sflag:s24], $0x2000  }
0xfa: {  	[sflag:s24] =	ssyncset.done $0x0  }
0xfb: {  	s26 =	simm.s32 $0x2A00;
	[sflag:s24] =	ssyncadd.s32 $0xFFFFE000  }
0xfc: {  	[spmem:s2] =	stream.indirect.scatter.add.f32 [tilespmem:s17], [sflag:$0x5], $0x40, s26, s16, $0xb8;
	[tilespmem:$0x17000] =	vst v63  }
0xfd: {  	_ =	swait.ge [sflag:s28], $0x2000  }
0xfe: {  	[sflag:s28] =	ssyncset.done $0x0  }
0xff: {  	s26 =	simm.s32 $0x400;
	[sflag:s28] =	ssyncadd.s32 $0xFFFFE000  }
0x100: {  	[tilespmem:s17], [sflag:$0x1] =	stream.indirect.gather [hbm4b:s4+s16], $0x40, s26, s16, $0xb8;
	[tilespmem:$0x17000] =	vst v63  }
0x101: {  	_ =	swait.ge [sflag:s30], $0x2000  }
0x102: {  	[sflag:s30] =	ssyncset.done $0x0  }
0x103: {  	s26 =	simm.s32 $0x2A80;
	[sflag:s30] =	ssyncadd.s32 $0xFFFFE000  }
0x104: {  	[spmem:s2] =	stream.indirect.scatter.add.f32 [tilespmem:s18], [sflag:$0x6], $0x40, s26, s16, $0xb8;
	[tilespmem:$0x17000] =	vst v63  }
0x105: {  	_ =	swait.ge [sflag:s1], $0x2000  }
0x106: {  	[sflag:s1] =	ssyncset.done $0x0  }
0x107: {  	s26 =	simm.s32 $0x480;
	[sflag:s1] =	ssyncadd.s32 $0xFFFFE000  }
0x108: {  	[tilespmem:s18], [sflag:$0x2] =	stream.indirect.gather [hbm4b:s4+s16], $0x40, s26, s16, $0xb8;
	[tilespmem:$0x17000] =	vst v63  }
0x109: {  	_ =	swait.ge [sflag:s3], $0x2000  }
0x10a: {  	[sflag:s3] =	ssyncset.done $0x0  }
0x10b: {  	s26 =	simm.s32 $0x2B00;
	[sflag:s3] =	ssyncadd.s32 $0xFFFFE000  }
0x10c: {  	[spmem:s2] =	stream.indirect.scatter.add.f32 [tilespmem:s20], [sflag:$0x7], $0x40, s26, s16, $0xb8;
	[tilespmem:$0x17000] =	vst v63  }
0x10d: {  	_ =	swait.ge [sflag:s21], $0x2000  }
0x10e: {  	[sflag:s21] =	ssyncset.done $0x0  }
0x10f: {  	s26 =	simm.s32 $0x500;
	[sflag:s21] =	ssyncadd.s32 $0xFFFFE000  }
0x110: {  	[tilespmem:s20], [sflag:$0x3] =	stream.indirect.gather [hbm4b:s4+s16], $0x40, s26, s16, $0xb8;
	[tilespmem:$0x17000] =	vst v63  }
0x111: {  	_ =	swait.ge [sflag:s29], $0x2000  }
0x112: {  	[sflag:s29] =	ssyncset.done $0x0  }
0x113: {  	s31 =	simm.s32 $0x2B80;
	s26 =	simm.s32 $0x800;
	[sflag:s29] =	ssyncadd.s32 $0xFFFFE000  }
.LBB2_3:
0x114: {  	[spmem:s2] =	stream.indirect.scatter.add.f32 [tilespmem:s22], [sflag:$0x8], $0x40, s31, s16, $0xb8;
	[tilespmem:$0x17000] =	vst v63  }
0x115: {  	s5 =	smov.u32 s26  }
0x116: {  	p2 =	seq.s32 s26, $0x8800;
	s26 =	sadd.s32 $0x800, s26;
	_ =	swait.ge [sflag:s0], $0x2000  }
0x117: {  	s31 =	sshra.s32 s5, $0x2;
	[sflag:s0] =	ssyncset.done $0x0  }
0x118: {  	s5 =	sadd.s32 $0x380, s31;
	[sflag:s0] =	ssyncadd.s32 $0xFFFFE000  }
0x119: {  	[tilespmem:s22], [sflag:$0x4] =	stream.indirect.gather [hbm4b:s4+s16], $0x40, s5, s16, $0xb8;
	[tilespmem:$0x17000] =	vst v63  }
0x11a: {  	_ =	swait.ge [sflag:s24], $0x2000  }
0x11b: {  	[sflag:s24] =	ssyncset.done $0x0  }
0x11c: {  	s5 =	sadd.s32 $0x2A00, s31;
	[sflag:s24] =	ssyncadd.s32 $0xFFFFE000  }
0x11d: {  	[spmem:s2] =	stream.indirect.scatter.add.f32 [tilespmem:s17], [sflag:$0x5], $0x40, s5, s16, $0xb8;
	[tilespmem:$0x17000] =	vst v63  }
0x11e: {  	_ =	swait.ge [sflag:s28], $0x2000  }
0x11f: {  	[sflag:s28] =	ssyncset.done $0x0  }
0x120: {  	s5 =	sadd.s32 $0x400, s31;
	[sflag:s28] =	ssyncadd.s32 $0xFFFFE000  }
0x121: {  	[tilespmem:s17], [sflag:$0x1] =	stream.indirect.gather [hbm4b:s4+s16], $0x40, s5, s16, $0xb8;
	[tilespmem:$0x17000] =	vst v63  }
0x122: {  	_ =	swait.ge [sflag:s30], $0x2000  }
0x123: {  	[sflag:s30] =	ssyncset.done $0x0  }
0x124: {  	s5 =	sadd.s32 $0x2A80, s31;
	[sflag:s30] =	ssyncadd.s32 $0xFFFFE000  }
0x125: {  	[spmem:s2] =	stream.indirect.scatter.add.f32 [tilespmem:s18], [sflag:$0x6], $0x40, s5, s16, $0xb8;
	[tilespmem:$0x17000] =	vst v63  }
0x126: {  	_ =	swait.ge [sflag:s1], $0x2000  }
0x127: {  	[sflag:s1] =	ssyncset.done $0x0  }
0x128: {  	s5 =	sadd.s32 $0x480, s31;
	[sflag:s1] =	ssyncadd.s32 $0xFFFFE000  }
0x129: {  	[tilespmem:s18], [sflag:$0x2] =	stream.indirect.gather [hbm4b:s4+s16], $0x40, s5, s16, $0xb8;
	[tilespmem:$0x17000] =	vst v63  }
0x12a: {  	_ =	swait.ge [sflag:s3], $0x2000  }
0x12b: {  	[sflag:s3] =	ssyncset.done $0x0  }
0x12c: {  	s5 =	sadd.s32 $0x2B00, s31;
	[sflag:s3] =	ssyncadd.s32 $0xFFFFE000  }
0x12d: {  	[spmem:s2] =	stream.indirect.scatter.add.f32 [tilespmem:s20], [sflag:$0x7], $0x40, s5, s16, $0xb8;
	[tilespmem:$0x17000] =	vst v63  }
0x12e: {  	_ =	swait.ge [sflag:s21], $0x2000  }
0x12f: {  	[sflag:s21] =	ssyncset.done $0x0  }
.Ltmp3:
0x130: {  	s5 =	sadd.s32 $0x500, s31;
	[sflag:s21] =	ssyncadd.s32 $0xFFFFE000;
	(pc) =	sbr.rel @!p2 .LBB2_3-.Ltmp3, $4  }
0x131: {  	[tilespmem:s20], [sflag:$0x3] =	stream.indirect.gather [hbm4b:s4+s16], $0x40, s5, s16, $0xb8;
	[tilespmem:$0x17000] =	vst v63  }
0x132: {  	_ =	swait.ge [sflag:s29], $0x2000  }
0x133: {  	[sflag:s29] =	ssyncset.done $0x0  }
0x134: {  	s31 =	sadd.s32 $0x2B80, s31;
	[sflag:s29] =	ssyncadd.s32 $0xFFFFE000  }
0x135: {  	[spmem:s2] =	stream.indirect.scatter.add.f32 [tilespmem:s22], [sflag:$0x8], $0x40, s31, s16, $0xb8;
	[tilespmem:$0x17000] =	vst v63  }
0x136: {  	_ =	swait.ge [sflag:s0], $0x2000  }
0x137: {  	[sflag:s0] =	ssyncset.done $0x0  }
0x138: {  	s5 =	simm.s32 $0x2780;
	[sflag:s0] =	ssyncadd.s32 $0xFFFFE000  }
0x139: {  	[tilespmem:s22], [sflag:$0x4] =	stream.indirect.gather [hbm4b:s4+s16], $0x40, s5, s16, $0xb8;
	[tilespmem:$0x17000] =	vst v63  }
0x13a: {  	_ =	swait.ge [sflag:s24], $0x2000  }
0x13b: {  	[sflag:s24] =	ssyncset.done $0x0  }
0x13c: {  	s26 =	simm.s32 $0x4E00;
	[sflag:s24] =	ssyncadd.s32 $0xFFFFE000  }
0x13d: {  	[spmem:s2] =	stream.indirect.scatter.add.f32 [tilespmem:s17], [sflag:$0x5], $0x40, s26, s16, $0xb8;
	[tilespmem:$0x17000] =	vst v63  }
0x13e: {  	_ =	swait.ge [sflag:s30], $0x2000  }
0x13f: {  	[sflag:s30] =	ssyncset.done $0x0  }
0x140: {  	s31 =	simm.s32 $0x4E80;
	[sflag:s30] =	ssyncadd.s32 $0xFFFFE000  }
0x141: {  	[spmem:s2] =	stream.indirect.scatter.add.f32 [tilespmem:s18], [sflag:$0x6], $0x40, s31, s16, $0xb8;
	[tilespmem:$0x17000] =	vst v63  }
0x142: {  	_ =	swait.ge [sflag:s3], $0x2000  }
0x143: {  	[sflag:s3] =	ssyncset.done $0x0  }
0x144: {  	s26 =	simm.s32 $0x4F00;
	[sflag:s3] =	ssyncadd.s32 $0xFFFFE000  }
0x145: {  	[spmem:s2] =	stream.indirect.scatter.add.f32 [tilespmem:s20], [sflag:$0x7], $0x40, s26, s16, $0xb8;
	[tilespmem:$0x17000] =	vst v63  }
.Ltmp4:
0x146: {  	_ = 	snop;
	(pc) =	sbr.rel .LBB2_5-.Ltmp4, $4  }
0x147: {  	_ =	swait.ge [sflag:s29], $0x2000  }
0x148: {  	[sflag:s29] =	ssyncset.done $0x0  }
0x149: {  	s31 =	simm.s32 $0x4F80;
	[sflag:s29] =	ssyncadd.s32 $0xFFFFE000  }
0x14a: {  	[spmem:s2] =	stream.indirect.scatter.add.f32 [tilespmem:s22], [sflag:$0x8], $0x40, s31, s16, $0xb8;
	[tilespmem:$0x17000] =	vst v63  }
.LBB2_6:
0x14b: {  	_ =	sfence.sel $0x180000  }
0x14c: {  	[bflag:$0x0] =	sbarrier.arrive $0xFFFF  }
0x14d: {  	_ =	strace $0x9000004A  }
0x14e: {  	s0 =	stileid.u32;
	[bflag:$0x2] =	sbarrier.arrive $0xFFFF  }
0x14f: {  	p0 =	sne.s32 s0, $0x0;
	s0 =	rddreg [dreg:$0x2]  }
0x150: {  	s0 =	sadd.s32 @!p0 $0x100000, s0  }
0x151: {  	[sflag:s0] =	ssyncadd.tile.s32 @!p0 $0x1;
	_ =	shalt  }
.Lfunc_end2:
_tile_overlayer_lowered:
.L_overlay_start_2:
0x152: {  	(tag) =	ssettag $0x2  }
0x153: {  	s0 =	rddreg [dreg:$0x0];
	s2 =	stileid.u32  }
0x154: {  	s1 =	rddreg [dreg:$0x1];
	p0 =	sne.s32 s2, $0x0  }
0x155: {  	s3 =	rddreg [dreg:$0x2];
	[bflag:$0x3] =	sbarrier.arrive $0xFFFF;
	s2 =	simm.s32 @!p0 $0x1C09  }
0x156: {  	[timem:s3], [sflag:s2] =	dma.local @!p0 [hbm:s0], s1  }
0x157: {  	s0 =	simm.s32 @!p0 $0x9  }
0x158: {  	_ =	swait.ge @!p0 [sflag:s0], s1  }
0x159: {  	s1 =	ssub.s32 @!p0 $0x0, s1;
	[sflag:s0] =	ssyncset.done @!p0 $0x0  }
0x15a: {  	[sflag:s0] =	ssyncadd.s32 @!p0 s1  }
0x15b: {  	[bflag:$0x3] =	sbarrier.arrive $0xFFFF  }
0x15c: {  	_ =	shalt  }

// kernel: kernel.14.cloned.1.call-start
scs
__scs_entry_jumppad:
0x0: {  	(pc) =	sbr.rel $0x88, $3  }
0x1: {  	(tag) =	ssettag $0x0;
	lr =	simm.s32 $0x1  }
0x2: {  	[smem:$0x3F99] =	sst lr;
	_ =	strace $0xD0000000  }
0x3: {  	_ = 	snop  }
0x4: {  	_ = 	snop  }
0x5: {  	_ = 	snop  }
0x6: {  	_ = 	snop  }
0x7: {  	_ = 	snop  }
__scs_overlays_trampoline_lowered:
0x8: {  	[smem:$0x3FA8] =	sst s0  }
0x9: {  	[smem:$0x3FA9] =	sst s1  }
0xa: {  	[smem:$0x3FAA] =	sst s2  }
0xb: {  	[smem:$0x3FAB] =	sst s3  }
0xc: {  	[smem:$0x3FAC] =	sst s4  }
0xd: {  	[smem:$0x3FAD] =	sst s5  }
0xe: {  	[smem:$0x3FAE] =	sst s6  }
0xf: {  	[smem:$0x3FAF] =	sst s7  }
0x10: {  	[smem:$0x3FB0] =	sst s8  }
0x11: {  	[smem:$0x3FB1] =	sst s9;
	s0 =	simm.s32 @!p0 $0x0  }
0x12: {  	s1 =	sld [smem:$0x3F97];
	s0 =	simm.s32 @p0 $0x1  }
0x13: {  	[smem:$0x3FB2] =	sst s0;
	s0 =	simm.s32 @!p1 $0x0  }
0x14: {  	s2 =	sld [smem:$0x3F96];
	s0 =	simm.s32 @p1 $0x1  }
0x15: {  	[smem:$0x3FB3] =	sst s0;
	s0 =	simm.s32 @!p2 $0x0  }
0x16: {  	s3 =	sld [smem:$0x3FDB];
	s0 =	simm.s32 @p2 $0x1  }
0x17: {  	s4 =	simm.s32 $0x1BF5;
	[smem:$0x3FB5] =	sst s0  }
0x18: {  	s0 =	sld [smem:$0x3F98];
	_ =	swait.ge [sflag:s4], $0x0  }
0x19: {  	s7 =	sld [smem:$0x3F99]  }
0x1a: {  	s8 =	sadd.s32 $0xFFFFE003, lr  }
0x1b: {  	s9 =	sadd.s32 $0xFFFFFEF7, lr;
	s5 =	simm.s32 $0xFFFFFFFF;
	p2 =	slt.u32 s8, $0xFFFFF086  }
0x1c: {  	p1 =	slt.u32 s9, $0xF7A;
	s5 =	simm.s32 @!p2 $0x0  }
0x1d: {  	s5 =	simm.s32 @p1 $0x1;
	p0 =	seq.s32 s7, s2  }
0x1e: {  	s7 =	smul.u32 @!p0 $0xF7A, s2;
	p2 =	seq.s32 @!p0 s5, $0x0  }
0x1f: {  	s9 =	smul.u32 $0xF7A, s1;
	s8 =	simm.s32 @!p0 $0x1BF5;
	p2 =	por !p2, p0  }
0x20: {  	[sflag:s8] =	ssyncset.s32 @!p0 $0xFFFFF086;
	s6 =	sadd.s32 @!p0 s3, s7;
	s7 =	simm.s32 @!p0 $0x108  }
0x21: {  	s3 =	sadd.s32 s3, s9;
	s6 =	sadd.s32 @!p0 $0x88, s6;
	s7 =	simm.s32 @p2 $0x1082  }
0x22: {  	[simem:s7], [sflag:s8] =	dma.local @!p0 [hbm:s6], $0xF7A  }
0x23: {  	s9 =	sor.u32 $0xD0000000, s2;
	s6 =	simm.s32 $0x108;
	_ =	swait.ge @!p0 [sflag:s8], $0x0  }
0x24: {  	s3 =	sadd.s32 $0x88, s3;
	s6 =	simm.s32 @!p1 $0x1082;
	[sflag:s4] =	ssyncset.s32 $0xFFFFF086  }
0x25: {  	[simem:s6], [sflag:s4] =	dma.local [hbm:s3], $0xF7A  }
0x26: {  	[smem:$0x3F99] =	sst s1;
	(tag) =	ssettag s2;
	_ =	strace s9  }
0x27: {  	s1 =	sld [smem:$0x3FA9]  }
0x28: {  	s2 =	sld [smem:$0x3FAA]  }
0x29: {  	s4 =	sld [smem:$0x3FAC]  }
0x2a: {  	p0 =	seq.s32 s5, $0x0;
	s5 =	sld [smem:$0x3FAD]  }
0x2b: {  	s6 =	sld [smem:$0x3FAE]  }
0x2c: {  	s7 =	sld [smem:$0x3FAF]  }
0x2d: {  	s3 =	simm.s32 $0x108;
	s8 =	sld [smem:$0x3FB0]  }
0x2e: {  	s3 =	simm.s32 @!p0 $0x1082;
	s9 =	sld [smem:$0x3FB1]  }
0x2f: {  	lr =	sadd.s32 s0, s3;
	s0 =	sld [smem:$0x3FA8]  }
0x30: {  	s3 =	sld [smem:$0x3FAB]  }
0x31: {  	[smem:$0x3FB4] =	sst s10  }
0x32: {  	s10 =	sld [smem:$0x3FB2];
	_ =	sdelay $0x3  }
0x33: {  	p0 =	seq.s32 s10, $0x1;
	s10 =	sld [smem:$0x3FB4];
	_ =	sdelay $0x3  }
0x34: {  	[smem:$0x3FB4] =	sst s10  }
0x35: {  	s10 =	sld [smem:$0x3FB3];
	_ =	sdelay $0x3  }
0x36: {  	p1 =	seq.s32 s10, $0x1;
	s10 =	sld [smem:$0x3FB4];
	_ =	sdelay $0x3  }
0x37: {  	[smem:$0x3FB4] =	sst s10  }
0x38: {  	s10 =	sld [smem:$0x3FB5]  }
0x39: {  	_ = 	snop;
	(pc) =	sbr.ind lr, $3  }
0x3a: {  	_ = 	snop  }
0x3b: {  	_ = 	snop  }
0x3c: {  	p2 =	seq.s32 s10, $0x1;
	s10 =	sld [smem:$0x3FB4]  }
0x3d: {  	_ =	shalt  }
0x3e: {  	_ =	shalt  }
0x3f: {  	_ =	shalt  }
0x40: {  	_ =	shalt  }
0x41: {  	_ =	shalt  }
0x42: {  	_ =	shalt  }
0x43: {  	_ =	shalt  }
0x44: {  	_ =	shalt  }
0x45: {  	_ =	shalt  }
0x46: {  	_ =	shalt  }
0x47: {  	_ =	shalt  }
0x48: {  	_ =	shalt  }
0x49: {  	_ =	shalt  }
0x4a: {  	_ =	shalt  }
0x4b: {  	_ =	shalt  }
0x4c: {  	_ =	shalt  }
0x4d: {  	_ =	shalt  }
0x4e: {  	_ =	shalt  }
0x4f: {  	_ =	shalt  }
0x50: {  	_ =	shalt  }
0x51: {  	_ =	shalt  }
0x52: {  	_ =	shalt  }
0x53: {  	_ =	shalt  }
0x54: {  	_ =	shalt  }
0x55: {  	_ =	shalt  }
0x56: {  	_ =	shalt  }
0x57: {  	_ =	shalt  }
0x58: {  	_ =	shalt  }
0x59: {  	_ =	shalt  }
0x5a: {  	_ =	shalt  }
0x5b: {  	_ =	shalt  }
0x5c: {  	_ =	shalt  }
0x5d: {  	_ =	shalt  }
0x5e: {  	_ =	shalt  }
0x5f: {  	_ =	shalt  }
0x60: {  	_ =	shalt  }
0x61: {  	_ =	shalt  }
0x62: {  	_ =	shalt  }
0x63: {  	_ =	shalt  }
0x64: {  	_ =	shalt  }
0x65: {  	_ =	shalt  }
0x66: {  	_ =	shalt  }
0x67: {  	_ =	shalt  }
0x68: {  	_ =	shalt  }
0x69: {  	_ =	shalt  }
0x6a: {  	_ =	shalt  }
0x6b: {  	_ =	shalt  }
0x6c: {  	_ =	shalt  }
0x6d: {  	_ =	shalt  }
0x6e: {  	_ =	shalt  }
0x6f: {  	_ =	shalt  }
0x70: {  	_ =	shalt  }
0x71: {  	_ =	shalt  }
0x72: {  	_ =	shalt  }
0x73: {  	_ =	shalt  }
0x74: {  	_ =	shalt  }
0x75: {  	_ =	shalt  }
0x76: {  	_ =	shalt  }
0x77: {  	_ =	shalt  }
0x78: {  	_ =	shalt  }
0x79: {  	_ =	shalt  }
0x7a: {  	_ =	shalt  }
0x7b: {  	_ =	shalt  }
0x7c: {  	_ =	shalt  }
0x7d: {  	_ =	shalt  }
0x7e: {  	_ =	shalt  }
0x7f: {  	_ =	shalt  }
0x80: {  	_ =	shalt  }
0x81: {  	_ =	shalt  }
0x82: {  	_ =	shalt  }
0x83: {  	_ =	shalt  }
0x84: {  	_ =	shalt  }
0x85: {  	_ =	shalt  }
0x86: {  	_ =	shalt  }
0x87: {  	_ =	shalt  }
.Lfunc_end0:
.L_simem_size_0:
called_computation.2_lowered:
.L_overlay_start_0:
0x88: {  	s2 =	sld [smem:$0x3FD9]  }
0x89: {  	s3 =	sld [smem:$0x3FFE];
	_ =	sdelay $0x1  }
0x8a: {  	s1 =	srdreg.scid  }
0x8b: {  	s0 =	sand.u32 $0x1, s1  }
0x8c: {  	s16 =	sshll.u32 s0, $0xA;
	s2 =	sadd.s32 s3, s2  }
0x8d: {  	s2 =	sadd.s32 s2, s16  }
0x8e: {  	[smem:$0x3FC0] =	sst s2  }
0x8f: {  	_ = 	snop  }
0x90: {  	(tm) =	ssettm $0x1  }
0x91: {  	s17 =	sld [smem:$0x3FFB];
	_ =	sdelay $0x3  }
0x92: {  	_ =	strace s17  }
0x93: {  	s2 =	sld [smem:$0x3FFC];
	_ =	sdelay $0x3  }
0x94: {  	_ =	strace s2  }
0x95: {  	s2 =	sld [smem:$0x3FFD];
	_ =	sdelay $0x3  }
0x96: {  	_ =	strace s2  }
0x97: {  	_ =	strace $0x8FFFFFFF  }
0x98: {  	s18 =	sld [smem:$0x3FDB];
	_ =	sdelay $0x1  }
0x99: {  	s19 =	simm.s32 $_scs_section_size  }
0x9a: {  	s4 =	simm.s32 $_size__tile_overlayer_lowered;
	s5 =	simm.s32 $_tile_overlayer_lowered  }
0x9b: {  	s22 =	simm.s32 $0x1BFF;
	s21 =	sshll.u32 s5, $0x1;
	s2 =	sadd.s32 s19, s18  }
0x9c: {  	s6 =	simm.s32 $0x0;
	s20 =	sshll.u32 s4, $0x1;
	s4 =	sadd.s32 s21, s2  }
0x9d: {  	[timem:s6], [sflag:s22] =	dma.local [hbm:s4], s20  }
0x9e: {  	_ =	swait.ge [sflag:s22], s20  }
0x9f: {  	s3 =	ssub.s32 $0x0, s20;
	[sflag:s22] =	ssyncset.done $0x0  }
0xa0: {  	[sflag:s22] =	ssyncadd.s32 s3;
	_ =	sdelay $0x1  }
0xa1: {  	s23 =	simm.s32 $0x1B8B  }
0xa2: {  	_ =	swait.ge [sflag:s23], $0x1  }
0xa3: {  	[sflag:s23] =	ssyncset.done $0x0  }
0xa4: {  	s25 =	simm.s32 $0x1B8E;
	s24 =	sld [smem:$0x3FFE];
	[sflag:s23] =	ssyncadd.s32 $0xFFFFFFFF  }
0xa5: {  	s26 =	simm.s32 $execute0_lowered;
	[smem:$0x3FD2] =	sst s25  }
0xa6: {  	s4 =	sshll.u32 s26, $0x1;
	_ =	strace $0x8000004C;
	[dreg:$0x1] =	wrdreg $0xFFFFFFFF  }
0xa7: {  	s28 =	simm.s32 $_size_execute0_lowered;
	s2 =	sadd.s32 s2, s4;
	[dreg:$0x0] =	wrdreg $0x0  }
0xa8: {  	s4 =	sshll.u32 s28, $0x1;
	[dreg:$0x2] =	wrdreg s2  }
0xa9: {  	[dreg:$0x3] =	wrdreg s4  }
0xaa: {  	[dreg:$0x4] =	wrdreg $0xC0  }
0xab: {  	_ =	task [dreg:s6], $0x5FFFF  }
0xac: {  	[dreg:$0x1] =	wrdreg $0xFFFFFFFF  }
0xad: {  	[dreg:$0x0] =	wrdreg $0x60  }
0xae: {  	[dreg:$0x2] =	wrdreg s24  }
0xaf: {  	[dreg:$0x3] =	wrdreg $0xD0000  }
0xb0: {  	[dreg:$0x4] =	wrdreg $0x9  }
0xb1: {  	_ =	task.clear_ibuf [dreg:s6], $0x5FFFF;
	_ =	strace $0x9000004C  }
0xb2: {  	s29 =	simm.s32 $0x9;
	_ =	strace $0x8000004E  }
0xb3: {  	_ =	swait.ge [sflag:s29], $0x1  }
0xb4: {  	[sflag:s29] =	ssyncadd.s32 $0xFFFFFFFF  }
0xb5: {  	_ =	strace $0x9000004E  }
0xb6: {  	_ =	sfence  }
0xb7: {  	s30 =	sld [smem:$0x0];
	_ =	sdelay $0x2  }
0xb8: {  	s31 =	sshll.u32 s1, $0xD;
	s1 =	sshrl.u32 s1, $0x2  }
0xb9: {  	s3 =	sand.u32 $0x4000, s31;
	s1 =	sadd.s32 s1, s30  }
0xba: {  	s0 =	sor.u32 s3, s0;
	s1 =	sshll.u32 s1, $0x11  }
0xbb: {  	s0 =	sor.u32 s1, s0  }
0xbc: {  	s0 =	sadd.s32 $0x8F2B, s0  }
0xbd: {  	[sflag:s0] =	ssyncadd.remote.s32 $0x1  }
0xbe: {  	_ =	sfence.sel $0xFFFF  }
0xbf: {  	[dreg:$0x0] =	wrdreg $0xFFFFFFFF;
	(pc) =	sbr.abs _section_cstart, $3  }
0xc0: {  	[dreg:$0x1] =	wrdreg $0xFFFFFFFF  }
0xc1: {  	_ =	task.clear_ibuf [dreg:s6], $0x2FFFF;
	_ =	strace $0x9FFFFFFF  }
0xc2: {  	(tm) =	ssettm $0x7FFFFFFF  }
0xc3: {  	_ =	shalt  }
tec
execute0_lowered:
.L_overlay_start_1:
0x0: {  	(tag) =	ssettag $0x1  }
0x1: {  	s0 =	rddreg [dreg:$0x0];
	s1 =	srdreg.scid  }
0x2: {  	s14 =	stileid.u32;
	s2 =	rddreg [dreg:$0x1]  }
0x3: {  	s4 =	simm.s32 $0x0;
	s16 =	simm.s32 $0x80;
	s17 =	simm.s32 $0x5000  }
0x4: {  	s18 =	simm.s32 $0x7000;
	s20 =	simm.s32 $0x9000;
	s22 =	simm.s32 $0xB000  }
0x5: {  	s28 =	simm.s32 $0x5;
	s30 =	simm.s32 $0x2;
	s29 =	simm.s32 $0x4  }
0x6: {  	s1 =	sand.u32 $0x1, s1;
	s3 =	sshll.u32 s14, $0x1;
	[smem:$0x7FF] =	sst s4  }
0x7: {  	s4 =	sadd.s32 $0x14E00, s0;
	s9 =	smul.u32 $0x9840, s14;
	s8 =	sadd.s32 $0x14B00, s0  }
0x8: {  	s12 =	smul.u32 $0xA000, s14;
	s15 =	sadd.s32 $0x98400, s2;
	p1 =	sne.s32 s14, $0xF  }
0x9: {  	s31 =	sshll.u32 s14, $0x6;
	s14 =	simm.s32 $0x9;
	s3 =	sor.u32 s1, s3  }
0xa: {  	_ =	strace $0x8000004D;
	s6 =	smul.u32 $0x14000, s1;
	s1 =	ssub.s32 $0x2, s1  }
0xb: {  	s15 =	sshrl.u32 @!p1 s15, $0x3;
	s5 =	smul.u32 $0x500, s3;
	s24 =	sshrl.u32 s1, $0x1  }
0xc: {  	s10 =	sshrl.u32 s9, $0x3;
	s13 =	sadd.s32 s9, s2;
	s19 =	sshrl.u32 s12, $0x3  }
0xd: {  	s21 =	sadd.s32 s12, s2;
	p0 =	seq.s32 s3, $0x1F;
	s12 =	sor.u32 $0x1C09, s31  }
0xe: {  	s3 =	simm.s32 $0x3;
	s11 =	sadd.s32 s6, s0;
	s1 =	ssub.s32 s1, s24  }
0xf: {  	s9 =	sadd.s32 s4, s10;
	s10 =	sadd.s32 $0x27E80, s0;
	s13 =	sshrl.u32 s13, $0x3  }
.Ltmp0:
0x10: {  	s24 =	simm.s32 $0x1;
	s7 =	sadd.s32 s5, s0;
	(pc) =	sbr.rel .LBB2_1-.Ltmp0, $4  }
0x11: {  	s26 =	sadd.s32 $0x28800, s11;
	s11 =	smax.u32 s1, $0x1;
	s1 =	simm.s32 $0x6  }
0x12: {  	s25 =	sadd.s32 $0x1200, s7;
	s6 =	sadd.s32 $0xB000, s7;
	s7 =	sadd.s32 $0xAD00, s0  }
0x13: {  	s23 =	sadd.s32 s19, s26;
	s0 =	simm.s32 $0x8;
	s19 =	simm.s32 $0x0  }
0x14: {  	[dreg:$0x3] =	wrdreg s25;
	s25 =	sshrl.u32 s21, $0x3;
	s21 =	simm.s32 $0x7  }
.LBB2_7:
0x15: {  	[tilespmem:s22], [sflag:$0x4] =	stream.indirect.gather [hbm4b:s4+s16], $0x40, s5, s16, $0xb8;
	[tilespmem:$0x17000] =	vst v63  }
0x16: {  	_ =	swait.ge [sflag:s24], $0x2000  }
0x17: {  	[sflag:s24] =	ssyncset.done $0x0  }
0x18: {  	s26 =	simm.s32 $0x2800;
	[sflag:s24] =	ssyncadd.s32 $0xFFFFE000  }
0x19: {  	[spmem:s2] =	stream.indirect.scatter.add.f32 [tilespmem:s17], [sflag:$0x5], $0x40, s26, s16, $0xb8;
	[tilespmem:$0x17000] =	vst v63  }
0x1a: {  	_ =	swait.ge [sflag:s28], $0x2000  }
0x1b: {  	[sflag:s28] =	ssyncset.done $0x0  }
0x1c: {  	s31 =	simm.s32 $0x200;
	[sflag:s28] =	ssyncadd.s32 $0xFFFFE000  }
0x1d: {  	[tilespmem:s17], [sflag:$0x1] =	stream.indirect.gather [hbm4b:s4+s16], $0x40, s31, s16, $0xb8;
	[tilespmem:$0x17000] =	vst v63  }
0x1e: {  	_ =	swait.ge [sflag:s30], $0x2000  }
0x1f: {  	[sflag:s30] =	ssyncset.done $0x0  }
0x20: {  	s26 =	simm.s32 $0x2880;
	[sflag:s30] =	ssyncadd.s32 $0xFFFFE000  }
0x21: {  	[spmem:s2] =	stream.indirect.scatter.add.f32 [tilespmem:s18], [sflag:$0x6], $0x40, s26, s16, $0xb8;
	[tilespmem:$0x17000] =	vst v63  }
0x22: {  	_ =	swait.ge [sflag:s1], $0x2000  }
0x23: {  	[sflag:s1] =	ssyncset.done $0x0  }
0x24: {  	s31 =	simm.s32 $0x280;
	[sflag:s1] =	ssyncadd.s32 $0xFFFFE000  }
0x25: {  	[tilespmem:s18], [sflag:$0x2] =	stream.indirect.gather [hbm4b:s4+s16], $0x40, s31, s16, $0xb8;
	[tilespmem:$0x17000] =	vst v63  }
0x26: {  	_ =	swait.ge [sflag:s3], $0x2000  }
0x27: {  	[sflag:s3] =	ssyncset.done $0x0  }
0x28: {  	s26 =	simm.s32 $0x2900;
	[sflag:s3] =	ssyncadd.s32 $0xFFFFE000  }
0x29: {  	[spmem:s2] =	stream.indirect.scatter.add.f32 [tilespmem:s20], [sflag:$0x7], $0x40, s26, s16, $0xb8;
	[tilespmem:$0x17000] =	vst v63  }
0x2a: {  	_ =	swait.ge [sflag:s21], $0x2000  }
0x2b: {  	[sflag:s21] =	ssyncset.done $0x0  }
0x2c: {  	s31 =	simm.s32 $0x300;
	[sflag:s21] =	ssyncadd.s32 $0xFFFFE000  }
0x2d: {  	[tilespmem:s20], [sflag:$0x3] =	stream.indirect.gather [hbm4b:s4+s16], $0x40, s31, s16, $0xb8;
	[tilespmem:$0x17000] =	vst v63  }
0x2e: {  	_ =	swait.ge [sflag:s29], $0x2000  }
0x2f: {  	[sflag:s29] =	ssyncset.done $0x0  }
0x30: {  	s26 =	simm.s32 $0x2980;
	[sflag:s29] =	ssyncadd.s32 $0xFFFFE000  }
0x31: {  	[spmem:s2] =	stream.indirect.scatter.add.f32 [tilespmem:s22], [sflag:$0x8], $0x40, s26, s16, $0xb8;
	[tilespmem:$0x17000] =	vst v63  }
0x32: {  	_ =	swait.ge [sflag:s0], $0x2000  }
0x33: {  	[sflag:s0] =	ssyncset.done $0x0  }
0x34: {  	s31 =	simm.s32 $0x380;
	[sflag:s0] =	ssyncadd.s32 $0xFFFFE000  }
0x35: {  	[tilespmem:s22], [sflag:$0x4] =	stream.indirect.gather [hbm4b:s4+s16], $0x40, s31, s16, $0xb8;
	[tilespmem:$0x17000] =	vst v63  }
0x36: {  	_ =	swait.ge [sflag:s24], $0x2000  }
0x37: {  	[sflag:s24] =	ssyncset.done $0x0  }
0x38: {  	s26 =	simm.s32 $0x2A00;
	[sflag:s24] =	ssyncadd.s32 $0xFFFFE000  }
0x39: {  	[spmem:s2] =	stream.indirect.scatter.add.f32 [tilespmem:s17], [sflag:$0x5], $0x40, s26, s16, $0xb8;
	[tilespmem:$0x17000] =	vst v63  }
0x3a: {  	_ =	swait.ge [sflag:s28], $0x2000  }
0x3b: {  	[sflag:s28] =	ssyncset.done $0x0  }
0x3c: {  	s31 =	simm.s32 $0x400;
	[sflag:s28] =	ssyncadd.s32 $0xFFFFE000  }
0x3d: {  	[tilespmem:s17], [sflag:$0x1] =	stream.indirect.gather [hbm4b:s4+s16], $0x40, s31, s16, $0xb8;
	[tilespmem:$0x17000] =	vst v63  }
0x3e: {  	_ =	swait.ge [sflag:s30], $0x2000  }
0x3f: {  	[sflag:s30] =	ssyncset.done $0x0  }
0x40: {  	s26 =	simm.s32 $0x2A80;
	[sflag:s30] =	ssyncadd.s32 $0xFFFFE000  }
0x41: {  	[spmem:s2] =	stream.indirect.scatter.add.f32 [tilespmem:s18], [sflag:$0x6], $0x40, s26, s16, $0xb8;
	[tilespmem:$0x17000] =	vst v63  }
0x42: {  	_ =	swait.ge [sflag:s1], $0x2000  }
0x43: {  	[sflag:s1] =	ssyncset.done $0x0  }
0x44: {  	s31 =	simm.s32 $0x480;
	[sflag:s1] =	ssyncadd.s32 $0xFFFFE000  }
0x45: {  	[tilespmem:s18], [sflag:$0x2] =	stream.indirect.gather [hbm4b:s4+s16], $0x40, s31, s16, $0xb8;
	[tilespmem:$0x17000] =	vst v63  }
0x46: {  	_ =	swait.ge [sflag:s3], $0x2000  }
0x47: {  	[sflag:s3] =	ssyncset.done $0x0  }
0x48: {  	s26 =	simm.s32 $0x2B00;
	[sflag:s3] =	ssyncadd.s32 $0xFFFFE000  }
0x49: {  	[spmem:s2] =	stream.indirect.scatter.add.f32 [tilespmem:s20], [sflag:$0x7], $0x40, s26, s16, $0xb8;
	[tilespmem:$0x17000] =	vst v63  }
0x4a: {  	_ =	swait.ge [sflag:s21], $0x2000  }
0x4b: {  	[sflag:s21] =	ssyncset.done $0x0  }
0x4c: {  	s31 =	simm.s32 $0x500;
	[sflag:s21] =	ssyncadd.s32 $0xFFFFE000  }
0x4d: {  	[tilespmem:s20], [sflag:$0x3] =	stream.indirect.gather [hbm4b:s4+s16], $0x40, s31, s16, $0xb8;
	[tilespmem:$0x17000] =	vst v63  }
0x4e: {  	_ =	swait.ge [sflag:s29], $0x2000  }
0x4f: {  	[sflag:s29] =	ssyncset.done $0x0  }
0x50: {  	s26 =	simm.s32 $0x2B80;
	[sflag:s29] =	ssyncadd.s32 $0xFFFFE000  }
0x51: {  	[spmem:s2] =	stream.indirect.scatter.add.f32 [tilespmem:s22], [sflag:$0x8], $0x40, s26, s16, $0xb8;
	[tilespmem:$0x17000] =	vst v63  }
0x52: {  	_ =	swait.ge [sflag:s0], $0x2000  }
0x53: {  	[sflag:s0] =	ssyncset.done $0x0  }
0x54: {  	s31 =	simm.s32 $0x580;
	[sflag:s0] =	ssyncadd.s32 $0xFFFFE000  }
0x55: {  	[tilespmem:s22], [sflag:$0x4] =	stream.indirect.gather [hbm4b:s4+s16], $0x40, s31, s16, $0xb8;
	[tilespmem:$0x17000] =	vst v63  }
0x56: {  	_ =	swait.ge [sflag:s24], $0x2000  }
0x57: {  	[sflag:s24] =	ssyncset.done $0x0  }
0x58: {  	s26 =	simm.s32 $0x2C00;
	[sflag:s24] =	ssyncadd.s32 $0xFFFFE000  }
0x59: {  	[spmem:s2] =	stream.indirect.scatter.add.f32 [tilespmem:s17], [sflag:$0x5], $0x40, s26, s16, $0xb8;
	[tilespmem:$0x17000] =	vst v63  }
0x5a: {  	_ =	swait.ge [sflag:s28], $0x2000  }
0x5b: {  	[sflag:s28] =	ssyncset.done $0x0  }
0x5c: {  	s31 =	simm.s32 $0x600;
	[sflag:s28] =	ssyncadd.s32 $0xFFFFE000  }
0x5d: {  	[tilespmem:s17], [sflag:$0x1] =	stream.indirect.gather [hbm4b:s4+s16], $0x40, s31, s16, $0xb8;
	[tilespmem:$0x17000] =	vst v63  }
0x5e: {  	_ =	swait.ge [sflag:s30], $0x2000  }
0x5f: {  	[sflag:s30] =	ssyncset.done $0x0  }
0x60: {  	s26 =	simm.s32 $0x2C80;
	[sflag:s30] =	ssyncadd.s32 $0xFFFFE000  }
0x61: {  	[spmem:s2] =	stream.indirect.scatter.add.f32 [tilespmem:s18], [sflag:$0x6], $0x40, s26, s16, $0xb8;
	[tilespmem:$0x17000] =	vst v63  }
0x62: {  	_ =	swait.ge [sflag:s1], $0x2000  }
0x63: {  	[sflag:s1] =	ssyncset.done $0x0  }
0x64: {  	s31 =	simm.s32 $0x680;
	[sflag:s1] =	ssyncadd.s32 $0xFFFFE000  }
0x65: {  	[tilespmem:s18], [sflag:$0x2] =	stream.indirect.gather [hbm4b:s4+s16], $0x40, s31, s16, $0xb8;
	[tilespmem:$0x17000] =	vst v63  }
0x66: {  	_ =	swait.ge [sflag:s3], $0x2000  }
0x67: {  	[sflag:s3] =	ssyncset.done $0x0  }
0x68: {  	s26 =	simm.s32 $0x2D00;
	[sflag:s3] =	ssyncadd.s32 $0xFFFFE000  }
0x69: {  	[spmem:s2] =	stream.indirect.scatter.add.f32 [tilespmem:s20], [sflag:$0x7], $0x40, s26, s16, $0xb8;
	[tilespmem:$0x17000] =	vst v63  }
0x6a: {  	_ =	swait.ge [sflag:s21], $0x2000  }
0x6b: {  	[sflag:s21] =	ssyncset.done $0x0  }
0x6c: {  	s31 =	simm.s32 $0x700;
	[sflag:s21] =	ssyncadd.s32 $0xFFFFE000  }
0x6d: {  	[tilespmem:s20], [sflag:$0x3] =	stream.indirect.gather [hbm4b:s4+s16], $0x40, s31, s16, $0xb8;
	[tilespmem:$0x17000] =	vst v63  }
0x6e: {  	_ =	swait.ge [sflag:s29], $0x2000  }
0x6f: {  	[sflag:s29] =	ssyncset.done $0x0  }
0x70: {  	s26 =	simm.s32 $0x2D80;
	[sflag:s29] =	ssyncadd.s32 $0xFFFFE000  }
0x71: {  	[spmem:s2] =	stream.indirect.scatter.add.f32 [tilespmem:s22], [sflag:$0x8], $0x40, s26, s16, $0xb8;
	[tilespmem:$0x17000] =	vst v63  }
0x72: {  	_ =	swait.ge [sflag:s0], $0x2000  }
0x73: {  	[sflag:s0] =	ssyncset.done $0x0  }
0x74: {  	s31 =	simm.s32 $0x780;
	[sflag:s0] =	ssyncadd.s32 $0xFFFFE000  }
0x75: {  	[tilespmem:s22], [sflag:$0x4] =	stream.indirect.gather [hbm4b:s4+s16], $0x40, s31, s16, $0xb8;
	[tilespmem:$0x17000] =	vst v63  }
0x76: {  	_ =	swait.ge [sflag:s24], $0x2000  }
0x77: {  	[sflag:s24] =	ssyncset.done $0x0  }
0x78: {  	s26 =	simm.s32 $0x2E00;
	[sflag:s24] =	ssyncadd.s32 $0xFFFFE000  }
0x79: {  	[spmem:s2] =	stream.indirect.scatter.add.f32 [tilespmem:s17], [sflag:$0x5], $0x40, s26, s16, $0xb8;
	[tilespmem:$0x17000] =	vst v63  }
0x7a: {  	_ =	swait.ge [sflag:s28], $0x2000  }
0x7b: {  	[sflag:s28] =	ssyncset.done $0x0  }
0x7c: {  	s31 =	simm.s32 $0x800;
	[sflag:s28] =	ssyncadd.s32 $0xFFFFE000  }
0x7d: {  	[tilespmem:s17], [sflag:$0x1] =	stream.indirect.gather [hbm4b:s4+s16], $0x40, s31, s16, $0xb8;
	[tilespmem:$0x17000] =	vst v63  }
0x7e: {  	_ =	swait.ge [sflag:s30], $0x2000  }
0x7f: {  	[sflag:s30] =	ssyncset.done $0x0  }
0x80: {  	s26 =	simm.s32 $0x2E80;
	[sflag:s30] =	ssyncadd.s32 $0xFFFFE000  }
0x81: {  	[spmem:s2] =	stream.indirect.scatter.add.f32 [tilespmem:s18], [sflag:$0x6], $0x40, s26, s16, $0xb8;
	[tilespmem:$0x17000] =	vst v63  }
0x82: {  	_ =	swait.ge [sflag:s1], $0x2000  }
0x83: {  	[sflag:s1] =	ssyncset.done $0x0  }
0x84: {  	s31 =	simm.s32 $0x880;
	[sflag:s1] =	ssyncadd.s32 $0xFFFFE000  }
0x85: {  	[tilespmem:s18], [sflag:$0x2] =	stream.indirect.gather [hbm4b:s4+s16], $0x40, s31, s16, $0xb8;
	[tilespmem:$0x17000] =	vst v63  }
0x86: {  	_ =	swait.ge [sflag:s3], $0x2000  }
0x87: {  	[sflag:s3] =	ssyncset.done $0x0  }
0x88: {  	s26 =	simm.s32 $0x2F00;
	[sflag:s3] =	ssyncadd.s32 $0xFFFFE000  }
0x89: {  	[spmem:s2] =	stream.indirect.scatter.add.f32 [tilespmem:s20], [sflag:$0x7], $0x40, s26, s16, $0xb8;
	[tilespmem:$0x17000] =	vst v63  }
0x8a: {  	_ =	swait.ge [sflag:s21], $0x2000  }
0x8b: {  	[sflag:s21] =	ssyncset.done $0x0  }
0x8c: {  	s31 =	simm.s32 $0x900;
	[sflag:s21] =	ssyncadd.s32 $0xFFFFE000  }
0x8d: {  	[tilespmem:s20], [sflag:$0x3] =	stream.indirect.gather [hbm4b:s4+s16], $0x40, s31, s16, $0xb8;
	[tilespmem:$0x17000] =	vst v63  }
0x8e: {  	_ =	swait.ge [sflag:s29], $0x2000  }
0x8f: {  	[sflag:s29] =	ssyncset.done $0x0  }
0x90: {  	s26 =	simm.s32 $0x2F80;
	[sflag:s29] =	ssyncadd.s32 $0xFFFFE000  }
0x91: {  	[spmem:s2] =	stream.indirect.scatter.add.f32 [tilespmem:s22], [sflag:$0x8], $0x40, s26, s16, $0xb8;
	[tilespmem:$0x17000] =	vst v63  }
0x92: {  	_ =	swait.ge [sflag:s0], $0x2000  }
0x93: {  	[sflag:s0] =	ssyncset.done $0x0  }
0x94: {  	s31 =	simm.s32 $0x980;
	[sflag:s0] =	ssyncadd.s32 $0xFFFFE000  }
0x95: {  	[tilespmem:s22], [sflag:$0x4] =	stream.indirect.gather [hbm4b:s4+s16], $0x40, s31, s16, $0xb8;
	[tilespmem:$0x17000] =	vst v63  }
0x96: {  	_ =	swait.ge [sflag:s24], $0x2000  }
0x97: {  	[sflag:s24] =	ssyncset.done $0x0  }
0x98: {  	s26 =	simm.s32 $0x3000;
	[sflag:s24] =	ssyncadd.s32 $0xFFFFE000  }
0x99: {  	[spmem:s2] =	stream.indirect.scatter.add.f32 [tilespmem:s17], [sflag:$0x5], $0x40, s26, s16, $0xb8;
	[tilespmem:$0x17000] =	vst v63  }
0x9a: {  	_ =	swait.ge [sflag:s30], $0x2000  }
0x9b: {  	[sflag:s30] =	ssyncset.done $0x0  }
0x9c: {  	s31 =	simm.s32 $0x3080;
	[sflag:s30] =	ssyncadd.s32 $0xFFFFE000  }
0x9d: {  	[spmem:s2] =	stream.indirect.scatter.add.f32 [tilespmem:s18], [sflag:$0x6], $0x40, s31, s16, $0xb8;
	[tilespmem:$0x17000] =	vst v63  }
0x9e: {  	_ =	swait.ge [sflag:s3], $0x2000  }
0x9f: {  	[sflag:s3] =	ssyncset.done $0x0  }
0xa0: {  	s26 =	simm.s32 $0x3100;
	[sflag:s3] =	ssyncadd.s32 $0xFFFFE000  }
0xa1: {  	[spmem:s2] =	stream.indirect.scatter.add.f32 [tilespmem:s20], [sflag:$0x7], $0x40, s26, s16, $0xb8;
	[tilespmem:$0x17000] =	vst v63  }
0xa2: {  	_ =	swait.ge [sflag:s29], $0x2000  }
0xa3: {  	[sflag:s29] =	ssyncset.done $0x0  }
0xa4: {  	s31 =	simm.s32 $0x3180;
	[sflag:s29] =	ssyncadd.s32 $0xFFFFE000  }
0xa5: {  	[spmem:s2] =	stream.indirect.scatter.add.f32 [tilespmem:s22], [sflag:$0x8], $0x40, s31, s16, $0xb8;
	[tilespmem:$0x17000] =	vst v63  }
.LBB2_5:
0xa6: {  	_ =	swait.ge [sflag:s28], $0x2000  }
0xa7: {  	[sflag:s28] =	ssyncset.done $0x0  }
0xa8: {  	[sflag:s28] =	ssyncadd.s32 $0xFFFFE000  }
0xa9: {  	_ =	swait.ge [sflag:s1], $0x2000  }
0xaa: {  	[sflag:s1] =	ssyncset.done $0x0  }
0xab: {  	[sflag:s1] =	ssyncadd.s32 $0xFFFFE000  }
0xac: {  	_ =	swait.ge [sflag:s21], $0x2000  }
0xad: {  	[sflag:s21] =	ssyncset.done $0x0  }
0xae: {  	[sflag:s21] =	ssyncadd.s32 $0xFFFFE000  }
0xaf: {  	_ =	swait.ge [sflag:s0], $0x2000  }
0xb0: {  	s19 =	sadd.s32 $0x1, s19;
	[sflag:s0] =	ssyncset.done $0x0  }
0xb1: {  	p2 =	sne.s32 s19, s11;
	[sflag:s0] =	ssyncadd.s32 $0xFFFFE000  }
.Ltmp1:
0xb2: {  	[bflag:$0x0] =	sbarrier.arrive $0xFFFF;
	(pc) =	sbr.rel @!p2 .LBB2_6-.Ltmp1, $4  }
0xb3: {  	[hbm:s23], [sflag:s12] =	dma.local [spmem:s25], $0x1400  }
0xb4: {  	_ =	swait.ge [sflag:s14], $0x1400  }
0xb5: {  	[sflag:s14] =	ssyncset.done $0x0  }
0xb6: {  	[sflag:s14] =	ssyncadd.s32 $0xFFFFEC00  }
.LBB2_1:
0xb7: {  	s26 =	simm.s32 @p0 $0x0;
	s31 =	simm.s32 @p0 $0x9  }
0xb8: {  	[tilespmem:s26], [sflag:$0x9] =	stream.linear.gather @p0 [hbm4b:s7+s26], $0xA00, $0x38;
	[tilespmem:$0x17000] =	vst v63  }
0xb9: {  	_ =	swait.ge @p0 [sflag:s31], $0xA00  }
0xba: {  	[sflag:s31] =	ssyncset.done @p0 $0x0  }
0xbb: {  	s5 =	simm.s32 @p0 $0x2800;
	[sflag:s31] =	ssyncadd.s32 @p0 $0xFFFFF600  }
0xbc: {  	[tilespmem:s5], [sflag:$0x9] =	stream.linear.gather @p0 [hbm4b:s8+s26], $0xA00, $0x38;
	[tilespmem:$0x17000] =	vst v63  }
0xbd: {  	_ =	swait.ge @p0 [sflag:s31], $0xA00  }
0xbe: {  	[sflag:s31] =	ssyncset.done @p0 $0x0  }
0xbf: {  	s5 =	simm.s32 @!p0 $0x0;
	s26 =	rddreg [dreg:$0x3];
	[sflag:s31] =	ssyncadd.s32 @p0 $0xFFFFF600  }
0xc0: {  	[tilespmem:s5], [sflag:$0x9] =	stream.linear.gather @!p0 [hbm4b:s26+s5], $0x2800, $0x38;
	[tilespmem:$0x17000] =	vst v63  }
0xc1: {  	s26 =	simm.s32 @!p0 $0x9  }
0xc2: {  	_ =	swait.ge @!p0 [sflag:s26], $0x2800  }
0xc3: {  	[sflag:s26] =	ssyncset.done @!p0 $0x0  }
0xc4: {  	s31 =	simm.s32 @!p0 $0x2800;
	[sflag:s26] =	ssyncadd.s32 @!p0 $0xFFFFD800  }
0xc5: {  	[tilespmem:s31], [sflag:$0x9] =	stream.linear.gather @!p0 [hbm4b:s6+s5], $0x2800, $0x38;
	[tilespmem:$0x17000] =	vst v63  }
0xc6: {  	_ =	swait.ge @!p0 [sflag:s26], $0x2800  }
0xc7: {  	[sflag:s26] =	ssyncset.done @!p0 $0x0  }
0xc8: {  	[sflag:s26] =	ssyncadd.s32 @!p0 $0xFFFFD800  }
0xc9: {  	[spmem:s13], [sflag:s12] =	dma.local [hbm:s9], $0x1308  }
0xca: {  	_ =	swait.ge [sflag:s14], $0x1308  }
0xcb: {  	[sflag:s14] =	ssyncset.done $0x0  }
0xcc: {  	s5 =	simm.s32 @!p1 $0x9;
	[sflag:s14] =	ssyncadd.s32 $0xFFFFECF8  }
0xcd: {  	[spmem:s15], [sflag:s12] =	dma.local @!p1 [hbm:s10], $0x800  }
0xce: {  	_ =	swait.ge @!p1 [sflag:s5], $0x800  }
0xcf: {  	[sflag:s5] =	ssyncset.done @!p1 $0x0  }
0xd0: {  	[sflag:s5] =	ssyncadd.s32 @!p1 $0xFFFFF800  }
0xd1: {  	s26 =	simm.s32 $0x0;
	[bflag:$0x0] =	sbarrier.arrive $0xFFFF  }
0xd2: {  	[tilespmem:s17], [sflag:$0x1] =	stream.indirect.gather [hbm4b:s4+s16], $0x40, s26, s16, $0xb8;
	[tilespmem:$0x17000] =	vst v63  }
.Ltmp2:
0xd3: {  	_ = 	snop;
	(pc) =	sbr.rel @p0 .LBB2_7-.Ltmp2, $4  }
0xd4: {  	_ = 	snop  }
0xd5: {  	[tilespmem:s18], [sflag:$0x2] =	stream.indirect.gather [hbm4b:s4+s16], $0x40, s16, s16, $0xb8;
	[tilespmem:$0x17000] =	vst v63  }
0xd6: {  	s31 =	simm.s32 $0x100;
	s5 =	simm.s32 $0x180  }
0xd7: {  	[tilespmem:s20], [sflag:$0x3] =	stream.indirect.gather [hbm4b:s4+s16], $0x40, s31, s16, $0xb8;
	[tilespmem:$0x17000] =	vst v63  }
0xd8: {  	[tilespmem:s22], [sflag:$0x4] =	stream.indirect.gather [hbm4b:s4+s16], $0x40, s5, s16, $0xb8;
	[tilespmem:$0x17000] =	vst v63  }
0xd9: {  	_ =	swait.ge [sflag:s24], $0x2000  }
0xda: {  	[sflag:s24] =	ssyncset.done $0x0  }
0xdb: {  	s26 =	simm.s32 $0x2800;
	[sflag:s24] =	ssyncadd.s32 $0xFFFFE000  }
0xdc: {  	[spmem:s2] =	stream.indirect.scatter.add.f32 [tilespmem:s17], [sflag:$0x5], $0x40, s26, s16, $0xb8;
	[tilespmem:$0x17000] =	vst v63  }
0xdd: {  	_ =	swait.ge [sflag:s28], $0x2000  }
0xde: {  	[sflag:s28] =	ssyncset.done $0x0  }
0xdf: {  	s26 =	simm.s32 $0x200;
	[sflag:s28] =	ssyncadd.s32 $0xFFFFE000  }
0xe0: {  	[tilespmem:s17], [sflag:$0x1] =	stream.indirect.gather [hbm4b:s4+s16], $0x40, s26, s16, $0xb8;
	[tilespmem:$0x17000] =	vst v63  }
0xe1: {  	_ =	swait.ge [sflag:s30], $0x2000  }
0xe2: {  	[sflag:s30] =	ssyncset.done $0x0  }
0xe3: {  	s26 =	simm.s32 $0x2880;
	[sflag:s30] =	ssyncadd.s32 $0xFFFFE000  }
0xe4: {  	[spmem:s2] =	stream.indirect.scatter.add.f32 [tilespmem:s18], [sflag:$0x6], $0x40, s26, s16, $0xb8;
	[tilespmem:$0x17000] =	vst v63  }
0xe5: {  	_ =	swait.ge [sflag:s1], $0x2000  }
0xe6: {  	[sflag:s1] =	ssyncset.done $0x0  }
0xe7: {  	s26 =	simm.s32 $0x280;
	[sflag:s1] =	ssyncadd.s32 $0xFFFFE000  }
0xe8: {  	[tilespmem:s18], [sflag:$0x2] =	stream.indirect.gather [hbm4b:s4+s16], $0x40, s26, s16, $0xb8;
	[tilespmem:$0x17000] =	vst v63  }
0xe9: {  	_ =	swait.ge [sflag:s3], $0x2000  }
0xea: {  	[sflag:s3] =	ssyncset.done $0x0  }
0xeb: {  	s26 =	simm.s32 $0x2900;
	[sflag:s3] =	ssyncadd.s32 $0xFFFFE000  }
0xec: {  	[spmem:s2] =	stream.indirect.scatter.add.f32 [tilespmem:s20], [sflag:$0x7], $0x40, s26, s16, $0xb8;
	[tilespmem:$0x17000] =	vst v63  }
0xed: {  	_ =	swait.ge [sflag:s21], $0x2000  }
0xee: {  	[sflag:s21] =	ssyncset.done $0x0  }
0xef: {  	s26 =	simm.s32 $0x300;
	[sflag:s21] =	ssyncadd.s32 $0xFFFFE000  }
0xf0: {  	[tilespmem:s20], [sflag:$0x3] =	stream.indirect.gather [hbm4b:s4+s16], $0x40, s26, s16, $0xb8;
	[tilespmem:$0x17000] =	vst v63  }
0xf1: {  	_ =	swait.ge [sflag:s29], $0x2000  }
0xf2: {  	[sflag:s29] =	ssyncset.done $0x0  }
0xf3: {  	s26 =	simm.s32 $0x2980;
	[sflag:s29] =	ssyncadd.s32 $0xFFFFE000  }
0xf4: {  	[spmem:s2] =	stream.indirect.scatter.add.f32 [tilespmem:s22], [sflag:$0x8], $0x40, s26, s16, $0xb8;
	[tilespmem:$0x17000] =	vst v63  }
0xf5: {  	_ =	swait.ge [sflag:s0], $0x2000  }
0xf6: {  	[sflag:s0] =	ssyncset.done $0x0  }
0xf7: {  	s26 =	simm.s32 $0x380;
	[sflag:s0] =	ssyncadd.s32 $0xFFFFE000  }
0xf8: {  	[tilespmem:s22], [sflag:$0x4] =	stream.indirect.gather [hbm4b:s4+s16], $0x40, s26, s16, $0xb8;
	[tilespmem:$0x17000] =	vst v63  }
0xf9: {  	_ =	swait.ge [sflag:s24], $0x2000  }
0xfa: {  	[sflag:s24] =	ssyncset.done $0x0  }
0xfb: {  	s26 =	simm.s32 $0x2A00;
	[sflag:s24] =	ssyncadd.s32 $0xFFFFE000  }
0xfc: {  	[spmem:s2] =	stream.indirect.scatter.add.f32 [tilespmem:s17], [sflag:$0x5], $0x40, s26, s16, $0xb8;
	[tilespmem:$0x17000] =	vst v63  }
0xfd: {  	_ =	swait.ge [sflag:s28], $0x2000  }
0xfe: {  	[sflag:s28] =	ssyncset.done $0x0  }
0xff: {  	s26 =	simm.s32 $0x400;
	[sflag:s28] =	ssyncadd.s32 $0xFFFFE000  }
0x100: {  	[tilespmem:s17], [sflag:$0x1] =	stream.indirect.gather [hbm4b:s4+s16], $0x40, s26, s16, $0xb8;
	[tilespmem:$0x17000] =	vst v63  }
0x101: {  	_ =	swait.ge [sflag:s30], $0x2000  }
0x102: {  	[sflag:s30] =	ssyncset.done $0x0  }
0x103: {  	s26 =	simm.s32 $0x2A80;
	[sflag:s30] =	ssyncadd.s32 $0xFFFFE000  }
0x104: {  	[spmem:s2] =	stream.indirect.scatter.add.f32 [tilespmem:s18], [sflag:$0x6], $0x40, s26, s16, $0xb8;
	[tilespmem:$0x17000] =	vst v63  }
0x105: {  	_ =	swait.ge [sflag:s1], $0x2000  }
0x106: {  	[sflag:s1] =	ssyncset.done $0x0  }
0x107: {  	s26 =	simm.s32 $0x480;
	[sflag:s1] =	ssyncadd.s32 $0xFFFFE000  }
0x108: {  	[tilespmem:s18], [sflag:$0x2] =	stream.indirect.gather [hbm4b:s4+s16], $0x40, s26, s16, $0xb8;
	[tilespmem:$0x17000] =	vst v63  }
0x109: {  	_ =	swait.ge [sflag:s3], $0x2000  }
0x10a: {  	[sflag:s3] =	ssyncset.done $0x0  }
0x10b: {  	s26 =	simm.s32 $0x2B00;
	[sflag:s3] =	ssyncadd.s32 $0xFFFFE000  }
0x10c: {  	[spmem:s2] =	stream.indirect.scatter.add.f32 [tilespmem:s20], [sflag:$0x7], $0x40, s26, s16, $0xb8;
	[tilespmem:$0x17000] =	vst v63  }
0x10d: {  	_ =	swait.ge [sflag:s21], $0x2000  }
0x10e: {  	[sflag:s21] =	ssyncset.done $0x0  }
0x10f: {  	s26 =	simm.s32 $0x500;
	[sflag:s21] =	ssyncadd.s32 $0xFFFFE000  }
0x110: {  	[tilespmem:s20], [sflag:$0x3] =	stream.indirect.gather [hbm4b:s4+s16], $0x40, s26, s16, $0xb8;
	[tilespmem:$0x17000] =	vst v63  }
0x111: {  	_ =	swait.ge [sflag:s29], $0x2000  }
0x112: {  	[sflag:s29] =	ssyncset.done $0x0  }
0x113: {  	s31 =	simm.s32 $0x2B80;
	s26 =	simm.s32 $0x800;
	[sflag:s29] =	ssyncadd.s32 $0xFFFFE000  }
.LBB2_3:
0x114: {  	[spmem:s2] =	stream.indirect.scatter.add.f32 [tilespmem:s22], [sflag:$0x8], $0x40, s31, s16, $0xb8;
	[tilespmem:$0x17000] =	vst v63  }
0x115: {  	s5 =	smov.u32 s26  }
0x116: {  	p2 =	seq.s32 s26, $0x8800;
	s26 =	sadd.s32 $0x800, s26;
	_ =	swait.ge [sflag:s0], $0x2000  }
0x117: {  	s31 =	sshra.s32 s5, $0x2;
	[sflag:s0] =	ssyncset.done $0x0  }
0x118: {  	s5 =	sadd.s32 $0x380, s31;
	[sflag:s0] =	ssyncadd.s32 $0xFFFFE000  }
0x119: {  	[tilespmem:s22], [sflag:$0x4] =	stream.indirect.gather [hbm4b:s4+s16], $0x40, s5, s16, $0xb8;
	[tilespmem:$0x17000] =	vst v63  }
0x11a: {  	_ =	swait.ge [sflag:s24], $0x2000  }
0x11b: {  	[sflag:s24] =	ssyncset.done $0x0  }
0x11c: {  	s5 =	sadd.s32 $0x2A00, s31;
	[sflag:s24] =	ssyncadd.s32 $0xFFFFE000  }
0x11d: {  	[spmem:s2] =	stream.indirect.scatter.add.f32 [tilespmem:s17], [sflag:$0x5], $0x40, s5, s16, $0xb8;
	[tilespmem:$0x17000] =	vst v63  }
0x11e: {  	_ =	swait.ge [sflag:s28], $0x2000  }
0x11f: {  	[sflag:s28] =	ssyncset.done $0x0  }
0x120: {  	s5 =	sadd.s32 $0x400, s31;
	[sflag:s28] =	ssyncadd.s32 $0xFFFFE000  }
0x121: {  	[tilespmem:s17], [sflag:$0x1] =	stream.indirect.gather [hbm4b:s4+s16], $0x40, s5, s16, $0xb8;
	[tilespmem:$0x17000] =	vst v63  }
0x122: {  	_ =	swait.ge [sflag:s30], $0x2000  }
0x123: {  	[sflag:s30] =	ssyncset.done $0x0  }
0x124: {  	s5 =	sadd.s32 $0x2A80, s31;
	[sflag:s30] =	ssyncadd.s32 $0xFFFFE000  }
0x125: {  	[spmem:s2] =	stream.indirect.scatter.add.f32 [tilespmem:s18], [sflag:$0x6], $0x40, s5, s16, $0xb8;
	[tilespmem:$0x17000] =	vst v63  }
0x126: {  	_ =	swait.ge [sflag:s1], $0x2000  }
0x127: {  	[sflag:s1] =	ssyncset.done $0x0  }
0x128: {  	s5 =	sadd.s32 $0x480, s31;
	[sflag:s1] =	ssyncadd.s32 $0xFFFFE000  }
0x129: {  	[tilespmem:s18], [sflag:$0x2] =	stream.indirect.gather [hbm4b:s4+s16], $0x40, s5, s16, $0xb8;
	[tilespmem:$0x17000] =	vst v63  }
0x12a: {  	_ =	swait.ge [sflag:s3], $0x2000  }
0x12b: {  	[sflag:s3] =	ssyncset.done $0x0  }
0x12c: {  	s5 =	sadd.s32 $0x2B00, s31;
	[sflag:s3] =	ssyncadd.s32 $0xFFFFE000  }
0x12d: {  	[spmem:s2] =	stream.indirect.scatter.add.f32 [tilespmem:s20], [sflag:$0x7], $0x40, s5, s16, $0xb8;
	[tilespmem:$0x17000] =	vst v63  }
0x12e: {  	_ =	swait.ge [sflag:s21], $0x2000  }
0x12f: {  	[sflag:s21] =	ssyncset.done $0x0  }
.Ltmp3:
0x130: {  	s5 =	sadd.s32 $0x500, s31;
	[sflag:s21] =	ssyncadd.s32 $0xFFFFE000;
	(pc) =	sbr.rel @!p2 .LBB2_3-.Ltmp3, $4  }
0x131: {  	[tilespmem:s20], [sflag:$0x3] =	stream.indirect.gather [hbm4b:s4+s16], $0x40, s5, s16, $0xb8;
	[tilespmem:$0x17000] =	vst v63  }
0x132: {  	_ =	swait.ge [sflag:s29], $0x2000  }
0x133: {  	[sflag:s29] =	ssyncset.done $0x0  }
0x134: {  	s31 =	sadd.s32 $0x2B80, s31;
	[sflag:s29] =	ssyncadd.s32 $0xFFFFE000  }
0x135: {  	[spmem:s2] =	stream.indirect.scatter.add.f32 [tilespmem:s22], [sflag:$0x8], $0x40, s31, s16, $0xb8;
	[tilespmem:$0x17000] =	vst v63  }
0x136: {  	_ =	swait.ge [sflag:s0], $0x2000  }
0x137: {  	[sflag:s0] =	ssyncset.done $0x0  }
0x138: {  	s5 =	simm.s32 $0x2780;
	[sflag:s0] =	ssyncadd.s32 $0xFFFFE000  }
0x139: {  	[tilespmem:s22], [sflag:$0x4] =	stream.indirect.gather [hbm4b:s4+s16], $0x40, s5, s16, $0xb8;
	[tilespmem:$0x17000] =	vst v63  }
0x13a: {  	_ =	swait.ge [sflag:s24], $0x2000  }
0x13b: {  	[sflag:s24] =	ssyncset.done $0x0  }
0x13c: {  	s26 =	simm.s32 $0x4E00;
	[sflag:s24] =	ssyncadd.s32 $0xFFFFE000  }
0x13d: {  	[spmem:s2] =	stream.indirect.scatter.add.f32 [tilespmem:s17], [sflag:$0x5], $0x40, s26, s16, $0xb8;
	[tilespmem:$0x17000] =	vst v63  }
0x13e: {  	_ =	swait.ge [sflag:s30], $0x2000  }
0x13f: {  	[sflag:s30] =	ssyncset.done $0x0  }
0x140: {  	s31 =	simm.s32 $0x4E80;
	[sflag:s30] =	ssyncadd.s32 $0xFFFFE000  }
0x141: {  	[spmem:s2] =	stream.indirect.scatter.add.f32 [tilespmem:s18], [sflag:$0x6], $0x40, s31, s16, $0xb8;
	[tilespmem:$0x17000] =	vst v63  }
0x142: {  	_ =	swait.ge [sflag:s3], $0x2000  }
0x143: {  	[sflag:s3] =	ssyncset.done $0x0  }
0x144: {  	s26 =	simm.s32 $0x4F00;
	[sflag:s3] =	ssyncadd.s32 $0xFFFFE000  }
0x145: {  	[spmem:s2] =	stream.indirect.scatter.add.f32 [tilespmem:s20], [sflag:$0x7], $0x40, s26, s16, $0xb8;
	[tilespmem:$0x17000] =	vst v63  }
.Ltmp4:
0x146: {  	_ = 	snop;
	(pc) =	sbr.rel .LBB2_5-.Ltmp4, $4  }
0x147: {  	_ =	swait.ge [sflag:s29], $0x2000  }
0x148: {  	[sflag:s29] =	ssyncset.done $0x0  }
0x149: {  	s31 =	simm.s32 $0x4F80;
	[sflag:s29] =	ssyncadd.s32 $0xFFFFE000  }
0x14a: {  	[spmem:s2] =	stream.indirect.scatter.add.f32 [tilespmem:s22], [sflag:$0x8], $0x40, s31, s16, $0xb8;
	[tilespmem:$0x17000] =	vst v63  }
.LBB2_6:
0x14b: {  	_ =	sfence.sel $0x180000  }
0x14c: {  	[bflag:$0x0] =	sbarrier.arrive $0xFFFF  }
0x14d: {  	_ =	strace $0x9000004D  }
0x14e: {  	s0 =	stileid.u32;
	[bflag:$0x2] =	sbarrier.arrive $0xFFFF  }
0x14f: {  	p0 =	sne.s32 s0, $0x0;
	s0 =	rddreg [dreg:$0x2]  }
0x150: {  	s0 =	sadd.s32 @!p0 $0x100000, s0  }
0x151: {  	[sflag:s0] =	ssyncadd.tile.s32 @!p0 $0x1;
	_ =	shalt  }
.Lfunc_end2:
_tile_overlayer_lowered:
.L_overlay_start_2:
0x152: {  	(tag) =	ssettag $0x2  }
0x153: {  	s0 =	rddreg [dreg:$0x0];
	s2 =	stileid.u32  }
0x154: {  	s1 =	rddreg [dreg:$0x1];
	p0 =	sne.s32 s2, $0x0  }
0x155: {  	s3 =	rddreg [dreg:$0x2];
	[bflag:$0x3] =	sbarrier.arrive $0xFFFF;
	s2 =	simm.s32 @!p0 $0x1C09  }
0x156: {  	[timem:s3], [sflag:s2] =	dma.local @!p0 [hbm:s0], s1  }
0x157: {  	s0 =	simm.s32 @!p0 $0x9  }
0x158: {  	_ =	swait.ge @!p0 [sflag:s0], s1  }
0x159: {  	s1 =	ssub.s32 @!p0 $0x0, s1;
	[sflag:s0] =	ssyncset.done @!p0 $0x0  }
0x15a: {  	[sflag:s0] =	ssyncadd.s32 @!p0 s1  }
0x15b: {  	[bflag:$0x3] =	sbarrier.arrive $0xFFFF  }
0x15c: {  	_ =	shalt  }

// kernel: kernel.8.cloned.1.call-start
scs
__scs_entry_jumppad:
0x0: {  	(pc) =	sbr.rel $0x88, $3  }
0x1: {  	(tag) =	ssettag $0x0;
	lr =	simm.s32 $0x1  }
0x2: {  	[smem:$0x3F99] =	sst lr;
	_ =	strace $0xD0000000  }
0x3: {  	_ = 	snop  }
0x4: {  	_ = 	snop  }
0x5: {  	_ = 	snop  }
0x6: {  	_ = 	snop  }
0x7: {  	_ = 	snop  }
__scs_overlays_trampoline_lowered:
0x8: {  	[smem:$0x3FA8] =	sst s0  }
0x9: {  	[smem:$0x3FA9] =	sst s1  }
0xa: {  	[smem:$0x3FAA] =	sst s2  }
0xb: {  	[smem:$0x3FAB] =	sst s3  }
0xc: {  	[smem:$0x3FAC] =	sst s4  }
0xd: {  	[smem:$0x3FAD] =	sst s5  }
0xe: {  	[smem:$0x3FAE] =	sst s6  }
0xf: {  	[smem:$0x3FAF] =	sst s7  }
0x10: {  	[smem:$0x3FB0] =	sst s8  }
0x11: {  	[smem:$0x3FB1] =	sst s9;
	s0 =	simm.s32 @!p0 $0x0  }
0x12: {  	s1 =	sld [smem:$0x3F97];
	s0 =	simm.s32 @p0 $0x1  }
0x13: {  	[smem:$0x3FB2] =	sst s0;
	s0 =	simm.s32 @!p1 $0x0  }
0x14: {  	s2 =	sld [smem:$0x3F96];
	s0 =	simm.s32 @p1 $0x1  }
0x15: {  	[smem:$0x3FB3] =	sst s0;
	s0 =	simm.s32 @!p2 $0x0  }
0x16: {  	s3 =	sld [smem:$0x3FDB];
	s0 =	simm.s32 @p2 $0x1  }
0x17: {  	s4 =	simm.s32 $0x1BF5;
	[smem:$0x3FB5] =	sst s0  }
0x18: {  	s0 =	sld [smem:$0x3F98];
	_ =	swait.ge [sflag:s4], $0x0  }
0x19: {  	s7 =	sld [smem:$0x3F99]  }
0x1a: {  	s8 =	sadd.s32 $0xFFFFE003, lr  }
0x1b: {  	s9 =	sadd.s32 $0xFFFFFEF7, lr;
	s5 =	simm.s32 $0xFFFFFFFF;
	p2 =	slt.u32 s8, $0xFFFFF086  }
0x1c: {  	p1 =	slt.u32 s9, $0xF7A;
	s5 =	simm.s32 @!p2 $0x0  }
0x1d: {  	s5 =	simm.s32 @p1 $0x1;
	p0 =	seq.s32 s7, s2  }
0x1e: {  	s7 =	smul.u32 @!p0 $0xF7A, s2;
	p2 =	seq.s32 @!p0 s5, $0x0  }
0x1f: {  	s9 =	smul.u32 $0xF7A, s1;
	s8 =	simm.s32 @!p0 $0x1BF5;
	p2 =	por !p2, p0  }
0x20: {  	[sflag:s8] =	ssyncset.s32 @!p0 $0xFFFFF086;
	s6 =	sadd.s32 @!p0 s3, s7;
	s7 =	simm.s32 @!p0 $0x108  }
0x21: {  	s3 =	sadd.s32 s3, s9;
	s6 =	sadd.s32 @!p0 $0x88, s6;
	s7 =	simm.s32 @p2 $0x1082  }
0x22: {  	[simem:s7], [sflag:s8] =	dma.local @!p0 [hbm:s6], $0xF7A  }
0x23: {  	s9 =	sor.u32 $0xD0000000, s2;
	s6 =	simm.s32 $0x108;
	_ =	swait.ge @!p0 [sflag:s8], $0x0  }
0x24: {  	s3 =	sadd.s32 $0x88, s3;
	s6 =	simm.s32 @!p1 $0x1082;
	[sflag:s4] =	ssyncset.s32 $0xFFFFF086  }
0x25: {  	[simem:s6], [sflag:s4] =	dma.local [hbm:s3], $0xF7A  }
0x26: {  	[smem:$0x3F99] =	sst s1;
	(tag) =	ssettag s2;
	_ =	strace s9  }
0x27: {  	s1 =	sld [smem:$0x3FA9]  }
0x28: {  	s2 =	sld [smem:$0x3FAA]  }
0x29: {  	s4 =	sld [smem:$0x3FAC]  }
0x2a: {  	p0 =	seq.s32 s5, $0x0;
	s5 =	sld [smem:$0x3FAD]  }
0x2b: {  	s6 =	sld [smem:$0x3FAE]  }
0x2c: {  	s7 =	sld [smem:$0x3FAF]  }
0x2d: {  	s3 =	simm.s32 $0x108;
	s8 =	sld [smem:$0x3FB0]  }
0x2e: {  	s3 =	simm.s32 @!p0 $0x1082;
	s9 =	sld [smem:$0x3FB1]  }
0x2f: {  	lr =	sadd.s32 s0, s3;
	s0 =	sld [smem:$0x3FA8]  }
0x30: {  	s3 =	sld [smem:$0x3FAB]  }
0x31: {  	[smem:$0x3FB4] =	sst s10  }
0x32: {  	s10 =	sld [smem:$0x3FB2];
	_ =	sdelay $0x3  }
0x33: {  	p0 =	seq.s32 s10, $0x1;
	s10 =	sld [smem:$0x3FB4];
	_ =	sdelay $0x3  }
0x34: {  	[smem:$0x3FB4] =	sst s10  }
0x35: {  	s10 =	sld [smem:$0x3FB3];
	_ =	sdelay $0x3  }
0x36: {  	p1 =	seq.s32 s10, $0x1;
	s10 =	sld [smem:$0x3FB4];
	_ =	sdelay $0x3  }
0x37: {  	[smem:$0x3FB4] =	sst s10  }
0x38: {  	s10 =	sld [smem:$0x3FB5]  }
0x39: {  	_ = 	snop;
	(pc) =	sbr.ind lr, $3  }
0x3a: {  	_ = 	snop  }
0x3b: {  	_ = 	snop  }
0x3c: {  	p2 =	seq.s32 s10, $0x1;
	s10 =	sld [smem:$0x3FB4]  }
0x3d: {  	_ =	shalt  }
0x3e: {  	_ =	shalt  }
0x3f: {  	_ =	shalt  }
0x40: {  	_ =	shalt  }
0x41: {  	_ =	shalt  }
0x42: {  	_ =	shalt  }
0x43: {  	_ =	shalt  }
0x44: {  	_ =	shalt  }
0x45: {  	_ =	shalt  }
0x46: {  	_ =	shalt  }
0x47: {  	_ =	shalt  }
0x48: {  	_ =	shalt  }
0x49: {  	_ =	shalt  }
0x4a: {  	_ =	shalt  }
0x4b: {  	_ =	shalt  }
0x4c: {  	_ =	shalt  }
0x4d: {  	_ =	shalt  }
0x4e: {  	_ =	shalt  }
0x4f: {  	_ =	shalt  }
0x50: {  	_ =	shalt  }
0x51: {  	_ =	shalt  }
0x52: {  	_ =	shalt  }
0x53: {  	_ =	shalt  }
0x54: {  	_ =	shalt  }
0x55: {  	_ =	shalt  }
0x56: {  	_ =	shalt  }
0x57: {  	_ =	shalt  }
0x58: {  	_ =	shalt  }
0x59: {  	_ =	shalt  }
0x5a: {  	_ =	shalt  }
0x5b: {  	_ =	shalt  }
0x5c: {  	_ =	shalt  }
0x5d: {  	_ =	shalt  }
0x5e: {  	_ =	shalt  }
0x5f: {  	_ =	shalt  }
0x60: {  	_ =	shalt  }
0x61: {  	_ =	shalt  }
0x62: {  	_ =	shalt  }
0x63: {  	_ =	shalt  }
0x64: {  	_ =	shalt  }
0x65: {  	_ =	shalt  }
0x66: {  	_ =	shalt  }
0x67: {  	_ =	shalt  }
0x68: {  	_ =	shalt  }
0x69: {  	_ =	shalt  }
0x6a: {  	_ =	shalt  }
0x6b: {  	_ =	shalt  }
0x6c: {  	_ =	shalt  }
0x6d: {  	_ =	shalt  }
0x6e: {  	_ =	shalt  }
0x6f: {  	_ =	shalt  }
0x70: {  	_ =	shalt  }
0x71: {  	_ =	shalt  }
0x72: {  	_ =	shalt  }
0x73: {  	_ =	shalt  }
0x74: {  	_ =	shalt  }
0x75: {  	_ =	shalt  }
0x76: {  	_ =	shalt  }
0x77: {  	_ =	shalt  }
0x78: {  	_ =	shalt  }
0x79: {  	_ =	shalt  }
0x7a: {  	_ =	shalt  }
0x7b: {  	_ =	shalt  }
0x7c: {  	_ =	shalt  }
0x7d: {  	_ =	shalt  }
0x7e: {  	_ =	shalt  }
0x7f: {  	_ =	shalt  }
0x80: {  	_ =	shalt  }
0x81: {  	_ =	shalt  }
0x82: {  	_ =	shalt  }
0x83: {  	_ =	shalt  }
0x84: {  	_ =	shalt  }
0x85: {  	_ =	shalt  }
0x86: {  	_ =	shalt  }
0x87: {  	_ =	shalt  }
.Lfunc_end0:
.L_simem_size_0:
called_computation_lowered:
.L_overlay_start_0:
0x88: {  	s2 =	sld [smem:$0x3FD9]  }
0x89: {  	s3 =	sld [smem:$0x3FFE];
	_ =	sdelay $0x1  }
0x8a: {  	s1 =	srdreg.scid  }
0x8b: {  	s0 =	sand.u32 $0x1, s1  }
0x8c: {  	s16 =	sshll.u32 s0, $0xA;
	s2 =	sadd.s32 s3, s2  }
0x8d: {  	s2 =	sadd.s32 s2, s16  }
0x8e: {  	[smem:$0x3FC0] =	sst s2  }
0x8f: {  	_ = 	snop  }
0x90: {  	(tm) =	ssettm $0x1  }
0x91: {  	s17 =	sld [smem:$0x3FFB];
	_ =	sdelay $0x3  }
0x92: {  	_ =	strace s17  }
0x93: {  	s2 =	sld [smem:$0x3FFC];
	_ =	sdelay $0x3  }
0x94: {  	_ =	strace s2  }
0x95: {  	s2 =	sld [smem:$0x3FFD];
	_ =	sdelay $0x3  }
0x96: {  	_ =	strace s2  }
0x97: {  	_ =	strace $0x8FFFFFFF  }
0x98: {  	s18 =	sld [smem:$0x3FDB];
	_ =	sdelay $0x1  }
0x99: {  	s19 =	simm.s32 $_scs_section_size  }
0x9a: {  	s4 =	simm.s32 $_size__tile_overlayer_lowered;
	s5 =	simm.s32 $_tile_overlayer_lowered  }
0x9b: {  	s22 =	simm.s32 $0x1BFF;
	s21 =	sshll.u32 s5, $0x1;
	s2 =	sadd.s32 s19, s18  }
0x9c: {  	s6 =	simm.s32 $0x0;
	s20 =	sshll.u32 s4, $0x1;
	s4 =	sadd.s32 s21, s2  }
0x9d: {  	[timem:s6], [sflag:s22] =	dma.local [hbm:s4], s20  }
0x9e: {  	_ =	swait.ge [sflag:s22], s20  }
0x9f: {  	s3 =	ssub.s32 $0x0, s20;
	[sflag:s22] =	ssyncset.done $0x0  }
0xa0: {  	[sflag:s22] =	ssyncadd.s32 s3;
	_ =	sdelay $0x1  }
0xa1: {  	s23 =	simm.s32 $0x1B8B  }
0xa2: {  	_ =	swait.ge [sflag:s23], $0x1  }
0xa3: {  	[sflag:s23] =	ssyncset.done $0x0  }
0xa4: {  	s25 =	simm.s32 $0x1B8E;
	s24 =	sld [smem:$0x3FFE];
	[sflag:s23] =	ssyncadd.s32 $0xFFFFFFFF  }
0xa5: {  	s26 =	simm.s32 $execute0_lowered;
	[smem:$0x3FD2] =	sst s25  }
0xa6: {  	s4 =	sshll.u32 s26, $0x1;
	_ =	strace $0x80000046;
	[dreg:$0x1] =	wrdreg $0xFFFFFFFF  }
0xa7: {  	s28 =	simm.s32 $_size_execute0_lowered;
	s2 =	sadd.s32 s2, s4;
	[dreg:$0x0] =	wrdreg $0x0  }
0xa8: {  	s4 =	sshll.u32 s28, $0x1;
	[dreg:$0x2] =	wrdreg s2  }
0xa9: {  	[dreg:$0x3] =	wrdreg s4  }
0xaa: {  	[dreg:$0x4] =	wrdreg $0xC0  }
0xab: {  	_ =	task [dreg:s6], $0x5FFFF  }
0xac: {  	[dreg:$0x1] =	wrdreg $0xFFFFFFFF  }
0xad: {  	[dreg:$0x0] =	wrdreg $0x60  }
0xae: {  	[dreg:$0x2] =	wrdreg s24  }
0xaf: {  	[dreg:$0x3] =	wrdreg $0x50000  }
0xb0: {  	[dreg:$0x4] =	wrdreg $0x9  }
0xb1: {  	_ =	task.clear_ibuf [dreg:s6], $0x5FFFF;
	_ =	strace $0x90000046  }
0xb2: {  	s29 =	simm.s32 $0x9;
	_ =	strace $0x80000048  }
0xb3: {  	_ =	swait.ge [sflag:s29], $0x1  }
0xb4: {  	[sflag:s29] =	ssyncadd.s32 $0xFFFFFFFF  }
0xb5: {  	_ =	strace $0x90000048  }
0xb6: {  	_ =	sfence  }
0xb7: {  	s30 =	sld [smem:$0x0];
	_ =	sdelay $0x2  }
0xb8: {  	s31 =	sshll.u32 s1, $0xD;
	s1 =	sshrl.u32 s1, $0x2  }
0xb9: {  	s3 =	sand.u32 $0x4000, s31;
	s1 =	sadd.s32 s1, s30  }
0xba: {  	s0 =	sor.u32 s3, s0;
	s1 =	sshll.u32 s1, $0x11  }
0xbb: {  	s0 =	sor.u32 s1, s0  }
0xbc: {  	s0 =	sadd.s32 $0x8F2B, s0  }
0xbd: {  	[sflag:s0] =	ssyncadd.remote.s32 $0x1  }
0xbe: {  	_ =	sfence.sel $0xFFFF  }
0xbf: {  	[dreg:$0x0] =	wrdreg $0xFFFFFFFF;
	(pc) =	sbr.abs _section_cstart, $3  }
0xc0: {  	[dreg:$0x1] =	wrdreg $0xFFFFFFFF  }
0xc1: {  	_ =	task.clear_ibuf [dreg:s6], $0x2FFFF;
	_ =	strace $0x9FFFFFFF  }
0xc2: {  	(tm) =	ssettm $0x7FFFFFFF  }
0xc3: {  	_ =	shalt  }
tec
execute0_lowered:
.L_overlay_start_1:
0x0: {  	(tag) =	ssettag $0x1  }
0x1: {  	s1 =	srdreg.scid  }
0x2: {  	s0 =	stileid.u32;
	s5 =	rddreg [dreg:$0x0]  }
0x3: {  	s2 =	rddreg [dreg:$0x1];
	s3 =	simm.s32 $0x0;
	s12 =	simm.s32 $0x80  }
0x4: {  	s13 =	simm.s32 $0x100;
	s14 =	simm.s32 $0x180;
	s15 =	simm.s32 $0x1  }
0x5: {  	s16 =	simm.s32 $0x2;
	s17 =	simm.s32 $0x3;
	s4 =	sand.u32 $0x1, s1  }
0x6: {  	s30 =	sshll.u32 s0, $0x1;
	s1 =	rddreg [dreg:$0x2];
	s10 =	smul.u32 $0x2800, s0  }
0x7: {  	[smem:$0x7FF] =	sst s3;
	s6 =	sor.u32 s4, s30;
	s8 =	smul.u32 $0x5000, s4  }
0x8: {  	_ =	strace $0x80000047;
	s4 =	ssub.s32 $0x2, s4;
	s7 =	smul.u32 $0x500, s6  }
0x9: {  	s31 =	sshrl.u32 s4, $0x1;
	p0 =	seq.s32 s6, $0x1F;
	s6 =	sadd.s32 s10, s2  }
0xa: {  	s19 =	sshrl.u32 s10, $0x3;
	s10 =	simm.s32 $0x2800;
	s9 =	sadd.s32 s8, s5  }
0xb: {  	s11 =	ssub.s32 s4, s31;
	s8 =	simm.s32 $0x4;
	s7 =	sadd.s32 s7, s5  }
0xc: {  	s5 =	sadd.s32 $0x14B00, s5;
	s18 =	sadd.s32 $0x14E00, s9;
	s9 =	smax.u32 s11, $0x1  }
0xd: {  	s11 =	simm.s32 $0x5;
	s4 =	sadd.s32 $0xB000, s7;
	s7 =	simm.s32 $0x4  }
0xe: {  	v0 =	vimm.f32 $0.0e+00;
	v1 =	vimm.f32 $1.000000000e+00;
	s18 =	sadd.s32 s19, s18;
	s19 =	simm.s32 $0x0;
	s7 =	simm.s32 @!p0 $0x13  }
.LBB2_1:
0xf: {  	s20 =	simm.s32 @p0 $0x0  }
0x10: {  	[tilespmem:s20], [sflag:$0x5] =	stream.linear.gather @p0 [hbm4b:s5+s20], $0xA00, $0x38;
	[tilespmem:$0x7800] =	vst v63  }
0x11: {  	s20 =	simm.s32 @p0 $0x5  }
0x12: {  	_ =	swait.ge @p0 [sflag:s20], $0xA00  }
0x13: {  	[sflag:s20] =	ssyncset.done @p0 $0x0  }
0x14: {  	[sflag:s20] =	ssyncadd.s32 @p0 $0xFFFFF600;
	s20 =	simm.s32 @!p0 $0x0  }
0x15: {  	[tilespmem:s20], [sflag:$0x5] =	stream.linear.gather @!p0 [hbm4b:s4+s20], $0x2800, $0x38;
	[tilespmem:$0x7800] =	vst v63  }
0x16: {  	s20 =	simm.s32 @!p0 $0x5  }
0x17: {  	_ =	swait.ge @!p0 [sflag:s20], $0x2800  }
0x18: {  	[sflag:s20] =	ssyncset.done @!p0 $0x0  }
0x19: {  	s21 =	simm.s32 $0x0;
	[sflag:s20] =	ssyncadd.s32 @!p0 $0xFFFFD800;
	s20 =	simm.s32 $0x40  }
.LBB2_2:
0x1a: {  	p1 =	sne.s32 s20, $0x9FC0;
	[tilespmem:s21+$0x2800] =	vst v0;
	s21 =	smov.u32 s20;
	s20 =	sadd.s32 $0x40, s20  }
.Ltmp0:
0x1b: {  	(pc) =	sbr.rel @p1 .LBB2_2-.Ltmp0, $2  }
0x1c: {  	_ =	sdelay $0x2  }
0x1d: {  	s21 =	sshra.s32 s21, $0x2  }
0x1e: {  	[tilespmem:s21+$0x2800] =	vst v0  }
0x1f: {  	[spmem:s6] =	stream.linear.scatter [tilespmem:s10], [sflag:$0x5], $0x2800, $0x38;
	[tilespmem:$0x7800] =	vst v63  }
0x20: {  	_ =	swait.ge [sflag:s11], $0x2800  }
0x21: {  	[sflag:s11] =	ssyncset.done $0x0  }
0x22: {  	s20 =	simm.s32 $0x40;
	s21 =	simm.s32 $0x0;
	[sflag:s11] =	ssyncadd.s32 $0xFFFFD800  }
.LBB2_4:
0x23: {  	p1 =	sne.s32 s20, $0x1FC0;
	[tilespmem:s21+$0x2800] =	vst v1;
	s21 =	smov.u32 s20;
	s20 =	sadd.s32 $0x40, s20  }
.Ltmp1:
0x24: {  	(pc) =	sbr.rel @p1 .LBB2_4-.Ltmp1, $2  }
0x25: {  	_ =	sdelay $0x2  }
0x26: {  	s21 =	sshra.s32 s21, $0x2  }
0x27: {  	[tilespmem:s21+$0x2800] =	vst v1  }
0x28: {  	[bflag:$0x0] =	sbarrier.arrive $0xFFFF  }
0x29: {  	[spmem:s2] =	stream.indirect.scatter.add.f32 [tilespmem:s10], [sflag:$0x1], $0x10, s3, s12, $0xb8;
	[tilespmem:$0x7800] =	vst v63  }
0x2a: {  	_ = 	snop  }
0x2b: {  	[spmem:s2] =	stream.indirect.scatter.add.f32 [tilespmem:s10], [sflag:$0x2], $0x10, s12, s12, $0xb8;
	[tilespmem:$0x7800] =	vst v63  }
0x2c: {  	_ = 	snop  }
0x2d: {  	[spmem:s2] =	stream.indirect.scatter.add.f32 [tilespmem:s10], [sflag:$0x3], $0x10, s13, s12, $0xb8;
	[tilespmem:$0x7800] =	vst v63  }
0x2e: {  	_ = 	snop  }
0x2f: {  	[spmem:s2] =	stream.indirect.scatter.add.f32 [tilespmem:s10], [sflag:$0x4], $0x10, s14, s12, $0xb8;
	[tilespmem:$0x7800] =	vst v63  }
0x30: {  	_ =	swait.ge [sflag:s15], $0x800  }
0x31: {  	[sflag:s15] =	ssyncset.done $0x0  }
0x32: {  	s20 =	simm.s32 $0x200;
	[sflag:s15] =	ssyncadd.s32 $0xFFFFF800  }
0x33: {  	[spmem:s2] =	stream.indirect.scatter.add.f32 [tilespmem:s10], [sflag:$0x1], $0x10, s20, s12, $0xb8;
	[tilespmem:$0x7800] =	vst v63  }
0x34: {  	_ =	swait.ge [sflag:s16], $0x800  }
0x35: {  	[sflag:s16] =	ssyncset.done $0x0  }
0x36: {  	s30 =	simm.s32 $0x280;
	[sflag:s16] =	ssyncadd.s32 $0xFFFFF800  }
0x37: {  	[spmem:s2] =	stream.indirect.scatter.add.f32 [tilespmem:s10], [sflag:$0x2], $0x10, s30, s12, $0xb8;
	[tilespmem:$0x7800] =	vst v63  }
0x38: {  	_ =	swait.ge [sflag:s17], $0x800  }
0x39: {  	p1 =	sne.s32 s7, $0x1;
	[sflag:s17] =	ssyncset.done $0x0  }
.Ltmp2:
0x3a: {  	s31 =	simm.s32 $0x300;
	[sflag:s17] =	ssyncadd.s32 $0xFFFFF800;
	(pc) =	sbr.rel @!p1 .LBB2_7-.Ltmp2, $4  }
0x3b: {  	[spmem:s2] =	stream.indirect.scatter.add.f32 [tilespmem:s10], [sflag:$0x3], $0x10, s31, s12, $0xb8;
	[tilespmem:$0x7800] =	vst v63  }
0x3c: {  	_ =	swait.ge [sflag:s8], $0x800  }
0x3d: {  	s22 =	simm.s32 $0x380;
	[sflag:s8] =	ssyncset.done $0x0  }
0x3e: {  	s21 =	simm.s32 $0x580;
	s20 =	sadd.s32 $0xFFFFFFFF, s7;
	[sflag:s8] =	ssyncadd.s32 $0xFFFFF800  }
.LBB2_6:
0x3f: {  	[spmem:s2] =	stream.indirect.scatter.add.f32 [tilespmem:s10], [sflag:$0x4], $0x10, s22, s12, $0xb8;
	[tilespmem:$0x7800] =	vst v63  }
0x40: {  	p1 =	sne.s32 s20, $0x1;
	s20 =	sadd.s32 $0xFFFFFFFF, s20;
	_ =	swait.ge [sflag:s15], $0x800  }
0x41: {  	s22 =	smov.u32 s21;
	[sflag:s15] =	ssyncset.done $0x0  }
0x42: {  	s23 =	sadd.s32 $0xFFFFFE80, s21;
	[sflag:s15] =	ssyncadd.s32 $0xFFFFF800  }
0x43: {  	[spmem:s2] =	stream.indirect.scatter.add.f32 [tilespmem:s10], [sflag:$0x1], $0x10, s23, s12, $0xb8;
	[tilespmem:$0x7800] =	vst v63  }
0x44: {  	_ =	swait.ge [sflag:s16], $0x800  }
0x45: {  	[sflag:s16] =	ssyncset.done $0x0  }
0x46: {  	s23 =	sadd.s32 $0xFFFFFF00, s21;
	[sflag:s16] =	ssyncadd.s32 $0xFFFFF800  }
0x47: {  	[spmem:s2] =	stream.indirect.scatter.add.f32 [tilespmem:s10], [sflag:$0x2], $0x10, s23, s12, $0xb8;
	[tilespmem:$0x7800] =	vst v63  }
0x48: {  	_ =	swait.ge [sflag:s17], $0x800  }
0x49: {  	[sflag:s17] =	ssyncset.done $0x0  }
.Ltmp3:
0x4a: {  	s23 =	sadd.s32 $0xFFFFFF80, s21;
	[sflag:s17] =	ssyncadd.s32 $0xFFFFF800;
	(pc) =	sbr.rel @p1 .LBB2_6-.Ltmp3, $4  }
0x4b: {  	[spmem:s2] =	stream.indirect.scatter.add.f32 [tilespmem:s10], [sflag:$0x3], $0x10, s23, s12, $0xb8;
	[tilespmem:$0x7800] =	vst v63  }
0x4c: {  	_ =	swait.ge [sflag:s8], $0x800  }
0x4d: {  	[sflag:s8] =	ssyncset.done $0x0  }
0x4e: {  	s21 =	sadd.s32 $0x200, s21;
	[sflag:s8] =	ssyncadd.s32 $0xFFFFF800  }
.LBB2_7:
0x4f: {  	[spmem:s2] =	stream.indirect.scatter.add.f32 [tilespmem:s10], [sflag:$0x4], $0x10, s22, s12, $0xb8;
	[tilespmem:$0x7800] =	vst v63  }
0x50: {  	_ =	swait.ge [sflag:s15], $0x800  }
0x51: {  	[sflag:s15] =	ssyncset.done $0x0  }
0x52: {  	[sflag:s15] =	ssyncadd.s32 $0xFFFFF800  }
0x53: {  	_ =	swait.ge [sflag:s16], $0x800  }
0x54: {  	[sflag:s16] =	ssyncset.done $0x0  }
0x55: {  	[sflag:s16] =	ssyncadd.s32 $0xFFFFF800  }
0x56: {  	_ =	swait.ge [sflag:s17], $0x800  }
0x57: {  	[sflag:s17] =	ssyncset.done $0x0  }
0x58: {  	[sflag:s17] =	ssyncadd.s32 $0xFFFFF800  }
0x59: {  	_ =	swait.ge [sflag:s8], $0x800  }
0x5a: {  	s20 =	sshll.u32 s0, $0x6;
	s19 =	sadd.s32 $0x1, s19;
	[sflag:s8] =	ssyncset.done $0x0  }
0x5b: {  	s21 =	sshrl.u32 s6, $0x3;
	p1 =	sne.s32 s19, s9;
	[sflag:s8] =	ssyncadd.s32 $0xFFFFF800  }
.Ltmp4:
0x5c: {  	s20 =	sor.u32 $0x1C05, s20;
	[bflag:$0x0] =	sbarrier.arrive $0xFFFF;
	(pc) =	sbr.rel @p1 .LBB2_1-.Ltmp4, $4  }
0x5d: {  	[hbm:s18], [sflag:s20] =	dma.local [spmem:s21], $0x500  }
0x5e: {  	_ =	swait.ge [sflag:s11], $0x500  }
0x5f: {  	[sflag:s11] =	ssyncset.done $0x0  }
0x60: {  	[sflag:s11] =	ssyncadd.s32 $0xFFFFFB00  }
0x61: {  	_ =	sfence.sel $0x180000  }
0x62: {  	[bflag:$0x0] =	sbarrier.arrive $0xFFFF  }
0x63: {  	p0 =	sne.s32 s0, $0x0;
	_ =	strace $0x90000047  }
0x64: {  	s0 =	sadd.s32 @!p0 $0x100000, s1;
	[bflag:$0x2] =	sbarrier.arrive $0xFFFF  }
0x65: {  	[sflag:s0] =	ssyncadd.tile.s32 @!p0 $0x1;
	_ =	shalt  }
.Lfunc_end2:
_tile_overlayer_lowered:
.L_overlay_start_2:
0x66: {  	(tag) =	ssettag $0x2  }
0x67: {  	s0 =	rddreg [dreg:$0x0];
	s2 =	stileid.u32  }
0x68: {  	s1 =	rddreg [dreg:$0x1];
	p0 =	sne.s32 s2, $0x0  }
0x69: {  	s3 =	rddreg [dreg:$0x2];
	[bflag:$0x3] =	sbarrier.arrive $0xFFFF;
	s2 =	simm.s32 @!p0 $0x1C05  }
0x6a: {  	[timem:s3], [sflag:s2] =	dma.local @!p0 [hbm:s0], s1  }
0x6b: {  	s0 =	simm.s32 @!p0 $0x5  }
0x6c: {  	_ =	swait.ge @!p0 [sflag:s0], s1  }
0x6d: {  	s1 =	ssub.s32 @!p0 $0x0, s1;
	[sflag:s0] =	ssyncset.done @!p0 $0x0  }
0x6e: {  	[sflag:s0] =	ssyncadd.s32 @!p0 s1  }
0x6f: {  	[bflag:$0x3] =	sbarrier.arrive $0xFFFF  }
0x70: {  	_ =	shalt  }

</sc_bundles>
